<compile_context>
chip_gen: v7x
topology: tpu7x:2x2x1
jax: 0.10.2.dev20260603
libtpu: 0.0.44.dev20260713+nightly
codegen_flags: <defaults>
</compile_context>

<pallas_src>
import functools

import jax
import jax.numpy as jnp
from jax import lax
from jax.experimental import pallas as pl
from jax.experimental.pallas import tpu as pltpu
from jax.experimental.pallas import tpu_sc as plsc

N = 10000
D = 128
K = 32
E = 4

NC = 2
NS = 16
NW = NC * NS
N_PAD = 10240
NPW = N_PAD // NW
CH = 4
CHK = CH * K
NCH = NPW // CH
LANES = 16
NVD = D // LANES


def _sc_compute_g(nodes, idx3, ew):
    mesh = plsc.VectorSubcoreMesh(core_axis_name="c", subcore_axis_name="s")

    @functools.partial(
        pl.kernel,
        mesh=mesh,
        out_type=jax.ShapeDtypeStruct((N_PAD, E * D), jnp.float32),
        scratch_types=[
            pltpu.VMEM((NCH, CHK), jnp.int32),
            pltpu.VMEM((2, CH, K * E), jnp.float32),
            pltpu.VMEM((2, CHK, D), jnp.float32),
            pltpu.VMEM((2, CH, E * D), jnp.float32),
            pltpu.VMEM_SHARED((N_PAD, D), jnp.float32),
            pltpu.SemaphoreType.DMA,
            pltpu.SemaphoreType.DMA,
            pltpu.SemaphoreType.DMA,
            pltpu.SemaphoreType.DMA,
            pltpu.SemaphoreType.DMA,
            pltpu.SemaphoreType.DMA,
            pltpu.SemaphoreType.DMA,
        ],
    )
    def sc_kernel(nodes_hbm, idx_hbm, ew_hbm, g_hbm,
                  idx_v, ew_v, rows_v, gout_v, spm_table,
                  gsem0, gsem1, esem0, esem1, osem0, osem1, psem):
        sid = lax.axis_index("s")
        wid = sid * NC + lax.axis_index("c")
        base = wid * NPW
        gsems = [gsem0, gsem1]
        esems = [esem0, esem1]
        osems = [osem0, osem1]

        TROWS = N_PAD // NS
        pltpu.async_copy(nodes_hbm.at[pl.ds(sid * TROWS, TROWS)],
                         spm_table.at[pl.ds(sid * TROWS, TROWS)], psem)
        pltpu.async_copy(idx_hbm.at[wid], idx_v, gsem0)
        pltpu.make_async_copy(nodes_hbm.at[pl.ds(sid * TROWS, TROWS)],
                              spm_table.at[pl.ds(sid * TROWS, TROWS)],
                              psem).wait()
        pltpu.make_async_copy(idx_hbm.at[wid], idx_v, gsem0).wait()
        plsc.subcore_barrier()

        def fire_gather(c, buf):
            pltpu.async_copy(
                spm_table.at[idx_v.at[c]], rows_v.at[buf], gsems[buf])
            pltpu.async_copy(
                ew_hbm.at[pl.ds(base + c * CH, CH)], ew_v.at[buf],
                esems[buf])

        def wait_gather(c, buf):
            pltpu.make_async_copy(
                spm_table.at[idx_v.at[c]], rows_v.at[buf], gsems[buf]).wait()
            pltpu.make_async_copy(
                ew_hbm.at[pl.ds(base + c * CH, CH)], ew_v.at[buf],
                esems[buf]).wait()

        fire_gather(0, 0)

        @pl.loop(0, NCH, step=2)
        def _(c0):
            for b in range(2):
                c = c0 + b

                @pl.when(c + 1 < NCH)
                def _():
                    fire_gather(c + 1, 1 - b)

                wait_gather(c, b)
                rows = rows_v.at[b]
                ewc = ew_v.at[b]
                gout = gout_v.at[b]

                @pl.when(c >= 2)
                def _():
                    pltpu.make_async_copy(
                        gout_v.at[b], g_hbm.at[pl.ds(base, CH)],
                        osems[b]).wait()

                JG = LANES // E
                HV = NVD // 2

                @pl.loop(0, CH)
                def _(u, _rows=rows, _ew=ewc, _gout=gout, _c=c):
                    for h in range(2):

                        def jbody(jg, accs, _u=u, _r=_rows, _e=_ew, _h=h):
                            ev = _e[_u, pl.ds(jg * LANES, LANES)]
                            out = list(accs)
                            for jj in range(JG):
                                row = _u * K + jg * JG + jj
                                r = [_r[row,
                                        pl.ds(_h * 64 + v * LANES, LANES)]
                                     for v in range(HV)]
                                for n in range(E):
                                    e = ev[jj * E + n]
                                    for v in range(HV):
                                        out[n * HV + v] = (
                                            out[n * HV + v] + e * r[v])
                            return tuple(out)

                        zero = jnp.zeros((LANES,), jnp.float32)
                        accs = lax.fori_loop(0, K // JG, jbody,
                                             (zero,) * (E * HV))
                        for n in range(E):
                            for v in range(HV):
                                col = n * D + h * 64 + v * LANES
                                _gout[u, pl.ds(col, LANES)] = accs[n * HV + v]

                pltpu.async_copy(
                    gout, g_hbm.at[pl.ds(base + c * CH, CH)], osems[b])

        for b in range(2):
            pltpu.make_async_copy(
                gout_v.at[b], g_hbm.at[pl.ds(base, CH)], osems[b]).wait()

    return sc_kernel(nodes, idx3, ew)


def _tc_matmul(g, wt):
    MB = 1024

    def mm_body(g_ref, w_ref, o_ref):
        o_ref[...] = jnp.dot(g_ref[...].astype(jnp.bfloat16),
                             w_ref[...].astype(jnp.bfloat16),
                             preferred_element_type=jnp.float32)

    return pl.pallas_call(
        mm_body,
        grid=(N_PAD // MB,),
        in_specs=[
            pl.BlockSpec((MB, E * D), lambda i: (i, 0)),
            pl.BlockSpec((E * D, D), lambda i: (0, 0)),
        ],
        out_specs=pl.BlockSpec((MB, D), lambda i: (i, 0)),
        out_shape=jax.ShapeDtypeStruct((N_PAD, D), jnp.float32),
    )(g, wt)


def kernel(nodes, nlist, edges, W):
    pad = N_PAD - N
    idx = jnp.pad(nlist.reshape(N, K), ((0, pad), (0, 0)))
    idx3 = idx.reshape(NW, NCH, CHK)
    ew = jnp.pad(edges.reshape(N, K * E), ((0, pad), (0, 0)))
    nodes_p = jnp.pad(nodes, ((0, pad), (0, 0)))
    g = _sc_compute_g(nodes_p, idx3, ew)
    wt = (W.transpose(2, 0, 1).reshape(E * D, D) / K).astype(jnp.float32)
    out = _tc_matmul(g, wt)
    return out[:N].reshape(1, N, D)

# --- scband reference (transcript-rebuilt; emitter-appended) ---
"""Pipeline reference for scband-mplayer-79096117723575 (READ-ONLY COPY).

The authoritative reference and input builder live on the scoring server;
editing this copy changes nothing except your own understanding.
"""

import jax, jax.numpy as jnp
import numpy as np

N_NODES = 10000
D_FEAT = 128
K_NEIGH = 32
D_EDGE = 4

def setup_inputs(seed: int = 0) -> dict:
    key = jax.random.key(seed)
    k1, k2, k3, k4 = jax.random.split(key, 4)
    nodes = jax.random.normal(k1, (N_NODES, D_FEAT), dtype=jnp.float32)
    nlist = jax.random.randint(k2, (1, N_NODES, K_NEIGH, 1), 0, N_NODES, dtype=jnp.int32)
    edges = jax.random.normal(k3, (1, N_NODES, K_NEIGH, D_EDGE), dtype=jnp.float32)
    # learned weight from build(): shape (node_feat, node_feat, edge_feat)
    W = jax.random.normal(k4, (D_FEAT, D_FEAT, D_EDGE), dtype=jnp.float32) * 0.05
    return {"nodes": nodes, "nlist": nlist, "edges": edges, "W": W}

def reference(nodes, nlist, edges, W):
    # tf.gather_nd(nodes, nlist) with nodes rank-2 [N, L] and nlist [..., 1]
    # gathers along axis 0 -> [B, N, K, L]
    sliced_features = jnp.take(nodes, nlist[..., 0], axis=0)
    prod = jnp.einsum('bijn,bijl,lmn->bijm', edges, sliced_features, W)
    reduced = jnp.mean(prod, axis=2)
    # activation is None -> identity
    return reduced

if __name__ == "__main__":
    import jax
    _d = setup_inputs()
    print(jax.jit(kernel)(*tuple(_d.values())))

</pallas_src>

<mosaic_0001>
#map = affine_map<(d0, d1) -> (0, 0)>
#map1 = affine_map<(d0, d1) -> (0, 0, 0)>
module attributes {stable_mosaic.version = 14 : i64} {
  func.func @sc_kernel(%arg0: i32, %arg1: i32, %arg2: memref<10240x128xf32, #tpu.memory_space<hbm>>, %arg3: memref<32x80x128xi32, #tpu.memory_space<hbm>>, %arg4: memref<10240x128xf32, #tpu.memory_space<hbm>>, %arg5: memref<10240x512xf32, #tpu.memory_space<hbm>>, %arg6: memref<80x128xi32, #tpu.memory_space<vmem>>, %arg7: memref<2x4x128xf32, #tpu.memory_space<vmem>>, %arg8: memref<2x128x128xf32, #tpu.memory_space<vmem>>, %arg9: memref<2x4x512xf32, #tpu.memory_space<vmem>>, %arg10: memref<10240x128xf32, #tpu.memory_space<vmem_shared>>, %arg11: memref<!tpu.dma_semaphore, #tpu.memory_space<semaphore_mem>>, %arg12: memref<!tpu.dma_semaphore, #tpu.memory_space<semaphore_mem>>, %arg13: memref<!tpu.dma_semaphore, #tpu.memory_space<semaphore_mem>>, %arg14: memref<!tpu.dma_semaphore, #tpu.memory_space<semaphore_mem>>, %arg15: memref<!tpu.dma_semaphore, #tpu.memory_space<semaphore_mem>>, %arg16: memref<!tpu.dma_semaphore, #tpu.memory_space<semaphore_mem>>, %arg17: memref<!tpu.dma_semaphore, #tpu.memory_space<semaphore_mem>>) attributes {dimension_semantics = [#tpu.dimension_semantics<core_parallel>, #tpu.dimension_semantics<subcore_parallel>], iteration_bounds = array<i64: 2, 16>, scalar_prefetch = 0 : i64, scratch_operands = 12 : i64, tpu.core_type = #tpu.core_type<sc_vector_subcore>, window_params = [{transform_indices = #map}, {transform_indices = #map1}, {transform_indices = #map}, {transform_indices = #map}]} {
    %mul3A = arith.constant 2 : i32
    %mul3A_0 = arith.muli %arg1, %mul3A : i32
    %add3A = arith.addi %mul3A_0, %arg0 : i32
    %mul3A_1 = arith.constant 320 : i32
    %mul3A_2 = arith.muli %add3A, %mul3A_1 : i32
    %mul3A_3 = arith.constant 640 : i32
    %mul3A_4 = arith.muli %arg1, %mul3A_3 : i32
    %mul3A_5 = arith.constant 640 : i32
    %mul3A_6 = arith.muli %arg1, %mul3A_5 : i32
    %dma_start3A = arith.constant 0 : i32
    %dma_start3A_7 = tpu.memref_slice %arg10[%mul3A_6, %dma_start3A] : memref<10240x128xf32, #tpu.memory_space<vmem_shared>> -> memref<640x128xf32, #tpu.memory_space<vmem_shared>>
    %dma_start3A_8 = arith.constant 0 : i32
    %dma_start3A_9 = tpu.memref_slice %arg2[%mul3A_4, %dma_start3A_8] : memref<10240x128xf32, #tpu.memory_space<hbm>> -> memref<640x128xf32, #tpu.memory_space<hbm>>
    tpu.enqueue_dma source(%dma_start3A_9 : memref<640x128xf32, #tpu.memory_space<hbm>>) target(%dma_start3A_7 : memref<640x128xf32, #tpu.memory_space<vmem_shared>>) target_semaphore(%arg17 : memref<!tpu.dma_semaphore, #tpu.memory_space<semaphore_mem>>)
    %dma_start3A_10 = arith.constant 0 : i32
    %dma_start3A_11 = arith.constant 0 : i32
    %dma_start3A_12 = tpu.memref_slice %arg3[%add3A, %dma_start3A_10, %dma_start3A_11] : memref<32x80x128xi32, #tpu.memory_space<hbm>> -> memref<1x80x128xi32, #tpu.memory_space<hbm>>
    %dma_start3A_13 = tpu.memref_squeeze %dma_start3A_12 : memref<1x80x128xi32, #tpu.memory_space<hbm>> -> memref<80x128xi32, #tpu.memory_space<hbm>>
    %dma_start3A_14 = arith.constant 0 : i32
    %dma_start3A_15 = arith.constant 0 : i32
    %dma_start3A_16 = tpu.memref_slice %arg3[%add3A, %dma_start3A_14, %dma_start3A_15] : memref<32x80x128xi32, #tpu.memory_space<hbm>> -> memref<1x80x128xi32, #tpu.memory_space<hbm>>
    %dma_start3A_17 = tpu.memref_squeeze %dma_start3A_16 : memref<1x80x128xi32, #tpu.memory_space<hbm>> -> memref<80x128xi32, #tpu.memory_space<hbm>>
    tpu.enqueue_dma source(%dma_start3A_17 : memref<80x128xi32, #tpu.memory_space<hbm>>) target(%arg6 : memref<80x128xi32, #tpu.memory_space<vmem>>) target_semaphore(%arg11 : memref<!tpu.dma_semaphore, #tpu.memory_space<semaphore_mem>>)
    %mul3A_18 = arith.constant 640 : i32
    %mul3A_19 = arith.muli %arg1, %mul3A_18 : i32
    %mul3A_20 = arith.constant 640 : i32
    %mul3A_21 = arith.muli %arg1, %mul3A_20 : i32
    %dma_wait3A = arith.constant 0 : i32
    %dma_wait3A_22 = tpu.memref_slice %arg10[%mul3A_21, %dma_wait3A] : memref<10240x128xf32, #tpu.memory_space<vmem_shared>> -> memref<640x128xf32, #tpu.memory_space<vmem_shared>>
    %dma_wait3A_23 = arith.constant 0 : i32
    %dma_wait3A_24 = tpu.memref_slice %arg2[%mul3A_19, %dma_wait3A_23] : memref<10240x128xf32, #tpu.memory_space<hbm>> -> memref<640x128xf32, #tpu.memory_space<hbm>>
    tpu.wait_dma2 semaphore(%arg17 : memref<!tpu.dma_semaphore, #tpu.memory_space<semaphore_mem>>) src(%dma_wait3A_24 : memref<640x128xf32, #tpu.memory_space<hbm>>) dst(%dma_wait3A_22 : memref<640x128xf32, #tpu.memory_space<vmem_shared>>)
    %dma_wait3A_25 = arith.constant 0 : i32
    %dma_wait3A_26 = arith.constant 0 : i32
    %dma_wait3A_27 = tpu.memref_slice %arg3[%add3A, %dma_wait3A_25, %dma_wait3A_26] : memref<32x80x128xi32, #tpu.memory_space<hbm>> -> memref<1x80x128xi32, #tpu.memory_space<hbm>>
    %dma_wait3A_28 = tpu.memref_squeeze %dma_wait3A_27 : memref<1x80x128xi32, #tpu.memory_space<hbm>> -> memref<80x128xi32, #tpu.memory_space<hbm>>
    %dma_wait3A_29 = arith.constant 0 : i32
    %dma_wait3A_30 = arith.constant 0 : i32
    %dma_wait3A_31 = tpu.memref_slice %arg3[%add3A, %dma_wait3A_29, %dma_wait3A_30] : memref<32x80x128xi32, #tpu.memory_space<hbm>> -> memref<1x80x128xi32, #tpu.memory_space<hbm>>
    %dma_wait3A_32 = tpu.memref_squeeze %dma_wait3A_31 : memref<1x80x128xi32, #tpu.memory_space<hbm>> -> memref<80x128xi32, #tpu.memory_space<hbm>>
    tpu.wait_dma2 semaphore(%arg11 : memref<!tpu.dma_semaphore, #tpu.memory_space<semaphore_mem>>) src(%dma_wait3A_32 : memref<80x128xi32, #tpu.memory_space<hbm>>) dst(%arg6 : memref<80x128xi32, #tpu.memory_space<vmem>>)
    %barrier3A = arith.constant 0 : index
    tpu.barrier barrier_id(%barrier3A)
    %dma_start3A_33 = arith.constant 0 : i32
    %dma_start3A_34 = arith.constant 0 : i32
    %dma_start3A_35 = arith.constant 0 : i32
    %dma_start3A_36 = arith.constant 0 : i32
    %dma_start3A_37 = tpu.memref_slice %arg8[%dma_start3A_34, %dma_start3A_35, %dma_start3A_36] : memref<2x128x128xf32, #tpu.memory_space<vmem>> -> memref<1x128x128xf32, #tpu.memory_space<vmem>>
    %dma_start3A_38 = tpu.memref_squeeze %dma_start3A_37 : memref<1x128x128xf32, #tpu.memory_space<vmem>> -> memref<128x128xf32, #tpu.memory_space<vmem>>
    %dma_start3A_39 = arith.constant 0 : i32
    %dma_start3A_40 = tpu.memref_slice %arg6[%dma_start3A_33, %dma_start3A_39] : memref<80x128xi32, #tpu.memory_space<vmem>> -> memref<1x128xi32, #tpu.memory_space<vmem>>
    %dma_start3A_41 = tpu.memref_squeeze %dma_start3A_40 : memref<1x128xi32, #tpu.memory_space<vmem>> -> memref<128xi32, #tpu.memory_space<vmem>>
    %dma_start3A_42 = arith.constant 0 : i32
    %dma_start3A_43 = arith.constant 0 : i32
    %dma_start3A_44 = tpu.memref_slice %arg10[%dma_start3A_42, %dma_start3A_43] : memref<10240x128xf32, #tpu.memory_space<vmem_shared>> -> memref<10240x128xf32, #tpu.memory_space<vmem_shared>>
    tpu.enqueue_indirect_dma source(%dma_start3A_44 : memref<10240x128xf32, #tpu.memory_space<vmem_shared>>) target(%dma_start3A_38 : memref<128x128xf32, #tpu.memory_space<vmem>>) offsets(%dma_start3A_41 : memref<128xi32, #tpu.memory_space<vmem>>) semaphore(%arg11 : memref<!tpu.dma_semaphore, #tpu.memory_space<semaphore_mem>>)
    %add3A_45 = arith.constant 0 : i32
    %add3A_46 = arith.addi %mul3A_2, %add3A_45 : i32
    %dma_start3A_47 = arith.constant 0 : i32
    %dma_start3A_48 = arith.constant 0 : i32
    %dma_start3A_49 = arith.constant 0 : i32
    %dma_start3A_50 = tpu.memref_slice %arg7[%dma_start3A_47, %dma_start3A_48, %dma_start3A_49] : memref<2x4x128xf32, #tpu.memory_space<vmem>> -> memref<1x4x128xf32, #tpu.memory_space<vmem>>
    %dma_start3A_51 = tpu.memref_squeeze %dma_start3A_50 : memref<1x4x128xf32, #tpu.memory_space<vmem>> -> memref<4x128xf32, #tpu.memory_space<vmem>>
    %dma_start3A_52 = arith.constant 0 : i32
    %dma_start3A_53 = tpu.memref_slice %arg4[%add3A_46, %dma_start3A_52] : memref<10240x128xf32, #tpu.memory_space<hbm>> -> memref<4x128xf32, #tpu.memory_space<hbm>>
    %dma_start3A_54 = arith.constant 0 : i32
    %dma_start3A_55 = arith.constant 0 : i32
    %dma_start3A_56 = tpu.memref_slice %arg7[%dma_start3A_47, %dma_start3A_54, %dma_start3A_55] : memref<2x4x128xf32, #tpu.memory_space<vmem>> -> memref<1x4x128xf32, #tpu.memory_space<vmem>>
    %dma_start3A_57 = tpu.memref_squeeze %dma_start3A_56 : memref<1x4x128xf32, #tpu.memory_space<vmem>> -> memref<4x128xf32, #tpu.memory_space<vmem>>
    %dma_start3A_58 = arith.constant 0 : i32
    %dma_start3A_59 = tpu.memref_slice %arg4[%add3A_46, %dma_start3A_58] : memref<10240x128xf32, #tpu.memory_space<hbm>> -> memref<4x128xf32, #tpu.memory_space<hbm>>
    tpu.enqueue_dma source(%dma_start3A_59 : memref<4x128xf32, #tpu.memory_space<hbm>>) target(%dma_start3A_57 : memref<4x128xf32, #tpu.memory_space<vmem>>) target_semaphore(%arg13 : memref<!tpu.dma_semaphore, #tpu.memory_space<semaphore_mem>>)
    %scan3A = arith.constant 0 : i32
    %scan3A_60 = arith.constant 40 : i32
    %scan3A_61 = arith.addi %scan3A, %scan3A_60 : i32
    %scan3A_62 = arith.constant 1 : i32
    scf.for %scan3A_90 = %scan3A to %scan3A_61 step %scan3A_62  : i32 {
      %mul3A_91 = arith.constant 2 : i32
      %mul3A_92 = arith.muli %scan3A_90, %mul3A_91 : i32
      %add3A_93 = arith.constant 0 : i32
      %add3A_94 = arith.addi %add3A_93, %mul3A_92 : i32
      %add3A_95 = arith.constant 0 : i32
      %add3A_96 = arith.addi %add3A_94, %add3A_95 : i32
      %add3A_97 = arith.constant 1 : i32
      %add3A_98 = arith.addi %add3A_96, %add3A_97 : i32
      %lt3A = arith.constant 80 : i32
      %lt3A_99 = arith.cmpi slt, %add3A_98, %lt3A : i32
      %convert_element_type3A = arith.extui %lt3A_99 : i1 to i32
      %cond3A = arith.constant 0 : i32
      %cond3A_100 = arith.cmpi ne, %convert_element_type3A, %cond3A : i32
      scf.if %cond3A_100 {
        %add3A_221 = arith.constant 1 : i32
        %add3A_222 = arith.addi %add3A_96, %add3A_221 : i32
        %dma_start3A_223 = arith.constant 1 : i32
        %dma_start3A_224 = arith.constant 0 : i32
        %dma_start3A_225 = arith.constant 0 : i32
        %dma_start3A_226 = tpu.memref_slice %arg8[%dma_start3A_223, %dma_start3A_224, %dma_start3A_225] : memref<2x128x128xf32, #tpu.memory_space<vmem>> -> memref<1x128x128xf32, #tpu.memory_space<vmem>>
        %dma_start3A_227 = tpu.memref_squeeze %dma_start3A_226 : memref<1x128x128xf32, #tpu.memory_space<vmem>> -> memref<128x128xf32, #tpu.memory_space<vmem>>
        %dma_start3A_228 = arith.constant 0 : i32
        %dma_start3A_229 = tpu.memref_slice %arg6[%add3A_222, %dma_start3A_228] : memref<80x128xi32, #tpu.memory_space<vmem>> -> memref<1x128xi32, #tpu.memory_space<vmem>>
        %dma_start3A_230 = tpu.memref_squeeze %dma_start3A_229 : memref<1x128xi32, #tpu.memory_space<vmem>> -> memref<128xi32, #tpu.memory_space<vmem>>
        %dma_start3A_231 = arith.constant 0 : i32
        %dma_start3A_232 = arith.constant 0 : i32
        %dma_start3A_233 = tpu.memref_slice %arg10[%dma_start3A_231, %dma_start3A_232] : memref<10240x128xf32, #tpu.memory_space<vmem_shared>> -> memref<10240x128xf32, #tpu.memory_space<vmem_shared>>
        tpu.enqueue_indirect_dma source(%dma_start3A_233 : memref<10240x128xf32, #tpu.memory_space<vmem_shared>>) target(%dma_start3A_227 : memref<128x128xf32, #tpu.memory_space<vmem>>) offsets(%dma_start3A_230 : memref<128xi32, #tpu.memory_space<vmem>>) semaphore(%arg12 : memref<!tpu.dma_semaphore, #tpu.memory_space<semaphore_mem>>)
        %mul3A_234 = arith.constant 4 : i32
        %mul3A_235 = arith.muli %add3A_222, %mul3A_234 : i32
        %add3A_236 = arith.addi %mul3A_2, %mul3A_235 : i32
        %dma_start3A_237 = arith.constant 1 : i32
        %dma_start3A_238 = arith.constant 0 : i32
        %dma_start3A_239 = arith.constant 0 : i32
        %dma_start3A_240 = tpu.memref_slice %arg7[%dma_start3A_237, %dma_start3A_238, %dma_start3A_239] : memref<2x4x128xf32, #tpu.memory_space<vmem>> -> memref<1x4x128xf32, #tpu.memory_space<vmem>>
        %dma_start3A_241 = tpu.memref_squeeze %dma_start3A_240 : memref<1x4x128xf32, #tpu.memory_space<vmem>> -> memref<4x128xf32, #tpu.memory_space<vmem>>
        %dma_start3A_242 = arith.constant 0 : i32
        %dma_start3A_243 = tpu.memref_slice %arg4[%add3A_236, %dma_start3A_242] : memref<10240x128xf32, #tpu.memory_space<hbm>> -> memref<4x128xf32, #tpu.memory_space<hbm>>
        %dma_start3A_244 = arith.constant 0 : i32
        %dma_start3A_245 = arith.constant 0 : i32
        %dma_start3A_246 = tpu.memref_slice %arg7[%dma_start3A_237, %dma_start3A_244, %dma_start3A_245] : memref<2x4x128xf32, #tpu.memory_space<vmem>> -> memref<1x4x128xf32, #tpu.memory_space<vmem>>
        %dma_start3A_247 = tpu.memref_squeeze %dma_start3A_246 : memref<1x4x128xf32, #tpu.memory_space<vmem>> -> memref<4x128xf32, #tpu.memory_space<vmem>>
        %dma_start3A_248 = arith.constant 0 : i32
        %dma_start3A_249 = tpu.memref_slice %arg4[%add3A_236, %dma_start3A_248] : memref<10240x128xf32, #tpu.memory_space<hbm>> -> memref<4x128xf32, #tpu.memory_space<hbm>>
        tpu.enqueue_dma source(%dma_start3A_249 : memref<4x128xf32, #tpu.memory_space<hbm>>) target(%dma_start3A_247 : memref<4x128xf32, #tpu.memory_space<vmem>>) target_semaphore(%arg14 : memref<!tpu.dma_semaphore, #tpu.memory_space<semaphore_mem>>)
      } else {
      }
      %dma_wait3A_101 = arith.constant 0 : i32
      %dma_wait3A_102 = arith.constant 0 : i32
      %dma_wait3A_103 = arith.constant 0 : i32
      %dma_wait3A_104 = tpu.memref_slice %arg8[%dma_wait3A_101, %dma_wait3A_102, %dma_wait3A_103] : memref<2x128x128xf32, #tpu.memory_space<vmem>> -> memref<1x128x128xf32, #tpu.memory_space<vmem>>
      %dma_wait3A_105 = tpu.memref_squeeze %dma_wait3A_104 : memref<1x128x128xf32, #tpu.memory_space<vmem>> -> memref<128x128xf32, #tpu.memory_space<vmem>>
      %dma_wait3A_106 = arith.constant 0 : i32
      %dma_wait3A_107 = tpu.memref_slice %arg6[%add3A_96, %dma_wait3A_106] : memref<80x128xi32, #tpu.memory_space<vmem>> -> memref<1x128xi32, #tpu.memory_space<vmem>>
      %dma_wait3A_108 = tpu.memref_squeeze %dma_wait3A_107 : memref<1x128xi32, #tpu.memory_space<vmem>> -> memref<128xi32, #tpu.memory_space<vmem>>
      %dma_wait3A_109 = arith.constant 0 : i32
      %dma_wait3A_110 = arith.constant 0 : i32
      %dma_wait3A_111 = tpu.memref_slice %arg10[%dma_wait3A_109, %dma_wait3A_110] : memref<10240x128xf32, #tpu.memory_space<vmem_shared>> -> memref<10240x128xf32, #tpu.memory_space<vmem_shared>>
      tpu.wait_indirect_dma semaphore(%arg11 : memref<!tpu.dma_semaphore, #tpu.memory_space<semaphore_mem>>) src(%dma_wait3A_111 : memref<10240x128xf32, #tpu.memory_space<vmem_shared>>) dst(%dma_wait3A_105 : memref<128x128xf32, #tpu.memory_space<vmem>>)
      %mul3A_112 = arith.constant 4 : i32
      %mul3A_113 = arith.muli %add3A_96, %mul3A_112 : i32
      %add3A_114 = arith.addi %mul3A_2, %mul3A_113 : i32
      %dma_wait3A_115 = arith.constant 0 : i32
      %dma_wait3A_116 = arith.constant 0 : i32
      %dma_wait3A_117 = arith.constant 0 : i32
      %dma_wait3A_118 = tpu.memref_slice %arg7[%dma_wait3A_115, %dma_wait3A_116, %dma_wait3A_117] : memref<2x4x128xf32, #tpu.memory_space<vmem>> -> memref<1x4x128xf32, #tpu.memory_space<vmem>>
      %dma_wait3A_119 = tpu.memref_squeeze %dma_wait3A_118 : memref<1x4x128xf32, #tpu.memory_space<vmem>> -> memref<4x128xf32, #tpu.memory_space<vmem>>
      %dma_wait3A_120 = arith.constant 0 : i32
      %dma_wait3A_121 = tpu.memref_slice %arg4[%add3A_114, %dma_wait3A_120] : memref<10240x128xf32, #tpu.memory_space<hbm>> -> memref<4x128xf32, #tpu.memory_space<hbm>>
      %dma_wait3A_122 = arith.constant 0 : i32
      %dma_wait3A_123 = arith.constant 0 : i32
      %dma_wait3A_124 = tpu.memref_slice %arg7[%dma_wait3A_115, %dma_wait3A_122, %dma_wait3A_123] : memref<2x4x128xf32, #tpu.memory_space<vmem>> -> memref<1x4x128xf32, #tpu.memory_space<vmem>>
      %dma_wait3A_125 = tpu.memref_squeeze %dma_wait3A_124 : memref<1x4x128xf32, #tpu.memory_space<vmem>> -> memref<4x128xf32, #tpu.memory_space<vmem>>
      %dma_wait3A_126 = arith.constant 0 : i32
      %dma_wait3A_127 = tpu.memref_slice %arg4[%add3A_114, %dma_wait3A_126] : memref<10240x128xf32, #tpu.memory_space<hbm>> -> memref<4x128xf32, #tpu.memory_space<hbm>>
      tpu.wait_dma2 semaphore(%arg13 : memref<!tpu.dma_semaphore, #tpu.memory_space<semaphore_mem>>) src(%dma_wait3A_127 : memref<4x128xf32, #tpu.memory_space<hbm>>) dst(%dma_wait3A_125 : memref<4x128xf32, #tpu.memory_space<vmem>>)
      %ge3A = arith.constant 2 : i32
      %ge3A_128 = arith.cmpi sge, %add3A_96, %ge3A : i32
      %convert_element_type3A_129 = arith.extui %ge3A_128 : i1 to i32
      %cond3A_130 = arith.constant 0 : i32
      %cond3A_131 = arith.cmpi ne, %convert_element_type3A_129, %cond3A_130 : i32
      scf.if %cond3A_131 {
        %dma_wait3A_221 = arith.constant 0 : i32
        %dma_wait3A_222 = arith.constant 0 : i32
        %dma_wait3A_223 = arith.constant 0 : i32
        %dma_wait3A_224 = tpu.memref_slice %arg9[%dma_wait3A_221, %dma_wait3A_222, %dma_wait3A_223] : memref<2x4x512xf32, #tpu.memory_space<vmem>> -> memref<1x4x512xf32, #tpu.memory_space<vmem>>
        %dma_wait3A_225 = tpu.memref_squeeze %dma_wait3A_224 : memref<1x4x512xf32, #tpu.memory_space<vmem>> -> memref<4x512xf32, #tpu.memory_space<vmem>>
        %dma_wait3A_226 = arith.constant 0 : i32
        %dma_wait3A_227 = tpu.memref_slice %arg5[%mul3A_2, %dma_wait3A_226] : memref<10240x512xf32, #tpu.memory_space<hbm>> -> memref<4x512xf32, #tpu.memory_space<hbm>>
        %dma_wait3A_228 = arith.constant 0 : i32
        %dma_wait3A_229 = tpu.memref_slice %arg5[%mul3A_2, %dma_wait3A_228] : memref<10240x512xf32, #tpu.memory_space<hbm>> -> memref<4x512xf32, #tpu.memory_space<hbm>>
        %dma_wait3A_230 = arith.constant 0 : i32
        %dma_wait3A_231 = arith.constant 0 : i32
        %dma_wait3A_232 = tpu.memref_slice %arg9[%dma_wait3A_221, %dma_wait3A_230, %dma_wait3A_231] : memref<2x4x512xf32, #tpu.memory_space<vmem>> -> memref<1x4x512xf32, #tpu.memory_space<vmem>>
        %dma_wait3A_233 = tpu.memref_squeeze %dma_wait3A_232 : memref<1x4x512xf32, #tpu.memory_space<vmem>> -> memref<4x512xf32, #tpu.memory_space<vmem>>
        tpu.wait_dma2 semaphore(%arg15 : memref<!tpu.dma_semaphore, #tpu.memory_space<semaphore_mem>>) src(%dma_wait3A_233 : memref<4x512xf32, #tpu.memory_space<vmem>>) dst(%dma_wait3A_229 : memref<4x512xf32, #tpu.memory_space<hbm>>)
      } else {
      }
      %scan3A_132 = arith.constant 0 : i32
      %scan3A_133 = arith.constant 0 : i32
      %scan3A_134 = arith.constant 0 : i32
      %scan3A_135 = arith.constant 0 : i32
      %scan3A_136 = arith.constant 4 : i32
      %scan3A_137 = arith.addi %scan3A_135, %scan3A_136 : i32
      %scan3A_138 = arith.constant 1 : i32
      scf.for %scan3A_221 = %scan3A_135 to %scan3A_137 step %scan3A_138  : i32 {
        %mul3A_222 = arith.constant 1 : i32
        %mul3A_223 = arith.muli %scan3A_221, %mul3A_222 : i32
        %add3A_224 = arith.constant 0 : i32
        %add3A_225 = arith.addi %add3A_224, %mul3A_223 : i32
        %broadcast_in_dim3A = arith.constant 0.000000e+00 : f32
        %broadcast_in_dim3A_226 = vector.broadcast %broadcast_in_dim3A : f32 to vector<16xf32>
        %scan3A_227 = arith.constant 0 : i32
        %scan3A_228 = arith.constant 8 : i32
        %scan3A_229 = arith.addi %scan3A_227, %scan3A_228 : i32
        %scan3A_230 = arith.constant 1 : i32
        %scan3A_231:16 = scf.for %scan3A_528 = %scan3A_227 to %scan3A_229 step %scan3A_230 iter_args(%scan3A_529 = %broadcast_in_dim3A_226, %scan3A_530 = %broadcast_in_dim3A_226, %scan3A_531 = %broadcast_in_dim3A_226, %scan3A_532 = %broadcast_in_dim3A_226, %scan3A_533 = %broadcast_in_dim3A_226, %scan3A_534 = %broadcast_in_dim3A_226, %scan3A_535 = %broadcast_in_dim3A_226, %scan3A_536 = %broadcast_in_dim3A_226, %scan3A_537 = %broadcast_in_dim3A_226, %scan3A_538 = %broadcast_in_dim3A_226, %scan3A_539 = %broadcast_in_dim3A_226, %scan3A_540 = %broadcast_in_dim3A_226, %scan3A_541 = %broadcast_in_dim3A_226, %scan3A_542 = %broadcast_in_dim3A_226, %scan3A_543 = %broadcast_in_dim3A_226, %scan3A_544 = %broadcast_in_dim3A_226) -> (vector<16xf32>, vector<16xf32>, vector<16xf32>, vector<16xf32>, vector<16xf32>, vector<16xf32>, vector<16xf32>, vector<16xf32>, vector<16xf32>, vector<16xf32>, vector<16xf32>, vector<16xf32>, vector<16xf32>, vector<16xf32>, vector<16xf32>, vector<16xf32>)  : i32 {
          %mul3A_545 = arith.constant 16 : i32
          %mul3A_546 = arith.muli %scan3A_528, %mul3A_545 : i32
          %get3A = arith.constant 0 : i32
          %get3A_547 = arith.constant 0 : i32
          %get3A_548 = tpu.memref_slice %arg7[%scan3A_132, %get3A, %get3A_547] : memref<2x4x128xf32, #tpu.memory_space<vmem>> -> memref<1x4x128xf32, #tpu.memory_space<vmem>>
          %get3A_549 = tpu.memref_squeeze %get3A_548 : memref<1x4x128xf32, #tpu.memory_space<vmem>> -> memref<4x128xf32, #tpu.memory_space<vmem>>
          %get3A_550 = arith.index_cast %add3A_225 : i32 to index
          %get3A_551 = arith.index_cast %mul3A_546 : i32 to index
          %get3A_552 = tpu.vector_load %get3A_549[%get3A_550, %get3A_551] {strides = array<i32>} : memref<4x128xf32, #tpu.memory_space<vmem>>, vector<1x16xf32>,
          %get3A_553 = vector.shape_cast %get3A_552 : vector<1x16xf32> to vector<16xf32>
          %mul3A_554 = arith.constant 32 : i32
          %mul3A_555 = arith.muli %add3A_225, %mul3A_554 : i32
          %mul3A_556 = arith.constant 4 : i32
          %mul3A_557 = arith.muli %scan3A_528, %mul3A_556 : i32
          %add3A_558 = arith.addi %mul3A_555, %mul3A_557 : i32
          %add3A_559 = arith.constant 0 : i32
          %add3A_560 = arith.addi %add3A_558, %add3A_559 : i32
          %get3A_561 = arith.constant 0 : i32
          %get3A_562 = arith.constant 0 : i32
          %get3A_563 = tpu.memref_slice %arg8[%scan3A_133, %get3A_561, %get3A_562] : memref<2x128x128xf32, #tpu.memory_space<vmem>> -> memref<1x128x128xf32, #tpu.memory_space<vmem>>
          %get3A_564 = tpu.memref_squeeze %get3A_563 : memref<1x128x128xf32, #tpu.memory_space<vmem>> -> memref<128x128xf32, #tpu.memory_space<vmem>>
          %get3A_565 = arith.index_cast %add3A_560 : i32 to index
          %get3A_566 = arith.constant 0 : index
          %get3A_567 = tpu.vector_load %get3A_564[%get3A_565, %get3A_566] {strides = array<i32>} : memref<128x128xf32, #tpu.memory_space<vmem>>, vector<1x16xf32>,
          %get3A_568 = vector.shape_cast %get3A_567 : vector<1x16xf32> to vector<16xf32>
          %get3A_569 = arith.constant 0 : i32
          %get3A_570 = arith.constant 0 : i32
          %get3A_571 = tpu.memref_slice %arg8[%scan3A_133, %get3A_569, %get3A_570] : memref<2x128x128xf32, #tpu.memory_space<vmem>> -> memref<1x128x128xf32, #tpu.memory_space<vmem>>
          %get3A_572 = tpu.memref_squeeze %get3A_571 : memref<1x128x128xf32, #tpu.memory_space<vmem>> -> memref<128x128xf32, #tpu.memory_space<vmem>>
          %get3A_573 = arith.index_cast %add3A_560 : i32 to index
          %get3A_574 = arith.constant 16 : index
          %get3A_575 = tpu.vector_load %get3A_572[%get3A_573, %get3A_574] {strides = array<i32>} : memref<128x128xf32, #tpu.memory_space<vmem>>, vector<1x16xf32>,
          %get3A_576 = vector.shape_cast %get3A_575 : vector<1x16xf32> to vector<16xf32>
          %get3A_577 = arith.constant 0 : i32
          %get3A_578 = arith.constant 0 : i32
          %get3A_579 = tpu.memref_slice %arg8[%scan3A_133, %get3A_577, %get3A_578] : memref<2x128x128xf32, #tpu.memory_space<vmem>> -> memref<1x128x128xf32, #tpu.memory_space<vmem>>
          %get3A_580 = tpu.memref_squeeze %get3A_579 : memref<1x128x128xf32, #tpu.memory_space<vmem>> -> memref<128x128xf32, #tpu.memory_space<vmem>>
          %get3A_581 = arith.index_cast %add3A_560 : i32 to index
          %get3A_582 = arith.constant 32 : index
          %get3A_583 = tpu.vector_load %get3A_580[%get3A_581, %get3A_582] {strides = array<i32>} : memref<128x128xf32, #tpu.memory_space<vmem>>, vector<1x16xf32>,
          %get3A_584 = vector.shape_cast %get3A_583 : vector<1x16xf32> to vector<16xf32>
          %get3A_585 = arith.constant 0 : i32
          %get3A_586 = arith.constant 0 : i32
          %get3A_587 = tpu.memref_slice %arg8[%scan3A_133, %get3A_585, %get3A_586] : memref<2x128x128xf32, #tpu.memory_space<vmem>> -> memref<1x128x128xf32, #tpu.memory_space<vmem>>
          %get3A_588 = tpu.memref_squeeze %get3A_587 : memref<1x128x128xf32, #tpu.memory_space<vmem>> -> memref<128x128xf32, #tpu.memory_space<vmem>>
          %get3A_589 = arith.index_cast %add3A_560 : i32 to index
          %get3A_590 = arith.constant 48 : index
          %get3A_591 = tpu.vector_load %get3A_588[%get3A_589, %get3A_590] {strides = array<i32>} : memref<128x128xf32, #tpu.memory_space<vmem>>, vector<1x16xf32>,
          %get3A_592 = vector.shape_cast %get3A_591 : vector<1x16xf32> to vector<16xf32>
          %slice3A = vector.extract_strided_slice %get3A_553 {offsets = [0], sizes = [1], strides = [1]} : vector<16xf32> to vector<1xf32>
          %squeeze3A = vector.extract %slice3A[0] : f32 from vector<1xf32>
          %mul3A_593 = vector.broadcast %squeeze3A : f32 to vector<16xf32>
          %mul3A_594 = arith.mulf %mul3A_593, %get3A_568 : vector<16xf32>
          %add3A_595 = arith.addf %scan3A_529, %mul3A_594 : vector<16xf32>
          %mul3A_596 = vector.broadcast %squeeze3A : f32 to vector<16xf32>
          %mul3A_597 = arith.mulf %mul3A_596, %get3A_576 : vector<16xf32>
          %add3A_598 = arith.addf %scan3A_530, %mul3A_597 : vector<16xf32>
          %mul3A_599 = vector.broadcast %squeeze3A : f32 to vector<16xf32>
          %mul3A_600 = arith.mulf %mul3A_599, %get3A_584 : vector<16xf32>
          %add3A_601 = arith.addf %scan3A_531, %mul3A_600 : vector<16xf32>
          %mul3A_602 = vector.broadcast %squeeze3A : f32 to vector<16xf32>
          %mul3A_603 = arith.mulf %mul3A_602, %get3A_592 : vector<16xf32>
          %add3A_604 = arith.addf %scan3A_532, %mul3A_603 : vector<16xf32>
          %slice3A_605 = vector.extract_strided_slice %get3A_553 {offsets = [1], sizes = [1], strides = [1]} : vector<16xf32> to vector<1xf32>
          %squeeze3A_606 = vector.extract %slice3A_605[0] : f32 from vector<1xf32>
          %mul3A_607 = vector.broadcast %squeeze3A_606 : f32 to vector<16xf32>
          %mul3A_608 = arith.mulf %mul3A_607, %get3A_568 : vector<16xf32>
          %add3A_609 = arith.addf %scan3A_533, %mul3A_608 : vector<16xf32>
          %mul3A_610 = vector.broadcast %squeeze3A_606 : f32 to vector<16xf32>
          %mul3A_611 = arith.mulf %mul3A_610, %get3A_576 : vector<16xf32>
          %add3A_612 = arith.addf %scan3A_534, %mul3A_611 : vector<16xf32>
          %mul3A_613 = vector.broadcast %squeeze3A_606 : f32 to vector<16xf32>
          %mul3A_614 = arith.mulf %mul3A_613, %get3A_584 : vector<16xf32>
          %add3A_615 = arith.addf %scan3A_535, %mul3A_614 : vector<16xf32>
          %mul3A_616 = vector.broadcast %squeeze3A_606 : f32 to vector<16xf32>
          %mul3A_617 = arith.mulf %mul3A_616, %get3A_592 : vector<16xf32>
          %add3A_618 = arith.addf %scan3A_536, %mul3A_617 : vector<16xf32>
          %slice3A_619 = vector.extract_strided_slice %get3A_553 {offsets = [2], sizes = [1], strides = [1]} : vector<16xf32> to vector<1xf32>
          %squeeze3A_620 = vector.extract %slice3A_619[0] : f32 from vector<1xf32>
          %mul3A_621 = vector.broadcast %squeeze3A_620 : f32 to vector<16xf32>
          %mul3A_622 = arith.mulf %mul3A_621, %get3A_568 : vector<16xf32>
          %add3A_623 = arith.addf %scan3A_537, %mul3A_622 : vector<16xf32>
          %mul3A_624 = vector.broadcast %squeeze3A_620 : f32 to vector<16xf32>
          %mul3A_625 = arith.mulf %mul3A_624, %get3A_576 : vector<16xf32>
          %add3A_626 = arith.addf %scan3A_538, %mul3A_625 : vector<16xf32>
          %mul3A_627 = vector.broadcast %squeeze3A_620 : f32 to vector<16xf32>
          %mul3A_628 = arith.mulf %mul3A_627, %get3A_584 : vector<16xf32>
          %add3A_629 = arith.addf %scan3A_539, %mul3A_628 : vector<16xf32>
          %mul3A_630 = vector.broadcast %squeeze3A_620 : f32 to vector<16xf32>
          %mul3A_631 = arith.mulf %mul3A_630, %get3A_592 : vector<16xf32>
          %add3A_632 = arith.addf %scan3A_540, %mul3A_631 : vector<16xf32>
          %slice3A_633 = vector.extract_strided_slice %get3A_553 {offsets = [3], sizes = [1], strides = [1]} : vector<16xf32> to vector<1xf32>
          %squeeze3A_634 = vector.extract %slice3A_633[0] : f32 from vector<1xf32>
          %mul3A_635 = vector.broadcast %squeeze3A_634 : f32 to vector<16xf32>
          %mul3A_636 = arith.mulf %mul3A_635, %get3A_568 : vector<16xf32>
          %add3A_637 = arith.addf %scan3A_541, %mul3A_636 : vector<16xf32>
          %mul3A_638 = vector.broadcast %squeeze3A_634 : f32 to vector<16xf32>
          %mul3A_639 = arith.mulf %mul3A_638, %get3A_576 : vector<16xf32>
          %add3A_640 = arith.addf %scan3A_542, %mul3A_639 : vector<16xf32>
          %mul3A_641 = vector.broadcast %squeeze3A_634 : f32 to vector<16xf32>
          %mul3A_642 = arith.mulf %mul3A_641, %get3A_584 : vector<16xf32>
          %add3A_643 = arith.addf %scan3A_543, %mul3A_642 : vector<16xf32>
          %mul3A_644 = vector.broadcast %squeeze3A_634 : f32 to vector<16xf32>
          %mul3A_645 = arith.mulf %mul3A_644, %get3A_592 : vector<16xf32>
          %add3A_646 = arith.addf %scan3A_544, %mul3A_645 : vector<16xf32>
          %mul3A_647 = arith.constant 32 : i32
          %mul3A_648 = arith.muli %add3A_225, %mul3A_647 : i32
          %mul3A_649 = arith.constant 4 : i32
          %mul3A_650 = arith.muli %scan3A_528, %mul3A_649 : i32
          %add3A_651 = arith.addi %mul3A_648, %mul3A_650 : i32
          %add3A_652 = arith.constant 1 : i32
          %add3A_653 = arith.addi %add3A_651, %add3A_652 : i32
          %get3A_654 = arith.constant 0 : i32
          %get3A_655 = arith.constant 0 : i32
          %get3A_656 = tpu.memref_slice %arg8[%scan3A_133, %get3A_654, %get3A_655] : memref<2x128x128xf32, #tpu.memory_space<vmem>> -> memref<1x128x128xf32, #tpu.memory_space<vmem>>
          %get3A_657 = tpu.memref_squeeze %get3A_656 : memref<1x128x128xf32, #tpu.memory_space<vmem>> -> memref<128x128xf32, #tpu.memory_space<vmem>>
          %get3A_658 = arith.index_cast %add3A_653 : i32 to index
          %get3A_659 = arith.constant 0 : index
          %get3A_660 = tpu.vector_load %get3A_657[%get3A_658, %get3A_659] {strides = array<i32>} : memref<128x128xf32, #tpu.memory_space<vmem>>, vector<1x16xf32>,
          %get3A_661 = vector.shape_cast %get3A_660 : vector<1x16xf32> to vector<16xf32>
          %get3A_662 = arith.constant 0 : i32
          %get3A_663 = arith.constant 0 : i32
          %get3A_664 = tpu.memref_slice %arg8[%scan3A_133, %get3A_662, %get3A_663] : memref<2x128x128xf32, #tpu.memory_space<vmem>> -> memref<1x128x128xf32, #tpu.memory_space<vmem>>
          %get3A_665 = tpu.memref_squeeze %get3A_664 : memref<1x128x128xf32, #tpu.memory_space<vmem>> -> memref<128x128xf32, #tpu.memory_space<vmem>>
          %get3A_666 = arith.index_cast %add3A_653 : i32 to index
          %get3A_667 = arith.constant 16 : index
          %get3A_668 = tpu.vector_load %get3A_665[%get3A_666, %get3A_667] {strides = array<i32>} : memref<128x128xf32, #tpu.memory_space<vmem>>, vector<1x16xf32>,
          %get3A_669 = vector.shape_cast %get3A_668 : vector<1x16xf32> to vector<16xf32>
          %get3A_670 = arith.constant 0 : i32
          %get3A_671 = arith.constant 0 : i32
          %get3A_672 = tpu.memref_slice %arg8[%scan3A_133, %get3A_670, %get3A_671] : memref<2x128x128xf32, #tpu.memory_space<vmem>> -> memref<1x128x128xf32, #tpu.memory_space<vmem>>
          %get3A_673 = tpu.memref_squeeze %get3A_672 : memref<1x128x128xf32, #tpu.memory_space<vmem>> -> memref<128x128xf32, #tpu.memory_space<vmem>>
          %get3A_674 = arith.index_cast %add3A_653 : i32 to index
          %get3A_675 = arith.constant 32 : index
          %get3A_676 = tpu.vector_load %get3A_673[%get3A_674, %get3A_675] {strides = array<i32>} : memref<128x128xf32, #tpu.memory_space<vmem>>, vector<1x16xf32>,
          %get3A_677 = vector.shape_cast %get3A_676 : vector<1x16xf32> to vector<16xf32>
          %get3A_678 = arith.constant 0 : i32
          %get3A_679 = arith.constant 0 : i32
          %get3A_680 = tpu.memref_slice %arg8[%scan3A_133, %get3A_678, %get3A_679] : memref<2x128x128xf32, #tpu.memory_space<vmem>> -> memref<1x128x128xf32, #tpu.memory_space<vmem>>
          %get3A_681 = tpu.memref_squeeze %get3A_680 : memref<1x128x128xf32, #tpu.memory_space<vmem>> -> memref<128x128xf32, #tpu.memory_space<vmem>>
          %get3A_682 = arith.index_cast %add3A_653 : i32 to index
          %get3A_683 = arith.constant 48 : index
          %get3A_684 = tpu.vector_load %get3A_681[%get3A_682, %get3A_683] {strides = array<i32>} : memref<128x128xf32, #tpu.memory_space<vmem>>, vector<1x16xf32>,
          %get3A_685 = vector.shape_cast %get3A_684 : vector<1x16xf32> to vector<16xf32>
          %slice3A_686 = vector.extract_strided_slice %get3A_553 {offsets = [4], sizes = [1], strides = [1]} : vector<16xf32> to vector<1xf32>
          %squeeze3A_687 = vector.extract %slice3A_686[0] : f32 from vector<1xf32>
          %mul3A_688 = vector.broadcast %squeeze3A_687 : f32 to vector<16xf32>
          %mul3A_689 = arith.mulf %mul3A_688, %get3A_661 : vector<16xf32>
          %add3A_690 = arith.addf %add3A_595, %mul3A_689 : vector<16xf32>
          %mul3A_691 = vector.broadcast %squeeze3A_687 : f32 to vector<16xf32>
          %mul3A_692 = arith.mulf %mul3A_691, %get3A_669 : vector<16xf32>
          %add3A_693 = arith.addf %add3A_598, %mul3A_692 : vector<16xf32>
          %mul3A_694 = vector.broadcast %squeeze3A_687 : f32 to vector<16xf32>
          %mul3A_695 = arith.mulf %mul3A_694, %get3A_677 : vector<16xf32>
          %add3A_696 = arith.addf %add3A_601, %mul3A_695 : vector<16xf32>
          %mul3A_697 = vector.broadcast %squeeze3A_687 : f32 to vector<16xf32>
          %mul3A_698 = arith.mulf %mul3A_697, %get3A_685 : vector<16xf32>
          %add3A_699 = arith.addf %add3A_604, %mul3A_698 : vector<16xf32>
          %slice3A_700 = vector.extract_strided_slice %get3A_553 {offsets = [5], sizes = [1], strides = [1]} : vector<16xf32> to vector<1xf32>
          %squeeze3A_701 = vector.extract %slice3A_700[0] : f32 from vector<1xf32>
          %mul3A_702 = vector.broadcast %squeeze3A_701 : f32 to vector<16xf32>
          %mul3A_703 = arith.mulf %mul3A_702, %get3A_661 : vector<16xf32>
          %add3A_704 = arith.addf %add3A_609, %mul3A_703 : vector<16xf32>
          %mul3A_705 = vector.broadcast %squeeze3A_701 : f32 to vector<16xf32>
          %mul3A_706 = arith.mulf %mul3A_705, %get3A_669 : vector<16xf32>
          %add3A_707 = arith.addf %add3A_612, %mul3A_706 : vector<16xf32>
          %mul3A_708 = vector.broadcast %squeeze3A_701 : f32 to vector<16xf32>
          %mul3A_709 = arith.mulf %mul3A_708, %get3A_677 : vector<16xf32>
          %add3A_710 = arith.addf %add3A_615, %mul3A_709 : vector<16xf32>
          %mul3A_711 = vector.broadcast %squeeze3A_701 : f32 to vector<16xf32>
          %mul3A_712 = arith.mulf %mul3A_711, %get3A_685 : vector<16xf32>
          %add3A_713 = arith.addf %add3A_618, %mul3A_712 : vector<16xf32>
          %slice3A_714 = vector.extract_strided_slice %get3A_553 {offsets = [6], sizes = [1], strides = [1]} : vector<16xf32> to vector<1xf32>
          %squeeze3A_715 = vector.extract %slice3A_714[0] : f32 from vector<1xf32>
          %mul3A_716 = vector.broadcast %squeeze3A_715 : f32 to vector<16xf32>
          %mul3A_717 = arith.mulf %mul3A_716, %get3A_661 : vector<16xf32>
          %add3A_718 = arith.addf %add3A_623, %mul3A_717 : vector<16xf32>
          %mul3A_719 = vector.broadcast %squeeze3A_715 : f32 to vector<16xf32>
          %mul3A_720 = arith.mulf %mul3A_719, %get3A_669 : vector<16xf32>
          %add3A_721 = arith.addf %add3A_626, %mul3A_720 : vector<16xf32>
          %mul3A_722 = vector.broadcast %squeeze3A_715 : f32 to vector<16xf32>
          %mul3A_723 = arith.mulf %mul3A_722, %get3A_677 : vector<16xf32>
          %add3A_724 = arith.addf %add3A_629, %mul3A_723 : vector<16xf32>
          %mul3A_725 = vector.broadcast %squeeze3A_715 : f32 to vector<16xf32>
          %mul3A_726 = arith.mulf %mul3A_725, %get3A_685 : vector<16xf32>
          %add3A_727 = arith.addf %add3A_632, %mul3A_726 : vector<16xf32>
          %slice3A_728 = vector.extract_strided_slice %get3A_553 {offsets = [7], sizes = [1], strides = [1]} : vector<16xf32> to vector<1xf32>
          %squeeze3A_729 = vector.extract %slice3A_728[0] : f32 from vector<1xf32>
          %mul3A_730 = vector.broadcast %squeeze3A_729 : f32 to vector<16xf32>
          %mul3A_731 = arith.mulf %mul3A_730, %get3A_661 : vector<16xf32>
          %add3A_732 = arith.addf %add3A_637, %mul3A_731 : vector<16xf32>
          %mul3A_733 = vector.broadcast %squeeze3A_729 : f32 to vector<16xf32>
          %mul3A_734 = arith.mulf %mul3A_733, %get3A_669 : vector<16xf32>
          %add3A_735 = arith.addf %add3A_640, %mul3A_734 : vector<16xf32>
          %mul3A_736 = vector.broadcast %squeeze3A_729 : f32 to vector<16xf32>
          %mul3A_737 = arith.mulf %mul3A_736, %get3A_677 : vector<16xf32>
          %add3A_738 = arith.addf %add3A_643, %mul3A_737 : vector<16xf32>
          %mul3A_739 = vector.broadcast %squeeze3A_729 : f32 to vector<16xf32>
          %mul3A_740 = arith.mulf %mul3A_739, %get3A_685 : vector<16xf32>
          %add3A_741 = arith.addf %add3A_646, %mul3A_740 : vector<16xf32>
          %mul3A_742 = arith.constant 32 : i32
          %mul3A_743 = arith.muli %add3A_225, %mul3A_742 : i32
          %mul3A_744 = arith.constant 4 : i32
          %mul3A_745 = arith.muli %scan3A_528, %mul3A_744 : i32
          %add3A_746 = arith.addi %mul3A_743, %mul3A_745 : i32
          %add3A_747 = arith.constant 2 : i32
          %add3A_748 = arith.addi %add3A_746, %add3A_747 : i32
          %get3A_749 = arith.constant 0 : i32
          %get3A_750 = arith.constant 0 : i32
          %get3A_751 = tpu.memref_slice %arg8[%scan3A_133, %get3A_749, %get3A_750] : memref<2x128x128xf32, #tpu.memory_space<vmem>> -> memref<1x128x128xf32, #tpu.memory_space<vmem>>
          %get3A_752 = tpu.memref_squeeze %get3A_751 : memref<1x128x128xf32, #tpu.memory_space<vmem>> -> memref<128x128xf32, #tpu.memory_space<vmem>>
          %get3A_753 = arith.index_cast %add3A_748 : i32 to index
          %get3A_754 = arith.constant 0 : index
          %get3A_755 = tpu.vector_load %get3A_752[%get3A_753, %get3A_754] {strides = array<i32>} : memref<128x128xf32, #tpu.memory_space<vmem>>, vector<1x16xf32>,
          %get3A_756 = vector.shape_cast %get3A_755 : vector<1x16xf32> to vector<16xf32>
          %get3A_757 = arith.constant 0 : i32
          %get3A_758 = arith.constant 0 : i32
          %get3A_759 = tpu.memref_slice %arg8[%scan3A_133, %get3A_757, %get3A_758] : memref<2x128x128xf32, #tpu.memory_space<vmem>> -> memref<1x128x128xf32, #tpu.memory_space<vmem>>
          %get3A_760 = tpu.memref_squeeze %get3A_759 : memref<1x128x128xf32, #tpu.memory_space<vmem>> -> memref<128x128xf32, #tpu.memory_space<vmem>>
          %get3A_761 = arith.index_cast %add3A_748 : i32 to index
          %get3A_762 = arith.constant 16 : index
          %get3A_763 = tpu.vector_load %get3A_760[%get3A_761, %get3A_762] {strides = array<i32>} : memref<128x128xf32, #tpu.memory_space<vmem>>, vector<1x16xf32>,
          %get3A_764 = vector.shape_cast %get3A_763 : vector<1x16xf32> to vector<16xf32>
          %get3A_765 = arith.constant 0 : i32
          %get3A_766 = arith.constant 0 : i32
          %get3A_767 = tpu.memref_slice %arg8[%scan3A_133, %get3A_765, %get3A_766] : memref<2x128x128xf32, #tpu.memory_space<vmem>> -> memref<1x128x128xf32, #tpu.memory_space<vmem>>
          %get3A_768 = tpu.memref_squeeze %get3A_767 : memref<1x128x128xf32, #tpu.memory_space<vmem>> -> memref<128x128xf32, #tpu.memory_space<vmem>>
          %get3A_769 = arith.index_cast %add3A_748 : i32 to index
          %get3A_770 = arith.constant 32 : index
          %get3A_771 = tpu.vector_load %get3A_768[%get3A_769, %get3A_770] {strides = array<i32>} : memref<128x128xf32, #tpu.memory_space<vmem>>, vector<1x16xf32>,
          %get3A_772 = vector.shape_cast %get3A_771 : vector<1x16xf32> to vector<16xf32>
          %get3A_773 = arith.constant 0 : i32
          %get3A_774 = arith.constant 0 : i32
          %get3A_775 = tpu.memref_slice %arg8[%scan3A_133, %get3A_773, %get3A_774] : memref<2x128x128xf32, #tpu.memory_space<vmem>> -> memref<1x128x128xf32, #tpu.memory_space<vmem>>
          %get3A_776 = tpu.memref_squeeze %get3A_775 : memref<1x128x128xf32, #tpu.memory_space<vmem>> -> memref<128x128xf32, #tpu.memory_space<vmem>>
          %get3A_777 = arith.index_cast %add3A_748 : i32 to index
          %get3A_778 = arith.constant 48 : index
          %get3A_779 = tpu.vector_load %get3A_776[%get3A_777, %get3A_778] {strides = array<i32>} : memref<128x128xf32, #tpu.memory_space<vmem>>, vector<1x16xf32>,
          %get3A_780 = vector.shape_cast %get3A_779 : vector<1x16xf32> to vector<16xf32>
          %slice3A_781 = vector.extract_strided_slice %get3A_553 {offsets = [8], sizes = [1], strides = [1]} : vector<16xf32> to vector<1xf32>
          %squeeze3A_782 = vector.extract %slice3A_781[0] : f32 from vector<1xf32>
          %mul3A_783 = vector.broadcast %squeeze3A_782 : f32 to vector<16xf32>
          %mul3A_784 = arith.mulf %mul3A_783, %get3A_756 : vector<16xf32>
          %add3A_785 = arith.addf %add3A_690, %mul3A_784 : vector<16xf32>
          %mul3A_786 = vector.broadcast %squeeze3A_782 : f32 to vector<16xf32>
          %mul3A_787 = arith.mulf %mul3A_786, %get3A_764 : vector<16xf32>
          %add3A_788 = arith.addf %add3A_693, %mul3A_787 : vector<16xf32>
          %mul3A_789 = vector.broadcast %squeeze3A_782 : f32 to vector<16xf32>
          %mul3A_790 = arith.mulf %mul3A_789, %get3A_772 : vector<16xf32>
          %add3A_791 = arith.addf %add3A_696, %mul3A_790 : vector<16xf32>
          %mul3A_792 = vector.broadcast %squeeze3A_782 : f32 to vector<16xf32>
          %mul3A_793 = arith.mulf %mul3A_792, %get3A_780 : vector<16xf32>
          %add3A_794 = arith.addf %add3A_699, %mul3A_793 : vector<16xf32>
          %slice3A_795 = vector.extract_strided_slice %get3A_553 {offsets = [9], sizes = [1], strides = [1]} : vector<16xf32> to vector<1xf32>
          %squeeze3A_796 = vector.extract %slice3A_795[0] : f32 from vector<1xf32>
          %mul3A_797 = vector.broadcast %squeeze3A_796 : f32 to vector<16xf32>
          %mul3A_798 = arith.mulf %mul3A_797, %get3A_756 : vector<16xf32>
          %add3A_799 = arith.addf %add3A_704, %mul3A_798 : vector<16xf32>
          %mul3A_800 = vector.broadcast %squeeze3A_796 : f32 to vector<16xf32>
          %mul3A_801 = arith.mulf %mul3A_800, %get3A_764 : vector<16xf32>
          %add3A_802 = arith.addf %add3A_707, %mul3A_801 : vector<16xf32>
          %mul3A_803 = vector.broadcast %squeeze3A_796 : f32 to vector<16xf32>
          %mul3A_804 = arith.mulf %mul3A_803, %get3A_772 : vector<16xf32>
          %add3A_805 = arith.addf %add3A_710, %mul3A_804 : vector<16xf32>
          %mul3A_806 = vector.broadcast %squeeze3A_796 : f32 to vector<16xf32>
          %mul3A_807 = arith.mulf %mul3A_806, %get3A_780 : vector<16xf32>
          %add3A_808 = arith.addf %add3A_713, %mul3A_807 : vector<16xf32>
          %slice3A_809 = vector.extract_strided_slice %get3A_553 {offsets = [10], sizes = [1], strides = [1]} : vector<16xf32> to vector<1xf32>
          %squeeze3A_810 = vector.extract %slice3A_809[0] : f32 from vector<1xf32>
          %mul3A_811 = vector.broadcast %squeeze3A_810 : f32 to vector<16xf32>
          %mul3A_812 = arith.mulf %mul3A_811, %get3A_756 : vector<16xf32>
          %add3A_813 = arith.addf %add3A_718, %mul3A_812 : vector<16xf32>
          %mul3A_814 = vector.broadcast %squeeze3A_810 : f32 to vector<16xf32>
          %mul3A_815 = arith.mulf %mul3A_814, %get3A_764 : vector<16xf32>
          %add3A_816 = arith.addf %add3A_721, %mul3A_815 : vector<16xf32>
          %mul3A_817 = vector.broadcast %squeeze3A_810 : f32 to vector<16xf32>
          %mul3A_818 = arith.mulf %mul3A_817, %get3A_772 : vector<16xf32>
          %add3A_819 = arith.addf %add3A_724, %mul3A_818 : vector<16xf32>
          %mul3A_820 = vector.broadcast %squeeze3A_810 : f32 to vector<16xf32>
          %mul3A_821 = arith.mulf %mul3A_820, %get3A_780 : vector<16xf32>
          %add3A_822 = arith.addf %add3A_727, %mul3A_821 : vector<16xf32>
          %slice3A_823 = vector.extract_strided_slice %get3A_553 {offsets = [11], sizes = [1], strides = [1]} : vector<16xf32> to vector<1xf32>
          %squeeze3A_824 = vector.extract %slice3A_823[0] : f32 from vector<1xf32>
          %mul3A_825 = vector.broadcast %squeeze3A_824 : f32 to vector<16xf32>
          %mul3A_826 = arith.mulf %mul3A_825, %get3A_756 : vector<16xf32>
          %add3A_827 = arith.addf %add3A_732, %mul3A_826 : vector<16xf32>
          %mul3A_828 = vector.broadcast %squeeze3A_824 : f32 to vector<16xf32>
          %mul3A_829 = arith.mulf %mul3A_828, %get3A_764 : vector<16xf32>
          %add3A_830 = arith.addf %add3A_735, %mul3A_829 : vector<16xf32>
          %mul3A_831 = vector.broadcast %squeeze3A_824 : f32 to vector<16xf32>
          %mul3A_832 = arith.mulf %mul3A_831, %get3A_772 : vector<16xf32>
          %add3A_833 = arith.addf %add3A_738, %mul3A_832 : vector<16xf32>
          %mul3A_834 = vector.broadcast %squeeze3A_824 : f32 to vector<16xf32>
          %mul3A_835 = arith.mulf %mul3A_834, %get3A_780 : vector<16xf32>
          %add3A_836 = arith.addf %add3A_741, %mul3A_835 : vector<16xf32>
          %mul3A_837 = arith.constant 32 : i32
          %mul3A_838 = arith.muli %add3A_225, %mul3A_837 : i32
          %mul3A_839 = arith.constant 4 : i32
          %mul3A_840 = arith.muli %scan3A_528, %mul3A_839 : i32
          %add3A_841 = arith.addi %mul3A_838, %mul3A_840 : i32
          %add3A_842 = arith.constant 3 : i32
          %add3A_843 = arith.addi %add3A_841, %add3A_842 : i32
          %get3A_844 = arith.constant 0 : i32
          %get3A_845 = arith.constant 0 : i32
          %get3A_846 = tpu.memref_slice %arg8[%scan3A_133, %get3A_844, %get3A_845] : memref<2x128x128xf32, #tpu.memory_space<vmem>> -> memref<1x128x128xf32, #tpu.memory_space<vmem>>
          %get3A_847 = tpu.memref_squeeze %get3A_846 : memref<1x128x128xf32, #tpu.memory_space<vmem>> -> memref<128x128xf32, #tpu.memory_space<vmem>>
          %get3A_848 = arith.index_cast %add3A_843 : i32 to index
          %get3A_849 = arith.constant 0 : index
          %get3A_850 = tpu.vector_load %get3A_847[%get3A_848, %get3A_849] {strides = array<i32>} : memref<128x128xf32, #tpu.memory_space<vmem>>, vector<1x16xf32>,
          %get3A_851 = vector.shape_cast %get3A_850 : vector<1x16xf32> to vector<16xf32>
          %get3A_852 = arith.constant 0 : i32
          %get3A_853 = arith.constant 0 : i32
          %get3A_854 = tpu.memref_slice %arg8[%scan3A_133, %get3A_852, %get3A_853] : memref<2x128x128xf32, #tpu.memory_space<vmem>> -> memref<1x128x128xf32, #tpu.memory_space<vmem>>
          %get3A_855 = tpu.memref_squeeze %get3A_854 : memref<1x128x128xf32, #tpu.memory_space<vmem>> -> memref<128x128xf32, #tpu.memory_space<vmem>>
          %get3A_856 = arith.index_cast %add3A_843 : i32 to index
          %get3A_857 = arith.constant 16 : index
          %get3A_858 = tpu.vector_load %get3A_855[%get3A_856, %get3A_857] {strides = array<i32>} : memref<128x128xf32, #tpu.memory_space<vmem>>, vector<1x16xf32>,
          %get3A_859 = vector.shape_cast %get3A_858 : vector<1x16xf32> to vector<16xf32>
          %get3A_860 = arith.constant 0 : i32
          %get3A_861 = arith.constant 0 : i32
          %get3A_862 = tpu.memref_slice %arg8[%scan3A_133, %get3A_860, %get3A_861] : memref<2x128x128xf32, #tpu.memory_space<vmem>> -> memref<1x128x128xf32, #tpu.memory_space<vmem>>
          %get3A_863 = tpu.memref_squeeze %get3A_862 : memref<1x128x128xf32, #tpu.memory_space<vmem>> -> memref<128x128xf32, #tpu.memory_space<vmem>>
          %get3A_864 = arith.index_cast %add3A_843 : i32 to index
          %get3A_865 = arith.constant 32 : index
          %get3A_866 = tpu.vector_load %get3A_863[%get3A_864, %get3A_865] {strides = array<i32>} : memref<128x128xf32, #tpu.memory_space<vmem>>, vector<1x16xf32>,
          %get3A_867 = vector.shape_cast %get3A_866 : vector<1x16xf32> to vector<16xf32>
          %get3A_868 = arith.constant 0 : i32
          %get3A_869 = arith.constant 0 : i32
          %get3A_870 = tpu.memref_slice %arg8[%scan3A_133, %get3A_868, %get3A_869] : memref<2x128x128xf32, #tpu.memory_space<vmem>> -> memref<1x128x128xf32, #tpu.memory_space<vmem>>
          %get3A_871 = tpu.memref_squeeze %get3A_870 : memref<1x128x128xf32, #tpu.memory_space<vmem>> -> memref<128x128xf32, #tpu.memory_space<vmem>>
          %get3A_872 = arith.index_cast %add3A_843 : i32 to index
          %get3A_873 = arith.constant 48 : index
          %get3A_874 = tpu.vector_load %get3A_871[%get3A_872, %get3A_873] {strides = array<i32>} : memref<128x128xf32, #tpu.memory_space<vmem>>, vector<1x16xf32>,
          %get3A_875 = vector.shape_cast %get3A_874 : vector<1x16xf32> to vector<16xf32>
          %slice3A_876 = vector.extract_strided_slice %get3A_553 {offsets = [12], sizes = [1], strides = [1]} : vector<16xf32> to vector<1xf32>
          %squeeze3A_877 = vector.extract %slice3A_876[0] : f32 from vector<1xf32>
          %mul3A_878 = vector.broadcast %squeeze3A_877 : f32 to vector<16xf32>
          %mul3A_879 = arith.mulf %mul3A_878, %get3A_851 : vector<16xf32>
          %add3A_880 = arith.addf %add3A_785, %mul3A_879 : vector<16xf32>
          %mul3A_881 = vector.broadcast %squeeze3A_877 : f32 to vector<16xf32>
          %mul3A_882 = arith.mulf %mul3A_881, %get3A_859 : vector<16xf32>
          %add3A_883 = arith.addf %add3A_788, %mul3A_882 : vector<16xf32>
          %mul3A_884 = vector.broadcast %squeeze3A_877 : f32 to vector<16xf32>
          %mul3A_885 = arith.mulf %mul3A_884, %get3A_867 : vector<16xf32>
          %add3A_886 = arith.addf %add3A_791, %mul3A_885 : vector<16xf32>
          %mul3A_887 = vector.broadcast %squeeze3A_877 : f32 to vector<16xf32>
          %mul3A_888 = arith.mulf %mul3A_887, %get3A_875 : vector<16xf32>
          %add3A_889 = arith.addf %add3A_794, %mul3A_888 : vector<16xf32>
          %slice3A_890 = vector.extract_strided_slice %get3A_553 {offsets = [13], sizes = [1], strides = [1]} : vector<16xf32> to vector<1xf32>
          %squeeze3A_891 = vector.extract %slice3A_890[0] : f32 from vector<1xf32>
          %mul3A_892 = vector.broadcast %squeeze3A_891 : f32 to vector<16xf32>
          %mul3A_893 = arith.mulf %mul3A_892, %get3A_851 : vector<16xf32>
          %add3A_894 = arith.addf %add3A_799, %mul3A_893 : vector<16xf32>
          %mul3A_895 = vector.broadcast %squeeze3A_891 : f32 to vector<16xf32>
          %mul3A_896 = arith.mulf %mul3A_895, %get3A_859 : vector<16xf32>
          %add3A_897 = arith.addf %add3A_802, %mul3A_896 : vector<16xf32>
          %mul3A_898 = vector.broadcast %squeeze3A_891 : f32 to vector<16xf32>
          %mul3A_899 = arith.mulf %mul3A_898, %get3A_867 : vector<16xf32>
          %add3A_900 = arith.addf %add3A_805, %mul3A_899 : vector<16xf32>
          %mul3A_901 = vector.broadcast %squeeze3A_891 : f32 to vector<16xf32>
          %mul3A_902 = arith.mulf %mul3A_901, %get3A_875 : vector<16xf32>
          %add3A_903 = arith.addf %add3A_808, %mul3A_902 : vector<16xf32>
          %slice3A_904 = vector.extract_strided_slice %get3A_553 {offsets = [14], sizes = [1], strides = [1]} : vector<16xf32> to vector<1xf32>
          %squeeze3A_905 = vector.extract %slice3A_904[0] : f32 from vector<1xf32>
          %mul3A_906 = vector.broadcast %squeeze3A_905 : f32 to vector<16xf32>
          %mul3A_907 = arith.mulf %mul3A_906, %get3A_851 : vector<16xf32>
          %add3A_908 = arith.addf %add3A_813, %mul3A_907 : vector<16xf32>
          %mul3A_909 = vector.broadcast %squeeze3A_905 : f32 to vector<16xf32>
          %mul3A_910 = arith.mulf %mul3A_909, %get3A_859 : vector<16xf32>
          %add3A_911 = arith.addf %add3A_816, %mul3A_910 : vector<16xf32>
          %mul3A_912 = vector.broadcast %squeeze3A_905 : f32 to vector<16xf32>
          %mul3A_913 = arith.mulf %mul3A_912, %get3A_867 : vector<16xf32>
          %add3A_914 = arith.addf %add3A_819, %mul3A_913 : vector<16xf32>
          %mul3A_915 = vector.broadcast %squeeze3A_905 : f32 to vector<16xf32>
          %mul3A_916 = arith.mulf %mul3A_915, %get3A_875 : vector<16xf32>
          %add3A_917 = arith.addf %add3A_822, %mul3A_916 : vector<16xf32>
          %slice3A_918 = vector.extract_strided_slice %get3A_553 {offsets = [15], sizes = [1], strides = [1]} : vector<16xf32> to vector<1xf32>
          %squeeze3A_919 = vector.extract %slice3A_918[0] : f32 from vector<1xf32>
          %mul3A_920 = vector.broadcast %squeeze3A_919 : f32 to vector<16xf32>
          %mul3A_921 = arith.mulf %mul3A_920, %get3A_851 : vector<16xf32>
          %add3A_922 = arith.addf %add3A_827, %mul3A_921 : vector<16xf32>
          %mul3A_923 = vector.broadcast %squeeze3A_919 : f32 to vector<16xf32>
          %mul3A_924 = arith.mulf %mul3A_923, %get3A_859 : vector<16xf32>
          %add3A_925 = arith.addf %add3A_830, %mul3A_924 : vector<16xf32>
          %mul3A_926 = vector.broadcast %squeeze3A_919 : f32 to vector<16xf32>
          %mul3A_927 = arith.mulf %mul3A_926, %get3A_867 : vector<16xf32>
          %add3A_928 = arith.addf %add3A_833, %mul3A_927 : vector<16xf32>
          %mul3A_929 = vector.broadcast %squeeze3A_919 : f32 to vector<16xf32>
          %mul3A_930 = arith.mulf %mul3A_929, %get3A_875 : vector<16xf32>
          %add3A_931 = arith.addf %add3A_836, %mul3A_930 : vector<16xf32>
          scf.yield %add3A_880, %add3A_883, %add3A_886, %add3A_889, %add3A_894, %add3A_897, %add3A_900, %add3A_903, %add3A_908, %add3A_911, %add3A_914, %add3A_917, %add3A_922, %add3A_925, %add3A_928, %add3A_931 : vector<16xf32>, vector<16xf32>, vector<16xf32>, vector<16xf32>, vector<16xf32>, vector<16xf32>, vector<16xf32>, vector<16xf32>, vector<16xf32>, vector<16xf32>, vector<16xf32>, vector<16xf32>, vector<16xf32>, vector<16xf32>, vector<16xf32>, vector<16xf32>
        }
        %scan3A_232 = arith.constant 8 : i32
        %swap3A = arith.constant 0 : i32
        %swap3A_233 = arith.constant 0 : i32
        %swap3A_234 = tpu.memref_slice %arg9[%scan3A_134, %swap3A, %swap3A_233] : memref<2x4x512xf32, #tpu.memory_space<vmem>> -> memref<1x4x512xf32, #tpu.memory_space<vmem>>
        %swap3A_235 = tpu.memref_squeeze %swap3A_234 : memref<1x4x512xf32, #tpu.memory_space<vmem>> -> memref<4x512xf32, #tpu.memory_space<vmem>>
        %swap3A_236 = arith.index_cast %add3A_225 : i32 to index
        %swap3A_237 = arith.constant 0 : index
        %swap3A_238 = tpu.vector_load %swap3A_235[%swap3A_236, %swap3A_237] {strides = array<i32>} : memref<4x512xf32, #tpu.memory_space<vmem>>, vector<1x16xf32>,
        %swap3A_239 = vector.shape_cast %swap3A_238 : vector<1x16xf32> to vector<16xf32>
        %swap3A_240 = vector.shape_cast %scan3A_231#0 : vector<16xf32> to vector<1x16xf32>
        tpu.vector_store %swap3A_235[%swap3A_236, %swap3A_237], %swap3A_240 {strides = array<i32>} : memref<4x512xf32, #tpu.memory_space<vmem>>, vector<1x16xf32>,
        %swap3A_241 = arith.constant 0 : i32
        %swap3A_242 = arith.constant 0 : i32
        %swap3A_243 = tpu.memref_slice %arg9[%scan3A_134, %swap3A_241, %swap3A_242] : memref<2x4x512xf32, #tpu.memory_space<vmem>> -> memref<1x4x512xf32, #tpu.memory_space<vmem>>
        %swap3A_244 = tpu.memref_squeeze %swap3A_243 : memref<1x4x512xf32, #tpu.memory_space<vmem>> -> memref<4x512xf32, #tpu.memory_space<vmem>>
        %swap3A_245 = arith.index_cast %add3A_225 : i32 to index
        %swap3A_246 = arith.constant 16 : index
        %swap3A_247 = tpu.vector_load %swap3A_244[%swap3A_245, %swap3A_246] {strides = array<i32>} : memref<4x512xf32, #tpu.memory_space<vmem>>, vector<1x16xf32>,
        %swap3A_248 = vector.shape_cast %swap3A_247 : vector<1x16xf32> to vector<16xf32>
        %swap3A_249 = vector.shape_cast %scan3A_231#1 : vector<16xf32> to vector<1x16xf32>
        tpu.vector_store %swap3A_244[%swap3A_245, %swap3A_246], %swap3A_249 {strides = array<i32>} : memref<4x512xf32, #tpu.memory_space<vmem>>, vector<1x16xf32>,
        %swap3A_250 = arith.constant 0 : i32
        %swap3A_251 = arith.constant 0 : i32
        %swap3A_252 = tpu.memref_slice %arg9[%scan3A_134, %swap3A_250, %swap3A_251] : memref<2x4x512xf32, #tpu.memory_space<vmem>> -> memref<1x4x512xf32, #tpu.memory_space<vmem>>
        %swap3A_253 = tpu.memref_squeeze %swap3A_252 : memref<1x4x512xf32, #tpu.memory_space<vmem>> -> memref<4x512xf32, #tpu.memory_space<vmem>>
        %swap3A_254 = arith.index_cast %add3A_225 : i32 to index
        %swap3A_255 = arith.constant 32 : index
        %swap3A_256 = tpu.vector_load %swap3A_253[%swap3A_254, %swap3A_255] {strides = array<i32>} : memref<4x512xf32, #tpu.memory_space<vmem>>, vector<1x16xf32>,
        %swap3A_257 = vector.shape_cast %swap3A_256 : vector<1x16xf32> to vector<16xf32>
        %swap3A_258 = vector.shape_cast %scan3A_231#2 : vector<16xf32> to vector<1x16xf32>
        tpu.vector_store %swap3A_253[%swap3A_254, %swap3A_255], %swap3A_258 {strides = array<i32>} : memref<4x512xf32, #tpu.memory_space<vmem>>, vector<1x16xf32>,
        %swap3A_259 = arith.constant 0 : i32
        %swap3A_260 = arith.constant 0 : i32
        %swap3A_261 = tpu.memref_slice %arg9[%scan3A_134, %swap3A_259, %swap3A_260] : memref<2x4x512xf32, #tpu.memory_space<vmem>> -> memref<1x4x512xf32, #tpu.memory_space<vmem>>
        %swap3A_262 = tpu.memref_squeeze %swap3A_261 : memref<1x4x512xf32, #tpu.memory_space<vmem>> -> memref<4x512xf32, #tpu.memory_space<vmem>>
        %swap3A_263 = arith.index_cast %add3A_225 : i32 to index
        %swap3A_264 = arith.constant 48 : index
        %swap3A_265 = tpu.vector_load %swap3A_262[%swap3A_263, %swap3A_264] {strides = array<i32>} : memref<4x512xf32, #tpu.memory_space<vmem>>, vector<1x16xf32>,
        %swap3A_266 = vector.shape_cast %swap3A_265 : vector<1x16xf32> to vector<16xf32>
        %swap3A_267 = vector.shape_cast %scan3A_231#3 : vector<16xf32> to vector<1x16xf32>
        tpu.vector_store %swap3A_262[%swap3A_263, %swap3A_264], %swap3A_267 {strides = array<i32>} : memref<4x512xf32, #tpu.memory_space<vmem>>, vector<1x16xf32>,
        %swap3A_268 = arith.constant 0 : i32
        %swap3A_269 = arith.constant 0 : i32
        %swap3A_270 = tpu.memref_slice %arg9[%scan3A_134, %swap3A_268, %swap3A_269] : memref<2x4x512xf32, #tpu.memory_space<vmem>> -> memref<1x4x512xf32, #tpu.memory_space<vmem>>
        %swap3A_271 = tpu.memref_squeeze %swap3A_270 : memref<1x4x512xf32, #tpu.memory_space<vmem>> -> memref<4x512xf32, #tpu.memory_space<vmem>>
        %swap3A_272 = arith.index_cast %add3A_225 : i32 to index
        %swap3A_273 = arith.constant 128 : index
        %swap3A_274 = tpu.vector_load %swap3A_271[%swap3A_272, %swap3A_273] {strides = array<i32>} : memref<4x512xf32, #tpu.memory_space<vmem>>, vector<1x16xf32>,
        %swap3A_275 = vector.shape_cast %swap3A_274 : vector<1x16xf32> to vector<16xf32>
        %swap3A_276 = vector.shape_cast %scan3A_231#4 : vector<16xf32> to vector<1x16xf32>
        tpu.vector_store %swap3A_271[%swap3A_272, %swap3A_273], %swap3A_276 {strides = array<i32>} : memref<4x512xf32, #tpu.memory_space<vmem>>, vector<1x16xf32>,
        %swap3A_277 = arith.constant 0 : i32
        %swap3A_278 = arith.constant 0 : i32
        %swap3A_279 = tpu.memref_slice %arg9[%scan3A_134, %swap3A_277, %swap3A_278] : memref<2x4x512xf32, #tpu.memory_space<vmem>> -> memref<1x4x512xf32, #tpu.memory_space<vmem>>
        %swap3A_280 = tpu.memref_squeeze %swap3A_279 : memref<1x4x512xf32, #tpu.memory_space<vmem>> -> memref<4x512xf32, #tpu.memory_space<vmem>>
        %swap3A_281 = arith.index_cast %add3A_225 : i32 to index
        %swap3A_282 = arith.constant 144 : index
        %swap3A_283 = tpu.vector_load %swap3A_280[%swap3A_281, %swap3A_282] {strides = array<i32>} : memref<4x512xf32, #tpu.memory_space<vmem>>, vector<1x16xf32>,
        %swap3A_284 = vector.shape_cast %swap3A_283 : vector<1x16xf32> to vector<16xf32>
        %swap3A_285 = vector.shape_cast %scan3A_231#5 : vector<16xf32> to vector<1x16xf32>
        tpu.vector_store %swap3A_280[%swap3A_281, %swap3A_282], %swap3A_285 {strides = array<i32>} : memref<4x512xf32, #tpu.memory_space<vmem>>, vector<1x16xf32>,
        %swap3A_286 = arith.constant 0 : i32
        %swap3A_287 = arith.constant 0 : i32
        %swap3A_288 = tpu.memref_slice %arg9[%scan3A_134, %swap3A_286, %swap3A_287] : memref<2x4x512xf32, #tpu.memory_space<vmem>> -> memref<1x4x512xf32, #tpu.memory_space<vmem>>
        %swap3A_289 = tpu.memref_squeeze %swap3A_288 : memref<1x4x512xf32, #tpu.memory_space<vmem>> -> memref<4x512xf32, #tpu.memory_space<vmem>>
        %swap3A_290 = arith.index_cast %add3A_225 : i32 to index
        %swap3A_291 = arith.constant 160 : index
        %swap3A_292 = tpu.vector_load %swap3A_289[%swap3A_290, %swap3A_291] {strides = array<i32>} : memref<4x512xf32, #tpu.memory_space<vmem>>, vector<1x16xf32>,
        %swap3A_293 = vector.shape_cast %swap3A_292 : vector<1x16xf32> to vector<16xf32>
        %swap3A_294 = vector.shape_cast %scan3A_231#6 : vector<16xf32> to vector<1x16xf32>
        tpu.vector_store %swap3A_289[%swap3A_290, %swap3A_291], %swap3A_294 {strides = array<i32>} : memref<4x512xf32, #tpu.memory_space<vmem>>, vector<1x16xf32>,
        %swap3A_295 = arith.constant 0 : i32
        %swap3A_296 = arith.constant 0 : i32
        %swap3A_297 = tpu.memref_slice %arg9[%scan3A_134, %swap3A_295, %swap3A_296] : memref<2x4x512xf32, #tpu.memory_space<vmem>> -> memref<1x4x512xf32, #tpu.memory_space<vmem>>
        %swap3A_298 = tpu.memref_squeeze %swap3A_297 : memref<1x4x512xf32, #tpu.memory_space<vmem>> -> memref<4x512xf32, #tpu.memory_space<vmem>>
        %swap3A_299 = arith.index_cast %add3A_225 : i32 to index
        %swap3A_300 = arith.constant 176 : index
        %swap3A_301 = tpu.vector_load %swap3A_298[%swap3A_299, %swap3A_300] {strides = array<i32>} : memref<4x512xf32, #tpu.memory_space<vmem>>, vector<1x16xf32>,
        %swap3A_302 = vector.shape_cast %swap3A_301 : vector<1x16xf32> to vector<16xf32>
        %swap3A_303 = vector.shape_cast %scan3A_231#7 : vector<16xf32> to vector<1x16xf32>
        tpu.vector_store %swap3A_298[%swap3A_299, %swap3A_300], %swap3A_303 {strides = array<i32>} : memref<4x512xf32, #tpu.memory_space<vmem>>, vector<1x16xf32>,
        %swap3A_304 = arith.constant 0 : i32
        %swap3A_305 = arith.constant 0 : i32
        %swap3A_306 = tpu.memref_slice %arg9[%scan3A_134, %swap3A_304, %swap3A_305] : memref<2x4x512xf32, #tpu.memory_space<vmem>> -> memref<1x4x512xf32, #tpu.memory_space<vmem>>
        %swap3A_307 = tpu.memref_squeeze %swap3A_306 : memref<1x4x512xf32, #tpu.memory_space<vmem>> -> memref<4x512xf32, #tpu.memory_space<vmem>>
        %swap3A_308 = arith.index_cast %add3A_225 : i32 to index
        %swap3A_309 = arith.constant 256 : index
        %swap3A_310 = tpu.vector_load %swap3A_307[%swap3A_308, %swap3A_309] {strides = array<i32>} : memref<4x512xf32, #tpu.memory_space<vmem>>, vector<1x16xf32>,
        %swap3A_311 = vector.shape_cast %swap3A_310 : vector<1x16xf32> to vector<16xf32>
        %swap3A_312 = vector.shape_cast %scan3A_231#8 : vector<16xf32> to vector<1x16xf32>
        tpu.vector_store %swap3A_307[%swap3A_308, %swap3A_309], %swap3A_312 {strides = array<i32>} : memref<4x512xf32, #tpu.memory_space<vmem>>, vector<1x16xf32>,
        %swap3A_313 = arith.constant 0 : i32
        %swap3A_314 = arith.constant 0 : i32
        %swap3A_315 = tpu.memref_slice %arg9[%scan3A_134, %swap3A_313, %swap3A_314] : memref<2x4x512xf32, #tpu.memory_space<vmem>> -> memref<1x4x512xf32, #tpu.memory_space<vmem>>
        %swap3A_316 = tpu.memref_squeeze %swap3A_315 : memref<1x4x512xf32, #tpu.memory_space<vmem>> -> memref<4x512xf32, #tpu.memory_space<vmem>>
        %swap3A_317 = arith.index_cast %add3A_225 : i32 to index
        %swap3A_318 = arith.constant 272 : index
        %swap3A_319 = tpu.vector_load %swap3A_316[%swap3A_317, %swap3A_318] {strides = array<i32>} : memref<4x512xf32, #tpu.memory_space<vmem>>, vector<1x16xf32>,
        %swap3A_320 = vector.shape_cast %swap3A_319 : vector<1x16xf32> to vector<16xf32>
        %swap3A_321 = vector.shape_cast %scan3A_231#9 : vector<16xf32> to vector<1x16xf32>
        tpu.vector_store %swap3A_316[%swap3A_317, %swap3A_318], %swap3A_321 {strides = array<i32>} : memref<4x512xf32, #tpu.memory_space<vmem>>, vector<1x16xf32>,
        %swap3A_322 = arith.constant 0 : i32
        %swap3A_323 = arith.constant 0 : i32
        %swap3A_324 = tpu.memref_slice %arg9[%scan3A_134, %swap3A_322, %swap3A_323] : memref<2x4x512xf32, #tpu.memory_space<vmem>> -> memref<1x4x512xf32, #tpu.memory_space<vmem>>
        %swap3A_325 = tpu.memref_squeeze %swap3A_324 : memref<1x4x512xf32, #tpu.memory_space<vmem>> -> memref<4x512xf32, #tpu.memory_space<vmem>>
        %swap3A_326 = arith.index_cast %add3A_225 : i32 to index
        %swap3A_327 = arith.constant 288 : index
        %swap3A_328 = tpu.vector_load %swap3A_325[%swap3A_326, %swap3A_327] {strides = array<i32>} : memref<4x512xf32, #tpu.memory_space<vmem>>, vector<1x16xf32>,
        %swap3A_329 = vector.shape_cast %swap3A_328 : vector<1x16xf32> to vector<16xf32>
        %swap3A_330 = vector.shape_cast %scan3A_231#10 : vector<16xf32> to vector<1x16xf32>
        tpu.vector_store %swap3A_325[%swap3A_326, %swap3A_327], %swap3A_330 {strides = array<i32>} : memref<4x512xf32, #tpu.memory_space<vmem>>, vector<1x16xf32>,
        %swap3A_331 = arith.constant 0 : i32
        %swap3A_332 = arith.constant 0 : i32
        %swap3A_333 = tpu.memref_slice %arg9[%scan3A_134, %swap3A_331, %swap3A_332] : memref<2x4x512xf32, #tpu.memory_space<vmem>> -> memref<1x4x512xf32, #tpu.memory_space<vmem>>
        %swap3A_334 = tpu.memref_squeeze %swap3A_333 : memref<1x4x512xf32, #tpu.memory_space<vmem>> -> memref<4x512xf32, #tpu.memory_space<vmem>>
        %swap3A_335 = arith.index_cast %add3A_225 : i32 to index
        %swap3A_336 = arith.constant 304 : index
        %swap3A_337 = tpu.vector_load %swap3A_334[%swap3A_335, %swap3A_336] {strides = array<i32>} : memref<4x512xf32, #tpu.memory_space<vmem>>, vector<1x16xf32>,
        %swap3A_338 = vector.shape_cast %swap3A_337 : vector<1x16xf32> to vector<16xf32>
        %swap3A_339 = vector.shape_cast %scan3A_231#11 : vector<16xf32> to vector<1x16xf32>
        tpu.vector_store %swap3A_334[%swap3A_335, %swap3A_336], %swap3A_339 {strides = array<i32>} : memref<4x512xf32, #tpu.memory_space<vmem>>, vector<1x16xf32>,
        %swap3A_340 = arith.constant 0 : i32
        %swap3A_341 = arith.constant 0 : i32
        %swap3A_342 = tpu.memref_slice %arg9[%scan3A_134, %swap3A_340, %swap3A_341] : memref<2x4x512xf32, #tpu.memory_space<vmem>> -> memref<1x4x512xf32, #tpu.memory_space<vmem>>
        %swap3A_343 = tpu.memref_squeeze %swap3A_342 : memref<1x4x512xf32, #tpu.memory_space<vmem>> -> memref<4x512xf32, #tpu.memory_space<vmem>>
        %swap3A_344 = arith.index_cast %add3A_225 : i32 to index
        %swap3A_345 = arith.constant 384 : index
        %swap3A_346 = tpu.vector_load %swap3A_343[%swap3A_344, %swap3A_345] {strides = array<i32>} : memref<4x512xf32, #tpu.memory_space<vmem>>, vector<1x16xf32>,
        %swap3A_347 = vector.shape_cast %swap3A_346 : vector<1x16xf32> to vector<16xf32>
        %swap3A_348 = vector.shape_cast %scan3A_231#12 : vector<16xf32> to vector<1x16xf32>
        tpu.vector_store %swap3A_343[%swap3A_344, %swap3A_345], %swap3A_348 {strides = array<i32>} : memref<4x512xf32, #tpu.memory_space<vmem>>, vector<1x16xf32>,
        %swap3A_349 = arith.constant 0 : i32
        %swap3A_350 = arith.constant 0 : i32
        %swap3A_351 = tpu.memref_slice %arg9[%scan3A_134, %swap3A_349, %swap3A_350] : memref<2x4x512xf32, #tpu.memory_space<vmem>> -> memref<1x4x512xf32, #tpu.memory_space<vmem>>
        %swap3A_352 = tpu.memref_squeeze %swap3A_351 : memref<1x4x512xf32, #tpu.memory_space<vmem>> -> memref<4x512xf32, #tpu.memory_space<vmem>>
        %swap3A_353 = arith.index_cast %add3A_225 : i32 to index
        %swap3A_354 = arith.constant 400 : index
        %swap3A_355 = tpu.vector_load %swap3A_352[%swap3A_353, %swap3A_354] {strides = array<i32>} : memref<4x512xf32, #tpu.memory_space<vmem>>, vector<1x16xf32>,
        %swap3A_356 = vector.shape_cast %swap3A_355 : vector<1x16xf32> to vector<16xf32>
        %swap3A_357 = vector.shape_cast %scan3A_231#13 : vector<16xf32> to vector<1x16xf32>
        tpu.vector_store %swap3A_352[%swap3A_353, %swap3A_354], %swap3A_357 {strides = array<i32>} : memref<4x512xf32, #tpu.memory_space<vmem>>, vector<1x16xf32>,
        %swap3A_358 = arith.constant 0 : i32
        %swap3A_359 = arith.constant 0 : i32
        %swap3A_360 = tpu.memref_slice %arg9[%scan3A_134, %swap3A_358, %swap3A_359] : memref<2x4x512xf32, #tpu.memory_space<vmem>> -> memref<1x4x512xf32, #tpu.memory_space<vmem>>
        %swap3A_361 = tpu.memref_squeeze %swap3A_360 : memref<1x4x512xf32, #tpu.memory_space<vmem>> -> memref<4x512xf32, #tpu.memory_space<vmem>>
        %swap3A_362 = arith.index_cast %add3A_225 : i32 to index
        %swap3A_363 = arith.constant 416 : index
        %swap3A_364 = tpu.vector_load %swap3A_361[%swap3A_362, %swap3A_363] {strides = array<i32>} : memref<4x512xf32, #tpu.memory_space<vmem>>, vector<1x16xf32>,
        %swap3A_365 = vector.shape_cast %swap3A_364 : vector<1x16xf32> to vector<16xf32>
        %swap3A_366 = vector.shape_cast %scan3A_231#14 : vector<16xf32> to vector<1x16xf32>
        tpu.vector_store %swap3A_361[%swap3A_362, %swap3A_363], %swap3A_366 {strides = array<i32>} : memref<4x512xf32, #tpu.memory_space<vmem>>, vector<1x16xf32>,
        %swap3A_367 = arith.constant 0 : i32
        %swap3A_368 = arith.constant 0 : i32
        %swap3A_369 = tpu.memref_slice %arg9[%scan3A_134, %swap3A_367, %swap3A_368] : memref<2x4x512xf32, #tpu.memory_space<vmem>> -> memref<1x4x512xf32, #tpu.memory_space<vmem>>
        %swap3A_370 = tpu.memref_squeeze %swap3A_369 : memref<1x4x512xf32, #tpu.memory_space<vmem>> -> memref<4x512xf32, #tpu.memory_space<vmem>>
        %swap3A_371 = arith.index_cast %add3A_225 : i32 to index
        %swap3A_372 = arith.constant 432 : index
        %swap3A_373 = tpu.vector_load %swap3A_370[%swap3A_371, %swap3A_372] {strides = array<i32>} : memref<4x512xf32, #tpu.memory_space<vmem>>, vector<1x16xf32>,
        %swap3A_374 = vector.shape_cast %swap3A_373 : vector<1x16xf32> to vector<16xf32>
        %swap3A_375 = vector.shape_cast %scan3A_231#15 : vector<16xf32> to vector<1x16xf32>
        tpu.vector_store %swap3A_370[%swap3A_371, %swap3A_372], %swap3A_375 {strides = array<i32>} : memref<4x512xf32, #tpu.memory_space<vmem>>, vector<1x16xf32>,
        %broadcast_in_dim3A_376 = arith.constant 0.000000e+00 : f32
        %broadcast_in_dim3A_377 = vector.broadcast %broadcast_in_dim3A_376 : f32 to vector<16xf32>
        %scan3A_378 = arith.constant 0 : i32
        %scan3A_379 = arith.constant 8 : i32
        %scan3A_380 = arith.addi %scan3A_378, %scan3A_379 : i32
        %scan3A_381 = arith.constant 1 : i32
        %scan3A_382:16 = scf.for %scan3A_528 = %scan3A_378 to %scan3A_380 step %scan3A_381 iter_args(%scan3A_529 = %broadcast_in_dim3A_377, %scan3A_530 = %broadcast_in_dim3A_377, %scan3A_531 = %broadcast_in_dim3A_377, %scan3A_532 = %broadcast_in_dim3A_377, %scan3A_533 = %broadcast_in_dim3A_377, %scan3A_534 = %broadcast_in_dim3A_377, %scan3A_535 = %broadcast_in_dim3A_377, %scan3A_536 = %broadcast_in_dim3A_377, %scan3A_537 = %broadcast_in_dim3A_377, %scan3A_538 = %broadcast_in_dim3A_377, %scan3A_539 = %broadcast_in_dim3A_377, %scan3A_540 = %broadcast_in_dim3A_377, %scan3A_541 = %broadcast_in_dim3A_377, %scan3A_542 = %broadcast_in_dim3A_377, %scan3A_543 = %broadcast_in_dim3A_377, %scan3A_544 = %broadcast_in_dim3A_377) -> (vector<16xf32>, vector<16xf32>, vector<16xf32>, vector<16xf32>, vector<16xf32>, vector<16xf32>, vector<16xf32>, vector<16xf32>, vector<16xf32>, vector<16xf32>, vector<16xf32>, vector<16xf32>, vector<16xf32>, vector<16xf32>, vector<16xf32>, vector<16xf32>)  : i32 {
          %mul3A_545 = arith.constant 16 : i32
          %mul3A_546 = arith.muli %scan3A_528, %mul3A_545 : i32
          %get3A = arith.constant 0 : i32
          %get3A_547 = arith.constant 0 : i32
          %get3A_548 = tpu.memref_slice %arg7[%scan3A_132, %get3A, %get3A_547] : memref<2x4x128xf32, #tpu.memory_space<vmem>> -> memref<1x4x128xf32, #tpu.memory_space<vmem>>
          %get3A_549 = tpu.memref_squeeze %get3A_548 : memref<1x4x128xf32, #tpu.memory_space<vmem>> -> memref<4x128xf32, #tpu.memory_space<vmem>>
          %get3A_550 = arith.index_cast %add3A_225 : i32 to index
          %get3A_551 = arith.index_cast %mul3A_546 : i32 to index
          %get3A_552 = tpu.vector_load %get3A_549[%get3A_550, %get3A_551] {strides = array<i32>} : memref<4x128xf32, #tpu.memory_space<vmem>>, vector<1x16xf32>,
          %get3A_553 = vector.shape_cast %get3A_552 : vector<1x16xf32> to vector<16xf32>
          %mul3A_554 = arith.constant 32 : i32
          %mul3A_555 = arith.muli %add3A_225, %mul3A_554 : i32
          %mul3A_556 = arith.constant 4 : i32
          %mul3A_557 = arith.muli %scan3A_528, %mul3A_556 : i32
          %add3A_558 = arith.addi %mul3A_555, %mul3A_557 : i32
          %add3A_559 = arith.constant 0 : i32
          %add3A_560 = arith.addi %add3A_558, %add3A_559 : i32
          %get3A_561 = arith.constant 0 : i32
          %get3A_562 = arith.constant 0 : i32
          %get3A_563 = tpu.memref_slice %arg8[%scan3A_133, %get3A_561, %get3A_562] : memref<2x128x128xf32, #tpu.memory_space<vmem>> -> memref<1x128x128xf32, #tpu.memory_space<vmem>>
          %get3A_564 = tpu.memref_squeeze %get3A_563 : memref<1x128x128xf32, #tpu.memory_space<vmem>> -> memref<128x128xf32, #tpu.memory_space<vmem>>
          %get3A_565 = arith.index_cast %add3A_560 : i32 to index
          %get3A_566 = arith.constant 64 : index
          %get3A_567 = tpu.vector_load %get3A_564[%get3A_565, %get3A_566] {strides = array<i32>} : memref<128x128xf32, #tpu.memory_space<vmem>>, vector<1x16xf32>,
          %get3A_568 = vector.shape_cast %get3A_567 : vector<1x16xf32> to vector<16xf32>
          %get3A_569 = arith.constant 0 : i32
          %get3A_570 = arith.constant 0 : i32
          %get3A_571 = tpu.memref_slice %arg8[%scan3A_133, %get3A_569, %get3A_570] : memref<2x128x128xf32, #tpu.memory_space<vmem>> -> memref<1x128x128xf32, #tpu.memory_space<vmem>>
          %get3A_572 = tpu.memref_squeeze %get3A_571 : memref<1x128x128xf32, #tpu.memory_space<vmem>> -> memref<128x128xf32, #tpu.memory_space<vmem>>
          %get3A_573 = arith.index_cast %add3A_560 : i32 to index
          %get3A_574 = arith.constant 80 : index
          %get3A_575 = tpu.vector_load %get3A_572[%get3A_573, %get3A_574] {strides = array<i32>} : memref<128x128xf32, #tpu.memory_space<vmem>>, vector<1x16xf32>,
          %get3A_576 = vector.shape_cast %get3A_575 : vector<1x16xf32> to vector<16xf32>
          %get3A_577 = arith.constant 0 : i32
          %get3A_578 = arith.constant 0 : i32
          %get3A_579 = tpu.memref_slice %arg8[%scan3A_133, %get3A_577, %get3A_578] : memref<2x128x128xf32, #tpu.memory_space<vmem>> -> memref<1x128x128xf32, #tpu.memory_space<vmem>>
          %get3A_580 = tpu.memref_squeeze %get3A_579 : memref<1x128x128xf32, #tpu.memory_space<vmem>> -> memref<128x128xf32, #tpu.memory_space<vmem>>
          %get3A_581 = arith.index_cast %add3A_560 : i32 to index
          %get3A_582 = arith.constant 96 : index
          %get3A_583 = tpu.vector_load %get3A_580[%get3A_581, %get3A_582] {strides = array<i32>} : memref<128x128xf32, #tpu.memory_space<vmem>>, vector<1x16xf32>,
          %get3A_584 = vector.shape_cast %get3A_583 : vector<1x16xf32> to vector<16xf32>
          %get3A_585 = arith.constant 0 : i32
          %get3A_586 = arith.constant 0 : i32
          %get3A_587 = tpu.memref_slice %arg8[%scan3A_133, %get3A_585, %get3A_586] : memref<2x128x128xf32, #tpu.memory_space<vmem>> -> memref<1x128x128xf32, #tpu.memory_space<vmem>>
          %get3A_588 = tpu.memref_squeeze %get3A_587 : memref<1x128x128xf32, #tpu.memory_space<vmem>> -> memref<128x128xf32, #tpu.memory_space<vmem>>
          %get3A_589 = arith.index_cast %add3A_560 : i32 to index
          %get3A_590 = arith.constant 112 : index
          %get3A_591 = tpu.vector_load %get3A_588[%get3A_589, %get3A_590] {strides = array<i32>} : memref<128x128xf32, #tpu.memory_space<vmem>>, vector<1x16xf32>,
          %get3A_592 = vector.shape_cast %get3A_591 : vector<1x16xf32> to vector<16xf32>
          %slice3A = vector.extract_strided_slice %get3A_553 {offsets = [0], sizes = [1], strides = [1]} : vector<16xf32> to vector<1xf32>
          %squeeze3A = vector.extract %slice3A[0] : f32 from vector<1xf32>
          %mul3A_593 = vector.broadcast %squeeze3A : f32 to vector<16xf32>
          %mul3A_594 = arith.mulf %mul3A_593, %get3A_568 : vector<16xf32>
          %add3A_595 = arith.addf %scan3A_529, %mul3A_594 : vector<16xf32>
          %mul3A_596 = vector.broadcast %squeeze3A : f32 to vector<16xf32>
          %mul3A_597 = arith.mulf %mul3A_596, %get3A_576 : vector<16xf32>
          %add3A_598 = arith.addf %scan3A_530, %mul3A_597 : vector<16xf32>
          %mul3A_599 = vector.broadcast %squeeze3A : f32 to vector<16xf32>
          %mul3A_600 = arith.mulf %mul3A_599, %get3A_584 : vector<16xf32>
          %add3A_601 = arith.addf %scan3A_531, %mul3A_600 : vector<16xf32>
          %mul3A_602 = vector.broadcast %squeeze3A : f32 to vector<16xf32>
          %mul3A_603 = arith.mulf %mul3A_602, %get3A_592 : vector<16xf32>
          %add3A_604 = arith.addf %scan3A_532, %mul3A_603 : vector<16xf32>
          %slice3A_605 = vector.extract_strided_slice %get3A_553 {offsets = [1], sizes = [1], strides = [1]} : vector<16xf32> to vector<1xf32>
          %squeeze3A_606 = vector.extract %slice3A_605[0] : f32 from vector<1xf32>
          %mul3A_607 = vector.broadcast %squeeze3A_606 : f32 to vector<16xf32>
          %mul3A_608 = arith.mulf %mul3A_607, %get3A_568 : vector<16xf32>
          %add3A_609 = arith.addf %scan3A_533, %mul3A_608 : vector<16xf32>
          %mul3A_610 = vector.broadcast %squeeze3A_606 : f32 to vector<16xf32>
          %mul3A_611 = arith.mulf %mul3A_610, %get3A_576 : vector<16xf32>
          %add3A_612 = arith.addf %scan3A_534, %mul3A_611 : vector<16xf32>
          %mul3A_613 = vector.broadcast %squeeze3A_606 : f32 to vector<16xf32>
          %mul3A_614 = arith.mulf %mul3A_613, %get3A_584 : vector<16xf32>
          %add3A_615 = arith.addf %scan3A_535, %mul3A_614 : vector<16xf32>
          %mul3A_616 = vector.broadcast %squeeze3A_606 : f32 to vector<16xf32>
          %mul3A_617 = arith.mulf %mul3A_616, %get3A_592 : vector<16xf32>
          %add3A_618 = arith.addf %scan3A_536, %mul3A_617 : vector<16xf32>
          %slice3A_619 = vector.extract_strided_slice %get3A_553 {offsets = [2], sizes = [1], strides = [1]} : vector<16xf32> to vector<1xf32>
          %squeeze3A_620 = vector.extract %slice3A_619[0] : f32 from vector<1xf32>
          %mul3A_621 = vector.broadcast %squeeze3A_620 : f32 to vector<16xf32>
          %mul3A_622 = arith.mulf %mul3A_621, %get3A_568 : vector<16xf32>
          %add3A_623 = arith.addf %scan3A_537, %mul3A_622 : vector<16xf32>
          %mul3A_624 = vector.broadcast %squeeze3A_620 : f32 to vector<16xf32>
          %mul3A_625 = arith.mulf %mul3A_624, %get3A_576 : vector<16xf32>
          %add3A_626 = arith.addf %scan3A_538, %mul3A_625 : vector<16xf32>
          %mul3A_627 = vector.broadcast %squeeze3A_620 : f32 to vector<16xf32>
          %mul3A_628 = arith.mulf %mul3A_627, %get3A_584 : vector<16xf32>
          %add3A_629 = arith.addf %scan3A_539, %mul3A_628 : vector<16xf32>
          %mul3A_630 = vector.broadcast %squeeze3A_620 : f32 to vector<16xf32>
          %mul3A_631 = arith.mulf %mul3A_630, %get3A_592 : vector<16xf32>
          %add3A_632 = arith.addf %scan3A_540, %mul3A_631 : vector<16xf32>
          %slice3A_633 = vector.extract_strided_slice %get3A_553 {offsets = [3], sizes = [1], strides = [1]} : vector<16xf32> to vector<1xf32>
          %squeeze3A_634 = vector.extract %slice3A_633[0] : f32 from vector<1xf32>
          %mul3A_635 = vector.broadcast %squeeze3A_634 : f32 to vector<16xf32>
          %mul3A_636 = arith.mulf %mul3A_635, %get3A_568 : vector<16xf32>
          %add3A_637 = arith.addf %scan3A_541, %mul3A_636 : vector<16xf32>
          %mul3A_638 = vector.broadcast %squeeze3A_634 : f32 to vector<16xf32>
          %mul3A_639 = arith.mulf %mul3A_638, %get3A_576 : vector<16xf32>
          %add3A_640 = arith.addf %scan3A_542, %mul3A_639 : vector<16xf32>
          %mul3A_641 = vector.broadcast %squeeze3A_634 : f32 to vector<16xf32>
          %mul3A_642 = arith.mulf %mul3A_641, %get3A_584 : vector<16xf32>
          %add3A_643 = arith.addf %scan3A_543, %mul3A_642 : vector<16xf32>
          %mul3A_644 = vector.broadcast %squeeze3A_634 : f32 to vector<16xf32>
          %mul3A_645 = arith.mulf %mul3A_644, %get3A_592 : vector<16xf32>
          %add3A_646 = arith.addf %scan3A_544, %mul3A_645 : vector<16xf32>
          %mul3A_647 = arith.constant 32 : i32
          %mul3A_648 = arith.muli %add3A_225, %mul3A_647 : i32
          %mul3A_649 = arith.constant 4 : i32
          %mul3A_650 = arith.muli %scan3A_528, %mul3A_649 : i32
          %add3A_651 = arith.addi %mul3A_648, %mul3A_650 : i32
          %add3A_652 = arith.constant 1 : i32
          %add3A_653 = arith.addi %add3A_651, %add3A_652 : i32
          %get3A_654 = arith.constant 0 : i32
          %get3A_655 = arith.constant 0 : i32
          %get3A_656 = tpu.memref_slice %arg8[%scan3A_133, %get3A_654, %get3A_655] : memref<2x128x128xf32, #tpu.memory_space<vmem>> -> memref<1x128x128xf32, #tpu.memory_space<vmem>>
          %get3A_657 = tpu.memref_squeeze %get3A_656 : memref<1x128x128xf32, #tpu.memory_space<vmem>> -> memref<128x128xf32, #tpu.memory_space<vmem>>
          %get3A_658 = arith.index_cast %add3A_653 : i32 to index
          %get3A_659 = arith.constant 64 : index
          %get3A_660 = tpu.vector_load %get3A_657[%get3A_658, %get3A_659] {strides = array<i32>} : memref<128x128xf32, #tpu.memory_space<vmem>>, vector<1x16xf32>,
          %get3A_661 = vector.shape_cast %get3A_660 : vector<1x16xf32> to vector<16xf32>
          %get3A_662 = arith.constant 0 : i32
          %get3A_663 = arith.constant 0 : i32
          %get3A_664 = tpu.memref_slice %arg8[%scan3A_133, %get3A_662, %get3A_663] : memref<2x128x128xf32, #tpu.memory_space<vmem>> -> memref<1x128x128xf32, #tpu.memory_space<vmem>>
          %get3A_665 = tpu.memref_squeeze %get3A_664 : memref<1x128x128xf32, #tpu.memory_space<vmem>> -> memref<128x128xf32, #tpu.memory_space<vmem>>
          %get3A_666 = arith.index_cast %add3A_653 : i32 to index
          %get3A_667 = arith.constant 80 : index
          %get3A_668 = tpu.vector_load %get3A_665[%get3A_666, %get3A_667] {strides = array<i32>} : memref<128x128xf32, #tpu.memory_space<vmem>>, vector<1x16xf32>,
          %get3A_669 = vector.shape_cast %get3A_668 : vector<1x16xf32> to vector<16xf32>
          %get3A_670 = arith.constant 0 : i32
          %get3A_671 = arith.constant 0 : i32
          %get3A_672 = tpu.memref_slice %arg8[%scan3A_133, %get3A_670, %get3A_671] : memref<2x128x128xf32, #tpu.memory_space<vmem>> -> memref<1x128x128xf32, #tpu.memory_space<vmem>>
          %get3A_673 = tpu.memref_squeeze %get3A_672 : memref<1x128x128xf32, #tpu.memory_space<vmem>> -> memref<128x128xf32, #tpu.memory_space<vmem>>
          %get3A_674 = arith.index_cast %add3A_653 : i32 to index
          %get3A_675 = arith.constant 96 : index
          %get3A_676 = tpu.vector_load %get3A_673[%get3A_674, %get3A_675] {strides = array<i32>} : memref<128x128xf32, #tpu.memory_space<vmem>>, vector<1x16xf32>,
          %get3A_677 = vector.shape_cast %get3A_676 : vector<1x16xf32> to vector<16xf32>
          %get3A_678 = arith.constant 0 : i32
          %get3A_679 = arith.constant 0 : i32
          %get3A_680 = tpu.memref_slice %arg8[%scan3A_133, %get3A_678, %get3A_679] : memref<2x128x128xf32, #tpu.memory_space<vmem>> -> memref<1x128x128xf32, #tpu.memory_space<vmem>>
          %get3A_681 = tpu.memref_squeeze %get3A_680 : memref<1x128x128xf32, #tpu.memory_space<vmem>> -> memref<128x128xf32, #tpu.memory_space<vmem>>
          %get3A_682 = arith.index_cast %add3A_653 : i32 to index
          %get3A_683 = arith.constant 112 : index
          %get3A_684 = tpu.vector_load %get3A_681[%get3A_682, %get3A_683] {strides = array<i32>} : memref<128x128xf32, #tpu.memory_space<vmem>>, vector<1x16xf32>,
          %get3A_685 = vector.shape_cast %get3A_684 : vector<1x16xf32> to vector<16xf32>
          %slice3A_686 = vector.extract_strided_slice %get3A_553 {offsets = [4], sizes = [1], strides = [1]} : vector<16xf32> to vector<1xf32>
          %squeeze3A_687 = vector.extract %slice3A_686[0] : f32 from vector<1xf32>
          %mul3A_688 = vector.broadcast %squeeze3A_687 : f32 to vector<16xf32>
          %mul3A_689 = arith.mulf %mul3A_688, %get3A_661 : vector<16xf32>
          %add3A_690 = arith.addf %add3A_595, %mul3A_689 : vector<16xf32>
          %mul3A_691 = vector.broadcast %squeeze3A_687 : f32 to vector<16xf32>
          %mul3A_692 = arith.mulf %mul3A_691, %get3A_669 : vector<16xf32>
          %add3A_693 = arith.addf %add3A_598, %mul3A_692 : vector<16xf32>
          %mul3A_694 = vector.broadcast %squeeze3A_687 : f32 to vector<16xf32>
          %mul3A_695 = arith.mulf %mul3A_694, %get3A_677 : vector<16xf32>
          %add3A_696 = arith.addf %add3A_601, %mul3A_695 : vector<16xf32>
          %mul3A_697 = vector.broadcast %squeeze3A_687 : f32 to vector<16xf32>
          %mul3A_698 = arith.mulf %mul3A_697, %get3A_685 : vector<16xf32>
          %add3A_699 = arith.addf %add3A_604, %mul3A_698 : vector<16xf32>
          %slice3A_700 = vector.extract_strided_slice %get3A_553 {offsets = [5], sizes = [1], strides = [1]} : vector<16xf32> to vector<1xf32>
          %squeeze3A_701 = vector.extract %slice3A_700[0] : f32 from vector<1xf32>
          %mul3A_702 = vector.broadcast %squeeze3A_701 : f32 to vector<16xf32>
          %mul3A_703 = arith.mulf %mul3A_702, %get3A_661 : vector<16xf32>
          %add3A_704 = arith.addf %add3A_609, %mul3A_703 : vector<16xf32>
          %mul3A_705 = vector.broadcast %squeeze3A_701 : f32 to vector<16xf32>
          %mul3A_706 = arith.mulf %mul3A_705, %get3A_669 : vector<16xf32>
          %add3A_707 = arith.addf %add3A_612, %mul3A_706 : vector<16xf32>
          %mul3A_708 = vector.broadcast %squeeze3A_701 : f32 to vector<16xf32>
          %mul3A_709 = arith.mulf %mul3A_708, %get3A_677 : vector<16xf32>
          %add3A_710 = arith.addf %add3A_615, %mul3A_709 : vector<16xf32>
          %mul3A_711 = vector.broadcast %squeeze3A_701 : f32 to vector<16xf32>
          %mul3A_712 = arith.mulf %mul3A_711, %get3A_685 : vector<16xf32>
          %add3A_713 = arith.addf %add3A_618, %mul3A_712 : vector<16xf32>
          %slice3A_714 = vector.extract_strided_slice %get3A_553 {offsets = [6], sizes = [1], strides = [1]} : vector<16xf32> to vector<1xf32>
          %squeeze3A_715 = vector.extract %slice3A_714[0] : f32 from vector<1xf32>
          %mul3A_716 = vector.broadcast %squeeze3A_715 : f32 to vector<16xf32>
          %mul3A_717 = arith.mulf %mul3A_716, %get3A_661 : vector<16xf32>
          %add3A_718 = arith.addf %add3A_623, %mul3A_717 : vector<16xf32>
          %mul3A_719 = vector.broadcast %squeeze3A_715 : f32 to vector<16xf32>
          %mul3A_720 = arith.mulf %mul3A_719, %get3A_669 : vector<16xf32>
          %add3A_721 = arith.addf %add3A_626, %mul3A_720 : vector<16xf32>
          %mul3A_722 = vector.broadcast %squeeze3A_715 : f32 to vector<16xf32>
          %mul3A_723 = arith.mulf %mul3A_722, %get3A_677 : vector<16xf32>
          %add3A_724 = arith.addf %add3A_629, %mul3A_723 : vector<16xf32>
          %mul3A_725 = vector.broadcast %squeeze3A_715 : f32 to vector<16xf32>
          %mul3A_726 = arith.mulf %mul3A_725, %get3A_685 : vector<16xf32>
          %add3A_727 = arith.addf %add3A_632, %mul3A_726 : vector<16xf32>
          %slice3A_728 = vector.extract_strided_slice %get3A_553 {offsets = [7], sizes = [1], strides = [1]} : vector<16xf32> to vector<1xf32>
          %squeeze3A_729 = vector.extract %slice3A_728[0] : f32 from vector<1xf32>
          %mul3A_730 = vector.broadcast %squeeze3A_729 : f32 to vector<16xf32>
          %mul3A_731 = arith.mulf %mul3A_730, %get3A_661 : vector<16xf32>
          %add3A_732 = arith.addf %add3A_637, %mul3A_731 : vector<16xf32>
          %mul3A_733 = vector.broadcast %squeeze3A_729 : f32 to vector<16xf32>
          %mul3A_734 = arith.mulf %mul3A_733, %get3A_669 : vector<16xf32>
          %add3A_735 = arith.addf %add3A_640, %mul3A_734 : vector<16xf32>
          %mul3A_736 = vector.broadcast %squeeze3A_729 : f32 to vector<16xf32>
          %mul3A_737 = arith.mulf %mul3A_736, %get3A_677 : vector<16xf32>
          %add3A_738 = arith.addf %add3A_643, %mul3A_737 : vector<16xf32>
          %mul3A_739 = vector.broadcast %squeeze3A_729 : f32 to vector<16xf32>
          %mul3A_740 = arith.mulf %mul3A_739, %get3A_685 : vector<16xf32>
          %add3A_741 = arith.addf %add3A_646, %mul3A_740 : vector<16xf32>
          %mul3A_742 = arith.constant 32 : i32
          %mul3A_743 = arith.muli %add3A_225, %mul3A_742 : i32
          %mul3A_744 = arith.constant 4 : i32
          %mul3A_745 = arith.muli %scan3A_528, %mul3A_744 : i32
          %add3A_746 = arith.addi %mul3A_743, %mul3A_745 : i32
          %add3A_747 = arith.constant 2 : i32
          %add3A_748 = arith.addi %add3A_746, %add3A_747 : i32
          %get3A_749 = arith.constant 0 : i32
          %get3A_750 = arith.constant 0 : i32
          %get3A_751 = tpu.memref_slice %arg8[%scan3A_133, %get3A_749, %get3A_750] : memref<2x128x128xf32, #tpu.memory_space<vmem>> -> memref<1x128x128xf32, #tpu.memory_space<vmem>>
          %get3A_752 = tpu.memref_squeeze %get3A_751 : memref<1x128x128xf32, #tpu.memory_space<vmem>> -> memref<128x128xf32, #tpu.memory_space<vmem>>
          %get3A_753 = arith.index_cast %add3A_748 : i32 to index
          %get3A_754 = arith.constant 64 : index
          %get3A_755 = tpu.vector_load %get3A_752[%get3A_753, %get3A_754] {strides = array<i32>} : memref<128x128xf32, #tpu.memory_space<vmem>>, vector<1x16xf32>,
          %get3A_756 = vector.shape_cast %get3A_755 : vector<1x16xf32> to vector<16xf32>
          %get3A_757 = arith.constant 0 : i32
          %get3A_758 = arith.constant 0 : i32
          %get3A_759 = tpu.memref_slice %arg8[%scan3A_133, %get3A_757, %get3A_758] : memref<2x128x128xf32, #tpu.memory_space<vmem>> -> memref<1x128x128xf32, #tpu.memory_space<vmem>>
          %get3A_760 = tpu.memref_squeeze %get3A_759 : memref<1x128x128xf32, #tpu.memory_space<vmem>> -> memref<128x128xf32, #tpu.memory_space<vmem>>
          %get3A_761 = arith.index_cast %add3A_748 : i32 to index
          %get3A_762 = arith.constant 80 : index
          %get3A_763 = tpu.vector_load %get3A_760[%get3A_761, %get3A_762] {strides = array<i32>} : memref<128x128xf32, #tpu.memory_space<vmem>>, vector<1x16xf32>,
          %get3A_764 = vector.shape_cast %get3A_763 : vector<1x16xf32> to vector<16xf32>
          %get3A_765 = arith.constant 0 : i32
          %get3A_766 = arith.constant 0 : i32
          %get3A_767 = tpu.memref_slice %arg8[%scan3A_133, %get3A_765, %get3A_766] : memref<2x128x128xf32, #tpu.memory_space<vmem>> -> memref<1x128x128xf32, #tpu.memory_space<vmem>>
          %get3A_768 = tpu.memref_squeeze %get3A_767 : memref<1x128x128xf32, #tpu.memory_space<vmem>> -> memref<128x128xf32, #tpu.memory_space<vmem>>
          %get3A_769 = arith.index_cast %add3A_748 : i32 to index
          %get3A_770 = arith.constant 96 : index
          %get3A_771 = tpu.vector_load %get3A_768[%get3A_769, %get3A_770] {strides = array<i32>} : memref<128x128xf32, #tpu.memory_space<vmem>>, vector<1x16xf32>,
          %get3A_772 = vector.shape_cast %get3A_771 : vector<1x16xf32> to vector<16xf32>
          %get3A_773 = arith.constant 0 : i32
          %get3A_774 = arith.constant 0 : i32
          %get3A_775 = tpu.memref_slice %arg8[%scan3A_133, %get3A_773, %get3A_774] : memref<2x128x128xf32, #tpu.memory_space<vmem>> -> memref<1x128x128xf32, #tpu.memory_space<vmem>>
          %get3A_776 = tpu.memref_squeeze %get3A_775 : memref<1x128x128xf32, #tpu.memory_space<vmem>> -> memref<128x128xf32, #tpu.memory_space<vmem>>
          %get3A_777 = arith.index_cast %add3A_748 : i32 to index
          %get3A_778 = arith.constant 112 : index
          %get3A_779 = tpu.vector_load %get3A_776[%get3A_777, %get3A_778] {strides = array<i32>} : memref<128x128xf32, #tpu.memory_space<vmem>>, vector<1x16xf32>,
          %get3A_780 = vector.shape_cast %get3A_779 : vector<1x16xf32> to vector<16xf32>
          %slice3A_781 = vector.extract_strided_slice %get3A_553 {offsets = [8], sizes = [1], strides = [1]} : vector<16xf32> to vector<1xf32>
          %squeeze3A_782 = vector.extract %slice3A_781[0] : f32 from vector<1xf32>
          %mul3A_783 = vector.broadcast %squeeze3A_782 : f32 to vector<16xf32>
          %mul3A_784 = arith.mulf %mul3A_783, %get3A_756 : vector<16xf32>
          %add3A_785 = arith.addf %add3A_690, %mul3A_784 : vector<16xf32>
          %mul3A_786 = vector.broadcast %squeeze3A_782 : f32 to vector<16xf32>
          %mul3A_787 = arith.mulf %mul3A_786, %get3A_764 : vector<16xf32>
          %add3A_788 = arith.addf %add3A_693, %mul3A_787 : vector<16xf32>
          %mul3A_789 = vector.broadcast %squeeze3A_782 : f32 to vector<16xf32>
          %mul3A_790 = arith.mulf %mul3A_789, %get3A_772 : vector<16xf32>
          %add3A_791 = arith.addf %add3A_696, %mul3A_790 : vector<16xf32>
          %mul3A_792 = vector.broadcast %squeeze3A_782 : f32 to vector<16xf32>
          %mul3A_793 = arith.mulf %mul3A_792, %get3A_780 : vector<16xf32>
          %add3A_794 = arith.addf %add3A_699, %mul3A_793 : vector<16xf32>
          %slice3A_795 = vector.extract_strided_slice %get3A_553 {offsets = [9], sizes = [1], strides = [1]} : vector<16xf32> to vector<1xf32>
          %squeeze3A_796 = vector.extract %slice3A_795[0] : f32 from vector<1xf32>
          %mul3A_797 = vector.broadcast %squeeze3A_796 : f32 to vector<16xf32>
          %mul3A_798 = arith.mulf %mul3A_797, %get3A_756 : vector<16xf32>
          %add3A_799 = arith.addf %add3A_704, %mul3A_798 : vector<16xf32>
          %mul3A_800 = vector.broadcast %squeeze3A_796 : f32 to vector<16xf32>
          %mul3A_801 = arith.mulf %mul3A_800, %get3A_764 : vector<16xf32>
          %add3A_802 = arith.addf %add3A_707, %mul3A_801 : vector<16xf32>
          %mul3A_803 = vector.broadcast %squeeze3A_796 : f32 to vector<16xf32>
          %mul3A_804 = arith.mulf %mul3A_803, %get3A_772 : vector<16xf32>
          %add3A_805 = arith.addf %add3A_710, %mul3A_804 : vector<16xf32>
          %mul3A_806 = vector.broadcast %squeeze3A_796 : f32 to vector<16xf32>
          %mul3A_807 = arith.mulf %mul3A_806, %get3A_780 : vector<16xf32>
          %add3A_808 = arith.addf %add3A_713, %mul3A_807 : vector<16xf32>
          %slice3A_809 = vector.extract_strided_slice %get3A_553 {offsets = [10], sizes = [1], strides = [1]} : vector<16xf32> to vector<1xf32>
          %squeeze3A_810 = vector.extract %slice3A_809[0] : f32 from vector<1xf32>
          %mul3A_811 = vector.broadcast %squeeze3A_810 : f32 to vector<16xf32>
          %mul3A_812 = arith.mulf %mul3A_811, %get3A_756 : vector<16xf32>
          %add3A_813 = arith.addf %add3A_718, %mul3A_812 : vector<16xf32>
          %mul3A_814 = vector.broadcast %squeeze3A_810 : f32 to vector<16xf32>
          %mul3A_815 = arith.mulf %mul3A_814, %get3A_764 : vector<16xf32>
          %add3A_816 = arith.addf %add3A_721, %mul3A_815 : vector<16xf32>
          %mul3A_817 = vector.broadcast %squeeze3A_810 : f32 to vector<16xf32>
          %mul3A_818 = arith.mulf %mul3A_817, %get3A_772 : vector<16xf32>
          %add3A_819 = arith.addf %add3A_724, %mul3A_818 : vector<16xf32>
          %mul3A_820 = vector.broadcast %squeeze3A_810 : f32 to vector<16xf32>
          %mul3A_821 = arith.mulf %mul3A_820, %get3A_780 : vector<16xf32>
          %add3A_822 = arith.addf %add3A_727, %mul3A_821 : vector<16xf32>
          %slice3A_823 = vector.extract_strided_slice %get3A_553 {offsets = [11], sizes = [1], strides = [1]} : vector<16xf32> to vector<1xf32>
          %squeeze3A_824 = vector.extract %slice3A_823[0] : f32 from vector<1xf32>
          %mul3A_825 = vector.broadcast %squeeze3A_824 : f32 to vector<16xf32>
          %mul3A_826 = arith.mulf %mul3A_825, %get3A_756 : vector<16xf32>
          %add3A_827 = arith.addf %add3A_732, %mul3A_826 : vector<16xf32>
          %mul3A_828 = vector.broadcast %squeeze3A_824 : f32 to vector<16xf32>
          %mul3A_829 = arith.mulf %mul3A_828, %get3A_764 : vector<16xf32>
          %add3A_830 = arith.addf %add3A_735, %mul3A_829 : vector<16xf32>
          %mul3A_831 = vector.broadcast %squeeze3A_824 : f32 to vector<16xf32>
          %mul3A_832 = arith.mulf %mul3A_831, %get3A_772 : vector<16xf32>
          %add3A_833 = arith.addf %add3A_738, %mul3A_832 : vector<16xf32>
          %mul3A_834 = vector.broadcast %squeeze3A_824 : f32 to vector<16xf32>
          %mul3A_835 = arith.mulf %mul3A_834, %get3A_780 : vector<16xf32>
          %add3A_836 = arith.addf %add3A_741, %mul3A_835 : vector<16xf32>
          %mul3A_837 = arith.constant 32 : i32
          %mul3A_838 = arith.muli %add3A_225, %mul3A_837 : i32
          %mul3A_839 = arith.constant 4 : i32
          %mul3A_840 = arith.muli %scan3A_528, %mul3A_839 : i32
          %add3A_841 = arith.addi %mul3A_838, %mul3A_840 : i32
          %add3A_842 = arith.constant 3 : i32
          %add3A_843 = arith.addi %add3A_841, %add3A_842 : i32
          %get3A_844 = arith.constant 0 : i32
          %get3A_845 = arith.constant 0 : i32
          %get3A_846 = tpu.memref_slice %arg8[%scan3A_133, %get3A_844, %get3A_845] : memref<2x128x128xf32, #tpu.memory_space<vmem>> -> memref<1x128x128xf32, #tpu.memory_space<vmem>>
          %get3A_847 = tpu.memref_squeeze %get3A_846 : memref<1x128x128xf32, #tpu.memory_space<vmem>> -> memref<128x128xf32, #tpu.memory_space<vmem>>
          %get3A_848 = arith.index_cast %add3A_843 : i32 to index
          %get3A_849 = arith.constant 64 : index
          %get3A_850 = tpu.vector_load %get3A_847[%get3A_848, %get3A_849] {strides = array<i32>} : memref<128x128xf32, #tpu.memory_space<vmem>>, vector<1x16xf32>,
          %get3A_851 = vector.shape_cast %get3A_850 : vector<1x16xf32> to vector<16xf32>
          %get3A_852 = arith.constant 0 : i32
          %get3A_853 = arith.constant 0 : i32
          %get3A_854 = tpu.memref_slice %arg8[%scan3A_133, %get3A_852, %get3A_853] : memref<2x128x128xf32, #tpu.memory_space<vmem>> -> memref<1x128x128xf32, #tpu.memory_space<vmem>>
          %get3A_855 = tpu.memref_squeeze %get3A_854 : memref<1x128x128xf32, #tpu.memory_space<vmem>> -> memref<128x128xf32, #tpu.memory_space<vmem>>
          %get3A_856 = arith.index_cast %add3A_843 : i32 to index
          %get3A_857 = arith.constant 80 : index
          %get3A_858 = tpu.vector_load %get3A_855[%get3A_856, %get3A_857] {strides = array<i32>} : memref<128x128xf32, #tpu.memory_space<vmem>>, vector<1x16xf32>,
          %get3A_859 = vector.shape_cast %get3A_858 : vector<1x16xf32> to vector<16xf32>
          %get3A_860 = arith.constant 0 : i32
          %get3A_861 = arith.constant 0 : i32
          %get3A_862 = tpu.memref_slice %arg8[%scan3A_133, %get3A_860, %get3A_861] : memref<2x128x128xf32, #tpu.memory_space<vmem>> -> memref<1x128x128xf32, #tpu.memory_space<vmem>>
          %get3A_863 = tpu.memref_squeeze %get3A_862 : memref<1x128x128xf32, #tpu.memory_space<vmem>> -> memref<128x128xf32, #tpu.memory_space<vmem>>
          %get3A_864 = arith.index_cast %add3A_843 : i32 to index
          %get3A_865 = arith.constant 96 : index
          %get3A_866 = tpu.vector_load %get3A_863[%get3A_864, %get3A_865] {strides = array<i32>} : memref<128x128xf32, #tpu.memory_space<vmem>>, vector<1x16xf32>,
          %get3A_867 = vector.shape_cast %get3A_866 : vector<1x16xf32> to vector<16xf32>
          %get3A_868 = arith.constant 0 : i32
          %get3A_869 = arith.constant 0 : i32
          %get3A_870 = tpu.memref_slice %arg8[%scan3A_133, %get3A_868, %get3A_869] : memref<2x128x128xf32, #tpu.memory_space<vmem>> -> memref<1x128x128xf32, #tpu.memory_space<vmem>>
          %get3A_871 = tpu.memref_squeeze %get3A_870 : memref<1x128x128xf32, #tpu.memory_space<vmem>> -> memref<128x128xf32, #tpu.memory_space<vmem>>
          %get3A_872 = arith.index_cast %add3A_843 : i32 to index
          %get3A_873 = arith.constant 112 : index
          %get3A_874 = tpu.vector_load %get3A_871[%get3A_872, %get3A_873] {strides = array<i32>} : memref<128x128xf32, #tpu.memory_space<vmem>>, vector<1x16xf32>,
          %get3A_875 = vector.shape_cast %get3A_874 : vector<1x16xf32> to vector<16xf32>
          %slice3A_876 = vector.extract_strided_slice %get3A_553 {offsets = [12], sizes = [1], strides = [1]} : vector<16xf32> to vector<1xf32>
          %squeeze3A_877 = vector.extract %slice3A_876[0] : f32 from vector<1xf32>
          %mul3A_878 = vector.broadcast %squeeze3A_877 : f32 to vector<16xf32>
          %mul3A_879 = arith.mulf %mul3A_878, %get3A_851 : vector<16xf32>
          %add3A_880 = arith.addf %add3A_785, %mul3A_879 : vector<16xf32>
          %mul3A_881 = vector.broadcast %squeeze3A_877 : f32 to vector<16xf32>
          %mul3A_882 = arith.mulf %mul3A_881, %get3A_859 : vector<16xf32>
          %add3A_883 = arith.addf %add3A_788, %mul3A_882 : vector<16xf32>
          %mul3A_884 = vector.broadcast %squeeze3A_877 : f32 to vector<16xf32>
          %mul3A_885 = arith.mulf %mul3A_884, %get3A_867 : vector<16xf32>
          %add3A_886 = arith.addf %add3A_791, %mul3A_885 : vector<16xf32>
          %mul3A_887 = vector.broadcast %squeeze3A_877 : f32 to vector<16xf32>
          %mul3A_888 = arith.mulf %mul3A_887, %get3A_875 : vector<16xf32>
          %add3A_889 = arith.addf %add3A_794, %mul3A_888 : vector<16xf32>
          %slice3A_890 = vector.extract_strided_slice %get3A_553 {offsets = [13], sizes = [1], strides = [1]} : vector<16xf32> to vector<1xf32>
          %squeeze3A_891 = vector.extract %slice3A_890[0] : f32 from vector<1xf32>
          %mul3A_892 = vector.broadcast %squeeze3A_891 : f32 to vector<16xf32>
          %mul3A_893 = arith.mulf %mul3A_892, %get3A_851 : vector<16xf32>
          %add3A_894 = arith.addf %add3A_799, %mul3A_893 : vector<16xf32>
          %mul3A_895 = vector.broadcast %squeeze3A_891 : f32 to vector<16xf32>
          %mul3A_896 = arith.mulf %mul3A_895, %get3A_859 : vector<16xf32>
          %add3A_897 = arith.addf %add3A_802, %mul3A_896 : vector<16xf32>
          %mul3A_898 = vector.broadcast %squeeze3A_891 : f32 to vector<16xf32>
          %mul3A_899 = arith.mulf %mul3A_898, %get3A_867 : vector<16xf32>
          %add3A_900 = arith.addf %add3A_805, %mul3A_899 : vector<16xf32>
          %mul3A_901 = vector.broadcast %squeeze3A_891 : f32 to vector<16xf32>
          %mul3A_902 = arith.mulf %mul3A_901, %get3A_875 : vector<16xf32>
          %add3A_903 = arith.addf %add3A_808, %mul3A_902 : vector<16xf32>
          %slice3A_904 = vector.extract_strided_slice %get3A_553 {offsets = [14], sizes = [1], strides = [1]} : vector<16xf32> to vector<1xf32>
          %squeeze3A_905 = vector.extract %slice3A_904[0] : f32 from vector<1xf32>
          %mul3A_906 = vector.broadcast %squeeze3A_905 : f32 to vector<16xf32>
          %mul3A_907 = arith.mulf %mul3A_906, %get3A_851 : vector<16xf32>
          %add3A_908 = arith.addf %add3A_813, %mul3A_907 : vector<16xf32>
          %mul3A_909 = vector.broadcast %squeeze3A_905 : f32 to vector<16xf32>
          %mul3A_910 = arith.mulf %mul3A_909, %get3A_859 : vector<16xf32>
          %add3A_911 = arith.addf %add3A_816, %mul3A_910 : vector<16xf32>
          %mul3A_912 = vector.broadcast %squeeze3A_905 : f32 to vector<16xf32>
          %mul3A_913 = arith.mulf %mul3A_912, %get3A_867 : vector<16xf32>
          %add3A_914 = arith.addf %add3A_819, %mul3A_913 : vector<16xf32>
          %mul3A_915 = vector.broadcast %squeeze3A_905 : f32 to vector<16xf32>
          %mul3A_916 = arith.mulf %mul3A_915, %get3A_875 : vector<16xf32>
          %add3A_917 = arith.addf %add3A_822, %mul3A_916 : vector<16xf32>
          %slice3A_918 = vector.extract_strided_slice %get3A_553 {offsets = [15], sizes = [1], strides = [1]} : vector<16xf32> to vector<1xf32>
          %squeeze3A_919 = vector.extract %slice3A_918[0] : f32 from vector<1xf32>
          %mul3A_920 = vector.broadcast %squeeze3A_919 : f32 to vector<16xf32>
          %mul3A_921 = arith.mulf %mul3A_920, %get3A_851 : vector<16xf32>
          %add3A_922 = arith.addf %add3A_827, %mul3A_921 : vector<16xf32>
          %mul3A_923 = vector.broadcast %squeeze3A_919 : f32 to vector<16xf32>
          %mul3A_924 = arith.mulf %mul3A_923, %get3A_859 : vector<16xf32>
          %add3A_925 = arith.addf %add3A_830, %mul3A_924 : vector<16xf32>
          %mul3A_926 = vector.broadcast %squeeze3A_919 : f32 to vector<16xf32>
          %mul3A_927 = arith.mulf %mul3A_926, %get3A_867 : vector<16xf32>
          %add3A_928 = arith.addf %add3A_833, %mul3A_927 : vector<16xf32>
          %mul3A_929 = vector.broadcast %squeeze3A_919 : f32 to vector<16xf32>
          %mul3A_930 = arith.mulf %mul3A_929, %get3A_875 : vector<16xf32>
          %add3A_931 = arith.addf %add3A_836, %mul3A_930 : vector<16xf32>
          scf.yield %add3A_880, %add3A_883, %add3A_886, %add3A_889, %add3A_894, %add3A_897, %add3A_900, %add3A_903, %add3A_908, %add3A_911, %add3A_914, %add3A_917, %add3A_922, %add3A_925, %add3A_928, %add3A_931 : vector<16xf32>, vector<16xf32>, vector<16xf32>, vector<16xf32>, vector<16xf32>, vector<16xf32>, vector<16xf32>, vector<16xf32>, vector<16xf32>, vector<16xf32>, vector<16xf32>, vector<16xf32>, vector<16xf32>, vector<16xf32>, vector<16xf32>, vector<16xf32>
        }
        %scan3A_383 = arith.constant 8 : i32
        %swap3A_384 = arith.constant 0 : i32
        %swap3A_385 = arith.constant 0 : i32
        %swap3A_386 = tpu.memref_slice %arg9[%scan3A_134, %swap3A_384, %swap3A_385] : memref<2x4x512xf32, #tpu.memory_space<vmem>> -> memref<1x4x512xf32, #tpu.memory_space<vmem>>
        %swap3A_387 = tpu.memref_squeeze %swap3A_386 : memref<1x4x512xf32, #tpu.memory_space<vmem>> -> memref<4x512xf32, #tpu.memory_space<vmem>>
        %swap3A_388 = arith.index_cast %add3A_225 : i32 to index
        %swap3A_389 = arith.constant 64 : index
        %swap3A_390 = tpu.vector_load %swap3A_387[%swap3A_388, %swap3A_389] {strides = array<i32>} : memref<4x512xf32, #tpu.memory_space<vmem>>, vector<1x16xf32>,
        %swap3A_391 = vector.shape_cast %swap3A_390 : vector<1x16xf32> to vector<16xf32>
        %swap3A_392 = vector.shape_cast %scan3A_382#0 : vector<16xf32> to vector<1x16xf32>
        tpu.vector_store %swap3A_387[%swap3A_388, %swap3A_389], %swap3A_392 {strides = array<i32>} : memref<4x512xf32, #tpu.memory_space<vmem>>, vector<1x16xf32>,
        %swap3A_393 = arith.constant 0 : i32
        %swap3A_394 = arith.constant 0 : i32
        %swap3A_395 = tpu.memref_slice %arg9[%scan3A_134, %swap3A_393, %swap3A_394] : memref<2x4x512xf32, #tpu.memory_space<vmem>> -> memref<1x4x512xf32, #tpu.memory_space<vmem>>
        %swap3A_396 = tpu.memref_squeeze %swap3A_395 : memref<1x4x512xf32, #tpu.memory_space<vmem>> -> memref<4x512xf32, #tpu.memory_space<vmem>>
        %swap3A_397 = arith.index_cast %add3A_225 : i32 to index
        %swap3A_398 = arith.constant 80 : index
        %swap3A_399 = tpu.vector_load %swap3A_396[%swap3A_397, %swap3A_398] {strides = array<i32>} : memref<4x512xf32, #tpu.memory_space<vmem>>, vector<1x16xf32>,
        %swap3A_400 = vector.shape_cast %swap3A_399 : vector<1x16xf32> to vector<16xf32>
        %swap3A_401 = vector.shape_cast %scan3A_382#1 : vector<16xf32> to vector<1x16xf32>
        tpu.vector_store %swap3A_396[%swap3A_397, %swap3A_398], %swap3A_401 {strides = array<i32>} : memref<4x512xf32, #tpu.memory_space<vmem>>, vector<1x16xf32>,
        %swap3A_402 = arith.constant 0 : i32
        %swap3A_403 = arith.constant 0 : i32
        %swap3A_404 = tpu.memref_slice %arg9[%scan3A_134, %swap3A_402, %swap3A_403] : memref<2x4x512xf32, #tpu.memory_space<vmem>> -> memref<1x4x512xf32, #tpu.memory_space<vmem>>
        %swap3A_405 = tpu.memref_squeeze %swap3A_404 : memref<1x4x512xf32, #tpu.memory_space<vmem>> -> memref<4x512xf32, #tpu.memory_space<vmem>>
        %swap3A_406 = arith.index_cast %add3A_225 : i32 to index
        %swap3A_407 = arith.constant 96 : index
        %swap3A_408 = tpu.vector_load %swap3A_405[%swap3A_406, %swap3A_407] {strides = array<i32>} : memref<4x512xf32, #tpu.memory_space<vmem>>, vector<1x16xf32>,
        %swap3A_409 = vector.shape_cast %swap3A_408 : vector<1x16xf32> to vector<16xf32>
        %swap3A_410 = vector.shape_cast %scan3A_382#2 : vector<16xf32> to vector<1x16xf32>
        tpu.vector_store %swap3A_405[%swap3A_406, %swap3A_407], %swap3A_410 {strides = array<i32>} : memref<4x512xf32, #tpu.memory_space<vmem>>, vector<1x16xf32>,
        %swap3A_411 = arith.constant 0 : i32
        %swap3A_412 = arith.constant 0 : i32
        %swap3A_413 = tpu.memref_slice %arg9[%scan3A_134, %swap3A_411, %swap3A_412] : memref<2x4x512xf32, #tpu.memory_space<vmem>> -> memref<1x4x512xf32, #tpu.memory_space<vmem>>
        %swap3A_414 = tpu.memref_squeeze %swap3A_413 : memref<1x4x512xf32, #tpu.memory_space<vmem>> -> memref<4x512xf32, #tpu.memory_space<vmem>>
        %swap3A_415 = arith.index_cast %add3A_225 : i32 to index
        %swap3A_416 = arith.constant 112 : index
        %swap3A_417 = tpu.vector_load %swap3A_414[%swap3A_415, %swap3A_416] {strides = array<i32>} : memref<4x512xf32, #tpu.memory_space<vmem>>, vector<1x16xf32>,
        %swap3A_418 = vector.shape_cast %swap3A_417 : vector<1x16xf32> to vector<16xf32>
        %swap3A_419 = vector.shape_cast %scan3A_382#3 : vector<16xf32> to vector<1x16xf32>
        tpu.vector_store %swap3A_414[%swap3A_415, %swap3A_416], %swap3A_419 {strides = array<i32>} : memref<4x512xf32, #tpu.memory_space<vmem>>, vector<1x16xf32>,
        %swap3A_420 = arith.constant 0 : i32
        %swap3A_421 = arith.constant 0 : i32
        %swap3A_422 = tpu.memref_slice %arg9[%scan3A_134, %swap3A_420, %swap3A_421] : memref<2x4x512xf32, #tpu.memory_space<vmem>> -> memref<1x4x512xf32, #tpu.memory_space<vmem>>
        %swap3A_423 = tpu.memref_squeeze %swap3A_422 : memref<1x4x512xf32, #tpu.memory_space<vmem>> -> memref<4x512xf32, #tpu.memory_space<vmem>>
        %swap3A_424 = arith.index_cast %add3A_225 : i32 to index
        %swap3A_425 = arith.constant 192 : index
        %swap3A_426 = tpu.vector_load %swap3A_423[%swap3A_424, %swap3A_425] {strides = array<i32>} : memref<4x512xf32, #tpu.memory_space<vmem>>, vector<1x16xf32>,
        %swap3A_427 = vector.shape_cast %swap3A_426 : vector<1x16xf32> to vector<16xf32>
        %swap3A_428 = vector.shape_cast %scan3A_382#4 : vector<16xf32> to vector<1x16xf32>
        tpu.vector_store %swap3A_423[%swap3A_424, %swap3A_425], %swap3A_428 {strides = array<i32>} : memref<4x512xf32, #tpu.memory_space<vmem>>, vector<1x16xf32>,
        %swap3A_429 = arith.constant 0 : i32
        %swap3A_430 = arith.constant 0 : i32
        %swap3A_431 = tpu.memref_slice %arg9[%scan3A_134, %swap3A_429, %swap3A_430] : memref<2x4x512xf32, #tpu.memory_space<vmem>> -> memref<1x4x512xf32, #tpu.memory_space<vmem>>
        %swap3A_432 = tpu.memref_squeeze %swap3A_431 : memref<1x4x512xf32, #tpu.memory_space<vmem>> -> memref<4x512xf32, #tpu.memory_space<vmem>>
        %swap3A_433 = arith.index_cast %add3A_225 : i32 to index
        %swap3A_434 = arith.constant 208 : index
        %swap3A_435 = tpu.vector_load %swap3A_432[%swap3A_433, %swap3A_434] {strides = array<i32>} : memref<4x512xf32, #tpu.memory_space<vmem>>, vector<1x16xf32>,
        %swap3A_436 = vector.shape_cast %swap3A_435 : vector<1x16xf32> to vector<16xf32>
        %swap3A_437 = vector.shape_cast %scan3A_382#5 : vector<16xf32> to vector<1x16xf32>
        tpu.vector_store %swap3A_432[%swap3A_433, %swap3A_434], %swap3A_437 {strides = array<i32>} : memref<4x512xf32, #tpu.memory_space<vmem>>, vector<1x16xf32>,
        %swap3A_438 = arith.constant 0 : i32
        %swap3A_439 = arith.constant 0 : i32
        %swap3A_440 = tpu.memref_slice %arg9[%scan3A_134, %swap3A_438, %swap3A_439] : memref<2x4x512xf32, #tpu.memory_space<vmem>> -> memref<1x4x512xf32, #tpu.memory_space<vmem>>
        %swap3A_441 = tpu.memref_squeeze %swap3A_440 : memref<1x4x512xf32, #tpu.memory_space<vmem>> -> memref<4x512xf32, #tpu.memory_space<vmem>>
        %swap3A_442 = arith.index_cast %add3A_225 : i32 to index
        %swap3A_443 = arith.constant 224 : index
        %swap3A_444 = tpu.vector_load %swap3A_441[%swap3A_442, %swap3A_443] {strides = array<i32>} : memref<4x512xf32, #tpu.memory_space<vmem>>, vector<1x16xf32>,
        %swap3A_445 = vector.shape_cast %swap3A_444 : vector<1x16xf32> to vector<16xf32>
        %swap3A_446 = vector.shape_cast %scan3A_382#6 : vector<16xf32> to vector<1x16xf32>
        tpu.vector_store %swap3A_441[%swap3A_442, %swap3A_443], %swap3A_446 {strides = array<i32>} : memref<4x512xf32, #tpu.memory_space<vmem>>, vector<1x16xf32>,
        %swap3A_447 = arith.constant 0 : i32
        %swap3A_448 = arith.constant 0 : i32
        %swap3A_449 = tpu.memref_slice %arg9[%scan3A_134, %swap3A_447, %swap3A_448] : memref<2x4x512xf32, #tpu.memory_space<vmem>> -> memref<1x4x512xf32, #tpu.memory_space<vmem>>
        %swap3A_450 = tpu.memref_squeeze %swap3A_449 : memref<1x4x512xf32, #tpu.memory_space<vmem>> -> memref<4x512xf32, #tpu.memory_space<vmem>>
        %swap3A_451 = arith.index_cast %add3A_225 : i32 to index
        %swap3A_452 = arith.constant 240 : index
        %swap3A_453 = tpu.vector_load %swap3A_450[%swap3A_451, %swap3A_452] {strides = array<i32>} : memref<4x512xf32, #tpu.memory_space<vmem>>, vector<1x16xf32>,
        %swap3A_454 = vector.shape_cast %swap3A_453 : vector<1x16xf32> to vector<16xf32>
        %swap3A_455 = vector.shape_cast %scan3A_382#7 : vector<16xf32> to vector<1x16xf32>
        tpu.vector_store %swap3A_450[%swap3A_451, %swap3A_452], %swap3A_455 {strides = array<i32>} : memref<4x512xf32, #tpu.memory_space<vmem>>, vector<1x16xf32>,
        %swap3A_456 = arith.constant 0 : i32
        %swap3A_457 = arith.constant 0 : i32
        %swap3A_458 = tpu.memref_slice %arg9[%scan3A_134, %swap3A_456, %swap3A_457] : memref<2x4x512xf32, #tpu.memory_space<vmem>> -> memref<1x4x512xf32, #tpu.memory_space<vmem>>
        %swap3A_459 = tpu.memref_squeeze %swap3A_458 : memref<1x4x512xf32, #tpu.memory_space<vmem>> -> memref<4x512xf32, #tpu.memory_space<vmem>>
        %swap3A_460 = arith.index_cast %add3A_225 : i32 to index
        %swap3A_461 = arith.constant 320 : index
        %swap3A_462 = tpu.vector_load %swap3A_459[%swap3A_460, %swap3A_461] {strides = array<i32>} : memref<4x512xf32, #tpu.memory_space<vmem>>, vector<1x16xf32>,
        %swap3A_463 = vector.shape_cast %swap3A_462 : vector<1x16xf32> to vector<16xf32>
        %swap3A_464 = vector.shape_cast %scan3A_382#8 : vector<16xf32> to vector<1x16xf32>
        tpu.vector_store %swap3A_459[%swap3A_460, %swap3A_461], %swap3A_464 {strides = array<i32>} : memref<4x512xf32, #tpu.memory_space<vmem>>, vector<1x16xf32>,
        %swap3A_465 = arith.constant 0 : i32
        %swap3A_466 = arith.constant 0 : i32
        %swap3A_467 = tpu.memref_slice %arg9[%scan3A_134, %swap3A_465, %swap3A_466] : memref<2x4x512xf32, #tpu.memory_space<vmem>> -> memref<1x4x512xf32, #tpu.memory_space<vmem>>
        %swap3A_468 = tpu.memref_squeeze %swap3A_467 : memref<1x4x512xf32, #tpu.memory_space<vmem>> -> memref<4x512xf32, #tpu.memory_space<vmem>>
        %swap3A_469 = arith.index_cast %add3A_225 : i32 to index
        %swap3A_470 = arith.constant 336 : index
        %swap3A_471 = tpu.vector_load %swap3A_468[%swap3A_469, %swap3A_470] {strides = array<i32>} : memref<4x512xf32, #tpu.memory_space<vmem>>, vector<1x16xf32>,
        %swap3A_472 = vector.shape_cast %swap3A_471 : vector<1x16xf32> to vector<16xf32>
        %swap3A_473 = vector.shape_cast %scan3A_382#9 : vector<16xf32> to vector<1x16xf32>
        tpu.vector_store %swap3A_468[%swap3A_469, %swap3A_470], %swap3A_473 {strides = array<i32>} : memref<4x512xf32, #tpu.memory_space<vmem>>, vector<1x16xf32>,
        %swap3A_474 = arith.constant 0 : i32
        %swap3A_475 = arith.constant 0 : i32
        %swap3A_476 = tpu.memref_slice %arg9[%scan3A_134, %swap3A_474, %swap3A_475] : memref<2x4x512xf32, #tpu.memory_space<vmem>> -> memref<1x4x512xf32, #tpu.memory_space<vmem>>
        %swap3A_477 = tpu.memref_squeeze %swap3A_476 : memref<1x4x512xf32, #tpu.memory_space<vmem>> -> memref<4x512xf32, #tpu.memory_space<vmem>>
        %swap3A_478 = arith.index_cast %add3A_225 : i32 to index
        %swap3A_479 = arith.constant 352 : index
        %swap3A_480 = tpu.vector_load %swap3A_477[%swap3A_478, %swap3A_479] {strides = array<i32>} : memref<4x512xf32, #tpu.memory_space<vmem>>, vector<1x16xf32>,
        %swap3A_481 = vector.shape_cast %swap3A_480 : vector<1x16xf32> to vector<16xf32>
        %swap3A_482 = vector.shape_cast %scan3A_382#10 : vector<16xf32> to vector<1x16xf32>
        tpu.vector_store %swap3A_477[%swap3A_478, %swap3A_479], %swap3A_482 {strides = array<i32>} : memref<4x512xf32, #tpu.memory_space<vmem>>, vector<1x16xf32>,
        %swap3A_483 = arith.constant 0 : i32
        %swap3A_484 = arith.constant 0 : i32
        %swap3A_485 = tpu.memref_slice %arg9[%scan3A_134, %swap3A_483, %swap3A_484] : memref<2x4x512xf32, #tpu.memory_space<vmem>> -> memref<1x4x512xf32, #tpu.memory_space<vmem>>
        %swap3A_486 = tpu.memref_squeeze %swap3A_485 : memref<1x4x512xf32, #tpu.memory_space<vmem>> -> memref<4x512xf32, #tpu.memory_space<vmem>>
        %swap3A_487 = arith.index_cast %add3A_225 : i32 to index
        %swap3A_488 = arith.constant 368 : index
        %swap3A_489 = tpu.vector_load %swap3A_486[%swap3A_487, %swap3A_488] {strides = array<i32>} : memref<4x512xf32, #tpu.memory_space<vmem>>, vector<1x16xf32>,
        %swap3A_490 = vector.shape_cast %swap3A_489 : vector<1x16xf32> to vector<16xf32>
        %swap3A_491 = vector.shape_cast %scan3A_382#11 : vector<16xf32> to vector<1x16xf32>
        tpu.vector_store %swap3A_486[%swap3A_487, %swap3A_488], %swap3A_491 {strides = array<i32>} : memref<4x512xf32, #tpu.memory_space<vmem>>, vector<1x16xf32>,
        %swap3A_492 = arith.constant 0 : i32
        %swap3A_493 = arith.constant 0 : i32
        %swap3A_494 = tpu.memref_slice %arg9[%scan3A_134, %swap3A_492, %swap3A_493] : memref<2x4x512xf32, #tpu.memory_space<vmem>> -> memref<1x4x512xf32, #tpu.memory_space<vmem>>
        %swap3A_495 = tpu.memref_squeeze %swap3A_494 : memref<1x4x512xf32, #tpu.memory_space<vmem>> -> memref<4x512xf32, #tpu.memory_space<vmem>>
        %swap3A_496 = arith.index_cast %add3A_225 : i32 to index
        %swap3A_497 = arith.constant 448 : index
        %swap3A_498 = tpu.vector_load %swap3A_495[%swap3A_496, %swap3A_497] {strides = array<i32>} : memref<4x512xf32, #tpu.memory_space<vmem>>, vector<1x16xf32>,
        %swap3A_499 = vector.shape_cast %swap3A_498 : vector<1x16xf32> to vector<16xf32>
        %swap3A_500 = vector.shape_cast %scan3A_382#12 : vector<16xf32> to vector<1x16xf32>
        tpu.vector_store %swap3A_495[%swap3A_496, %swap3A_497], %swap3A_500 {strides = array<i32>} : memref<4x512xf32, #tpu.memory_space<vmem>>, vector<1x16xf32>,
        %swap3A_501 = arith.constant 0 : i32
        %swap3A_502 = arith.constant 0 : i32
        %swap3A_503 = tpu.memref_slice %arg9[%scan3A_134, %swap3A_501, %swap3A_502] : memref<2x4x512xf32, #tpu.memory_space<vmem>> -> memref<1x4x512xf32, #tpu.memory_space<vmem>>
        %swap3A_504 = tpu.memref_squeeze %swap3A_503 : memref<1x4x512xf32, #tpu.memory_space<vmem>> -> memref<4x512xf32, #tpu.memory_space<vmem>>
        %swap3A_505 = arith.index_cast %add3A_225 : i32 to index
        %swap3A_506 = arith.constant 464 : index
        %swap3A_507 = tpu.vector_load %swap3A_504[%swap3A_505, %swap3A_506] {strides = array<i32>} : memref<4x512xf32, #tpu.memory_space<vmem>>, vector<1x16xf32>,
        %swap3A_508 = vector.shape_cast %swap3A_507 : vector<1x16xf32> to vector<16xf32>
        %swap3A_509 = vector.shape_cast %scan3A_382#13 : vector<16xf32> to vector<1x16xf32>
        tpu.vector_store %swap3A_504[%swap3A_505, %swap3A_506], %swap3A_509 {strides = array<i32>} : memref<4x512xf32, #tpu.memory_space<vmem>>, vector<1x16xf32>,
        %swap3A_510 = arith.constant 0 : i32
        %swap3A_511 = arith.constant 0 : i32
        %swap3A_512 = tpu.memref_slice %arg9[%scan3A_134, %swap3A_510, %swap3A_511] : memref<2x4x512xf32, #tpu.memory_space<vmem>> -> memref<1x4x512xf32, #tpu.memory_space<vmem>>
        %swap3A_513 = tpu.memref_squeeze %swap3A_512 : memref<1x4x512xf32, #tpu.memory_space<vmem>> -> memref<4x512xf32, #tpu.memory_space<vmem>>
        %swap3A_514 = arith.index_cast %add3A_225 : i32 to index
        %swap3A_515 = arith.constant 480 : index
        %swap3A_516 = tpu.vector_load %swap3A_513[%swap3A_514, %swap3A_515] {strides = array<i32>} : memref<4x512xf32, #tpu.memory_space<vmem>>, vector<1x16xf32>,
        %swap3A_517 = vector.shape_cast %swap3A_516 : vector<1x16xf32> to vector<16xf32>
        %swap3A_518 = vector.shape_cast %scan3A_382#14 : vector<16xf32> to vector<1x16xf32>
        tpu.vector_store %swap3A_513[%swap3A_514, %swap3A_515], %swap3A_518 {strides = array<i32>} : memref<4x512xf32, #tpu.memory_space<vmem>>, vector<1x16xf32>,
        %swap3A_519 = arith.constant 0 : i32
        %swap3A_520 = arith.constant 0 : i32
        %swap3A_521 = tpu.memref_slice %arg9[%scan3A_134, %swap3A_519, %swap3A_520] : memref<2x4x512xf32, #tpu.memory_space<vmem>> -> memref<1x4x512xf32, #tpu.memory_space<vmem>>
        %swap3A_522 = tpu.memref_squeeze %swap3A_521 : memref<1x4x512xf32, #tpu.memory_space<vmem>> -> memref<4x512xf32, #tpu.memory_space<vmem>>
        %swap3A_523 = arith.index_cast %add3A_225 : i32 to index
        %swap3A_524 = arith.constant 496 : index
        %swap3A_525 = tpu.vector_load %swap3A_522[%swap3A_523, %swap3A_524] {strides = array<i32>} : memref<4x512xf32, #tpu.memory_space<vmem>>, vector<1x16xf32>,
        %swap3A_526 = vector.shape_cast %swap3A_525 : vector<1x16xf32> to vector<16xf32>
        %swap3A_527 = vector.shape_cast %scan3A_382#15 : vector<16xf32> to vector<1x16xf32>
        tpu.vector_store %swap3A_522[%swap3A_523, %swap3A_524], %swap3A_527 {strides = array<i32>} : memref<4x512xf32, #tpu.memory_space<vmem>>, vector<1x16xf32>,
      }
      %scan3A_139 = arith.constant 4 : i32
      %mul3A_140 = arith.constant 4 : i32
      %mul3A_141 = arith.muli %add3A_96, %mul3A_140 : i32
      %add3A_142 = arith.addi %mul3A_2, %mul3A_141 : i32
      %dma_start3A_143 = arith.constant 0 : i32
      %dma_start3A_144 = arith.constant 0 : i32
      %dma_start3A_145 = arith.constant 0 : i32
      %dma_start3A_146 = tpu.memref_slice %arg9[%dma_start3A_143, %dma_start3A_144, %dma_start3A_145] : memref<2x4x512xf32, #tpu.memory_space<vmem>> -> memref<1x4x512xf32, #tpu.memory_space<vmem>>
      %dma_start3A_147 = tpu.memref_squeeze %dma_start3A_146 : memref<1x4x512xf32, #tpu.memory_space<vmem>> -> memref<4x512xf32, #tpu.memory_space<vmem>>
      %dma_start3A_148 = arith.constant 0 : i32
      %dma_start3A_149 = tpu.memref_slice %arg5[%add3A_142, %dma_start3A_148] : memref<10240x512xf32, #tpu.memory_space<hbm>> -> memref<4x512xf32, #tpu.memory_space<hbm>>
      %dma_start3A_150 = arith.constant 0 : i32
      %dma_start3A_151 = tpu.memref_slice %arg5[%add3A_142, %dma_start3A_150] : memref<10240x512xf32, #tpu.memory_space<hbm>> -> memref<4x512xf32, #tpu.memory_space<hbm>>
      %dma_start3A_152 = arith.constant 0 : i32
      %dma_start3A_153 = arith.constant 0 : i32
      %dma_start3A_154 = tpu.memref_slice %arg9[%dma_start3A_143, %dma_start3A_152, %dma_start3A_153] : memref<2x4x512xf32, #tpu.memory_space<vmem>> -> memref<1x4x512xf32, #tpu.memory_space<vmem>>
      %dma_start3A_155 = tpu.memref_squeeze %dma_start3A_154 : memref<1x4x512xf32, #tpu.memory_space<vmem>> -> memref<4x512xf32, #tpu.memory_space<vmem>>
      tpu.enqueue_dma source(%dma_start3A_155 : memref<4x512xf32, #tpu.memory_space<vmem>>) target(%dma_start3A_151 : memref<4x512xf32, #tpu.memory_space<hbm>>) target_semaphore(%arg15 : memref<!tpu.dma_semaphore, #tpu.memory_space<semaphore_mem>>)
      %add3A_156 = arith.constant 1 : i32
      %add3A_157 = arith.addi %add3A_94, %add3A_156 : i32
      %add3A_158 = arith.constant 1 : i32
      %add3A_159 = arith.addi %add3A_157, %add3A_158 : i32
      %lt3A_160 = arith.constant 80 : i32
      %lt3A_161 = arith.cmpi slt, %add3A_159, %lt3A_160 : i32
      %convert_element_type3A_162 = arith.extui %lt3A_161 : i1 to i32
      %cond3A_163 = arith.constant 0 : i32
      %cond3A_164 = arith.cmpi ne, %convert_element_type3A_162, %cond3A_163 : i32
      scf.if %cond3A_164 {
        %add3A_221 = arith.constant 1 : i32
        %add3A_222 = arith.addi %add3A_157, %add3A_221 : i32
        %dma_start3A_223 = arith.constant 0 : i32
        %dma_start3A_224 = arith.constant 0 : i32
        %dma_start3A_225 = arith.constant 0 : i32
        %dma_start3A_226 = tpu.memref_slice %arg8[%dma_start3A_223, %dma_start3A_224, %dma_start3A_225] : memref<2x128x128xf32, #tpu.memory_space<vmem>> -> memref<1x128x128xf32, #tpu.memory_space<vmem>>
        %dma_start3A_227 = tpu.memref_squeeze %dma_start3A_226 : memref<1x128x128xf32, #tpu.memory_space<vmem>> -> memref<128x128xf32, #tpu.memory_space<vmem>>
        %dma_start3A_228 = arith.constant 0 : i32
        %dma_start3A_229 = tpu.memref_slice %arg6[%add3A_222, %dma_start3A_228] : memref<80x128xi32, #tpu.memory_space<vmem>> -> memref<1x128xi32, #tpu.memory_space<vmem>>
        %dma_start3A_230 = tpu.memref_squeeze %dma_start3A_229 : memref<1x128xi32, #tpu.memory_space<vmem>> -> memref<128xi32, #tpu.memory_space<vmem>>
        %dma_start3A_231 = arith.constant 0 : i32
        %dma_start3A_232 = arith.constant 0 : i32
        %dma_start3A_233 = tpu.memref_slice %arg10[%dma_start3A_231, %dma_start3A_232] : memref<10240x128xf32, #tpu.memory_space<vmem_shared>> -> memref<10240x128xf32, #tpu.memory_space<vmem_shared>>
        tpu.enqueue_indirect_dma source(%dma_start3A_233 : memref<10240x128xf32, #tpu.memory_space<vmem_shared>>) target(%dma_start3A_227 : memref<128x128xf32, #tpu.memory_space<vmem>>) offsets(%dma_start3A_230 : memref<128xi32, #tpu.memory_space<vmem>>) semaphore(%arg11 : memref<!tpu.dma_semaphore, #tpu.memory_space<semaphore_mem>>)
        %mul3A_234 = arith.constant 4 : i32
        %mul3A_235 = arith.muli %add3A_222, %mul3A_234 : i32
        %add3A_236 = arith.addi %mul3A_2, %mul3A_235 : i32
        %dma_start3A_237 = arith.constant 0 : i32
        %dma_start3A_238 = arith.constant 0 : i32
        %dma_start3A_239 = arith.constant 0 : i32
        %dma_start3A_240 = tpu.memref_slice %arg7[%dma_start3A_237, %dma_start3A_238, %dma_start3A_239] : memref<2x4x128xf32, #tpu.memory_space<vmem>> -> memref<1x4x128xf32, #tpu.memory_space<vmem>>
        %dma_start3A_241 = tpu.memref_squeeze %dma_start3A_240 : memref<1x4x128xf32, #tpu.memory_space<vmem>> -> memref<4x128xf32, #tpu.memory_space<vmem>>
        %dma_start3A_242 = arith.constant 0 : i32
        %dma_start3A_243 = tpu.memref_slice %arg4[%add3A_236, %dma_start3A_242] : memref<10240x128xf32, #tpu.memory_space<hbm>> -> memref<4x128xf32, #tpu.memory_space<hbm>>
        %dma_start3A_244 = arith.constant 0 : i32
        %dma_start3A_245 = arith.constant 0 : i32
        %dma_start3A_246 = tpu.memref_slice %arg7[%dma_start3A_237, %dma_start3A_244, %dma_start3A_245] : memref<2x4x128xf32, #tpu.memory_space<vmem>> -> memref<1x4x128xf32, #tpu.memory_space<vmem>>
        %dma_start3A_247 = tpu.memref_squeeze %dma_start3A_246 : memref<1x4x128xf32, #tpu.memory_space<vmem>> -> memref<4x128xf32, #tpu.memory_space<vmem>>
        %dma_start3A_248 = arith.constant 0 : i32
        %dma_start3A_249 = tpu.memref_slice %arg4[%add3A_236, %dma_start3A_248] : memref<10240x128xf32, #tpu.memory_space<hbm>> -> memref<4x128xf32, #tpu.memory_space<hbm>>
        tpu.enqueue_dma source(%dma_start3A_249 : memref<4x128xf32, #tpu.memory_space<hbm>>) target(%dma_start3A_247 : memref<4x128xf32, #tpu.memory_space<vmem>>) target_semaphore(%arg13 : memref<!tpu.dma_semaphore, #tpu.memory_space<semaphore_mem>>)
      } else {
      }
      %dma_wait3A_165 = arith.constant 1 : i32
      %dma_wait3A_166 = arith.constant 0 : i32
      %dma_wait3A_167 = arith.constant 0 : i32
      %dma_wait3A_168 = tpu.memref_slice %arg8[%dma_wait3A_165, %dma_wait3A_166, %dma_wait3A_167] : memref<2x128x128xf32, #tpu.memory_space<vmem>> -> memref<1x128x128xf32, #tpu.memory_space<vmem>>
      %dma_wait3A_169 = tpu.memref_squeeze %dma_wait3A_168 : memref<1x128x128xf32, #tpu.memory_space<vmem>> -> memref<128x128xf32, #tpu.memory_space<vmem>>
      %dma_wait3A_170 = arith.constant 0 : i32
      %dma_wait3A_171 = tpu.memref_slice %arg6[%add3A_157, %dma_wait3A_170] : memref<80x128xi32, #tpu.memory_space<vmem>> -> memref<1x128xi32, #tpu.memory_space<vmem>>
      %dma_wait3A_172 = tpu.memref_squeeze %dma_wait3A_171 : memref<1x128xi32, #tpu.memory_space<vmem>> -> memref<128xi32, #tpu.memory_space<vmem>>
      %dma_wait3A_173 = arith.constant 0 : i32
      %dma_wait3A_174 = arith.constant 0 : i32
      %dma_wait3A_175 = tpu.memref_slice %arg10[%dma_wait3A_173, %dma_wait3A_174] : memref<10240x128xf32, #tpu.memory_space<vmem_shared>> -> memref<10240x128xf32, #tpu.memory_space<vmem_shared>>
      tpu.wait_indirect_dma semaphore(%arg12 : memref<!tpu.dma_semaphore, #tpu.memory_space<semaphore_mem>>) src(%dma_wait3A_175 : memref<10240x128xf32, #tpu.memory_space<vmem_shared>>) dst(%dma_wait3A_169 : memref<128x128xf32, #tpu.memory_space<vmem>>)
      %mul3A_176 = arith.constant 4 : i32
      %mul3A_177 = arith.muli %add3A_157, %mul3A_176 : i32
      %add3A_178 = arith.addi %mul3A_2, %mul3A_177 : i32
      %dma_wait3A_179 = arith.constant 1 : i32
      %dma_wait3A_180 = arith.constant 0 : i32
      %dma_wait3A_181 = arith.constant 0 : i32
      %dma_wait3A_182 = tpu.memref_slice %arg7[%dma_wait3A_179, %dma_wait3A_180, %dma_wait3A_181] : memref<2x4x128xf32, #tpu.memory_space<vmem>> -> memref<1x4x128xf32, #tpu.memory_space<vmem>>
      %dma_wait3A_183 = tpu.memref_squeeze %dma_wait3A_182 : memref<1x4x128xf32, #tpu.memory_space<vmem>> -> memref<4x128xf32, #tpu.memory_space<vmem>>
      %dma_wait3A_184 = arith.constant 0 : i32
      %dma_wait3A_185 = tpu.memref_slice %arg4[%add3A_178, %dma_wait3A_184] : memref<10240x128xf32, #tpu.memory_space<hbm>> -> memref<4x128xf32, #tpu.memory_space<hbm>>
      %dma_wait3A_186 = arith.constant 0 : i32
      %dma_wait3A_187 = arith.constant 0 : i32
      %dma_wait3A_188 = tpu.memref_slice %arg7[%dma_wait3A_179, %dma_wait3A_186, %dma_wait3A_187] : memref<2x4x128xf32, #tpu.memory_space<vmem>> -> memref<1x4x128xf32, #tpu.memory_space<vmem>>
      %dma_wait3A_189 = tpu.memref_squeeze %dma_wait3A_188 : memref<1x4x128xf32, #tpu.memory_space<vmem>> -> memref<4x128xf32, #tpu.memory_space<vmem>>
      %dma_wait3A_190 = arith.constant 0 : i32
      %dma_wait3A_191 = tpu.memref_slice %arg4[%add3A_178, %dma_wait3A_190] : memref<10240x128xf32, #tpu.memory_space<hbm>> -> memref<4x128xf32, #tpu.memory_space<hbm>>
      tpu.wait_dma2 semaphore(%arg14 : memref<!tpu.dma_semaphore, #tpu.memory_space<semaphore_mem>>) src(%dma_wait3A_191 : memref<4x128xf32, #tpu.memory_space<hbm>>) dst(%dma_wait3A_189 : memref<4x128xf32, #tpu.memory_space<vmem>>)
      %ge3A_192 = arith.constant 2 : i32
      %ge3A_193 = arith.cmpi sge, %add3A_157, %ge3A_192 : i32
      %convert_element_type3A_194 = arith.extui %ge3A_193 : i1 to i32
      %cond3A_195 = arith.constant 0 : i32
      %cond3A_196 = arith.cmpi ne, %convert_element_type3A_194, %cond3A_195 : i32
      scf.if %cond3A_196 {
        %dma_wait3A_221 = arith.constant 1 : i32
        %dma_wait3A_222 = arith.constant 0 : i32
        %dma_wait3A_223 = arith.constant 0 : i32
        %dma_wait3A_224 = tpu.memref_slice %arg9[%dma_wait3A_221, %dma_wait3A_222, %dma_wait3A_223] : memref<2x4x512xf32, #tpu.memory_space<vmem>> -> memref<1x4x512xf32, #tpu.memory_space<vmem>>
        %dma_wait3A_225 = tpu.memref_squeeze %dma_wait3A_224 : memref<1x4x512xf32, #tpu.memory_space<vmem>> -> memref<4x512xf32, #tpu.memory_space<vmem>>
        %dma_wait3A_226 = arith.constant 0 : i32
        %dma_wait3A_227 = tpu.memref_slice %arg5[%mul3A_2, %dma_wait3A_226] : memref<10240x512xf32, #tpu.memory_space<hbm>> -> memref<4x512xf32, #tpu.memory_space<hbm>>
        %dma_wait3A_228 = arith.constant 0 : i32
        %dma_wait3A_229 = tpu.memref_slice %arg5[%mul3A_2, %dma_wait3A_228] : memref<10240x512xf32, #tpu.memory_space<hbm>> -> memref<4x512xf32, #tpu.memory_space<hbm>>
        %dma_wait3A_230 = arith.constant 0 : i32
        %dma_wait3A_231 = arith.constant 0 : i32
        %dma_wait3A_232 = tpu.memref_slice %arg9[%dma_wait3A_221, %dma_wait3A_230, %dma_wait3A_231] : memref<2x4x512xf32, #tpu.memory_space<vmem>> -> memref<1x4x512xf32, #tpu.memory_space<vmem>>
        %dma_wait3A_233 = tpu.memref_squeeze %dma_wait3A_232 : memref<1x4x512xf32, #tpu.memory_space<vmem>> -> memref<4x512xf32, #tpu.memory_space<vmem>>
        tpu.wait_dma2 semaphore(%arg16 : memref<!tpu.dma_semaphore, #tpu.memory_space<semaphore_mem>>) src(%dma_wait3A_233 : memref<4x512xf32, #tpu.memory_space<vmem>>) dst(%dma_wait3A_229 : memref<4x512xf32, #tpu.memory_space<hbm>>)
      } else {
      }
      %scan3A_197 = arith.constant 1 : i32
      %scan3A_198 = arith.constant 1 : i32
      %scan3A_199 = arith.constant 1 : i32
      %scan3A_200 = arith.constant 0 : i32
      %scan3A_201 = arith.constant 4 : i32
      %scan3A_202 = arith.addi %scan3A_200, %scan3A_201 : i32
      %scan3A_203 = arith.constant 1 : i32
      scf.for %scan3A_221 = %scan3A_200 to %scan3A_202 step %scan3A_203  : i32 {
        %mul3A_222 = arith.constant 1 : i32
        %mul3A_223 = arith.muli %scan3A_221, %mul3A_222 : i32
        %add3A_224 = arith.constant 0 : i32
        %add3A_225 = arith.addi %add3A_224, %mul3A_223 : i32
        %broadcast_in_dim3A = arith.constant 0.000000e+00 : f32
        %broadcast_in_dim3A_226 = vector.broadcast %broadcast_in_dim3A : f32 to vector<16xf32>
        %scan3A_227 = arith.constant 0 : i32
        %scan3A_228 = arith.constant 8 : i32
        %scan3A_229 = arith.addi %scan3A_227, %scan3A_228 : i32
        %scan3A_230 = arith.constant 1 : i32
        %scan3A_231:16 = scf.for %scan3A_528 = %scan3A_227 to %scan3A_229 step %scan3A_230 iter_args(%scan3A_529 = %broadcast_in_dim3A_226, %scan3A_530 = %broadcast_in_dim3A_226, %scan3A_531 = %broadcast_in_dim3A_226, %scan3A_532 = %broadcast_in_dim3A_226, %scan3A_533 = %broadcast_in_dim3A_226, %scan3A_534 = %broadcast_in_dim3A_226, %scan3A_535 = %broadcast_in_dim3A_226, %scan3A_536 = %broadcast_in_dim3A_226, %scan3A_537 = %broadcast_in_dim3A_226, %scan3A_538 = %broadcast_in_dim3A_226, %scan3A_539 = %broadcast_in_dim3A_226, %scan3A_540 = %broadcast_in_dim3A_226, %scan3A_541 = %broadcast_in_dim3A_226, %scan3A_542 = %broadcast_in_dim3A_226, %scan3A_543 = %broadcast_in_dim3A_226, %scan3A_544 = %broadcast_in_dim3A_226) -> (vector<16xf32>, vector<16xf32>, vector<16xf32>, vector<16xf32>, vector<16xf32>, vector<16xf32>, vector<16xf32>, vector<16xf32>, vector<16xf32>, vector<16xf32>, vector<16xf32>, vector<16xf32>, vector<16xf32>, vector<16xf32>, vector<16xf32>, vector<16xf32>)  : i32 {
          %mul3A_545 = arith.constant 16 : i32
          %mul3A_546 = arith.muli %scan3A_528, %mul3A_545 : i32
          %get3A = arith.constant 0 : i32
          %get3A_547 = arith.constant 0 : i32
          %get3A_548 = tpu.memref_slice %arg7[%scan3A_197, %get3A, %get3A_547] : memref<2x4x128xf32, #tpu.memory_space<vmem>> -> memref<1x4x128xf32, #tpu.memory_space<vmem>>
          %get3A_549 = tpu.memref_squeeze %get3A_548 : memref<1x4x128xf32, #tpu.memory_space<vmem>> -> memref<4x128xf32, #tpu.memory_space<vmem>>
          %get3A_550 = arith.index_cast %add3A_225 : i32 to index
          %get3A_551 = arith.index_cast %mul3A_546 : i32 to index
          %get3A_552 = tpu.vector_load %get3A_549[%get3A_550, %get3A_551] {strides = array<i32>} : memref<4x128xf32, #tpu.memory_space<vmem>>, vector<1x16xf32>,
          %get3A_553 = vector.shape_cast %get3A_552 : vector<1x16xf32> to vector<16xf32>
          %mul3A_554 = arith.constant 32 : i32
          %mul3A_555 = arith.muli %add3A_225, %mul3A_554 : i32
          %mul3A_556 = arith.constant 4 : i32
          %mul3A_557 = arith.muli %scan3A_528, %mul3A_556 : i32
          %add3A_558 = arith.addi %mul3A_555, %mul3A_557 : i32
          %add3A_559 = arith.constant 0 : i32
          %add3A_560 = arith.addi %add3A_558, %add3A_559 : i32
          %get3A_561 = arith.constant 0 : i32
          %get3A_562 = arith.constant 0 : i32
          %get3A_563 = tpu.memref_slice %arg8[%scan3A_198, %get3A_561, %get3A_562] : memref<2x128x128xf32, #tpu.memory_space<vmem>> -> memref<1x128x128xf32, #tpu.memory_space<vmem>>
          %get3A_564 = tpu.memref_squeeze %get3A_563 : memref<1x128x128xf32, #tpu.memory_space<vmem>> -> memref<128x128xf32, #tpu.memory_space<vmem>>
          %get3A_565 = arith.index_cast %add3A_560 : i32 to index
          %get3A_566 = arith.constant 0 : index
          %get3A_567 = tpu.vector_load %get3A_564[%get3A_565, %get3A_566] {strides = array<i32>} : memref<128x128xf32, #tpu.memory_space<vmem>>, vector<1x16xf32>,
          %get3A_568 = vector.shape_cast %get3A_567 : vector<1x16xf32> to vector<16xf32>
          %get3A_569 = arith.constant 0 : i32
          %get3A_570 = arith.constant 0 : i32
          %get3A_571 = tpu.memref_slice %arg8[%scan3A_198, %get3A_569, %get3A_570] : memref<2x128x128xf32, #tpu.memory_space<vmem>> -> memref<1x128x128xf32, #tpu.memory_space<vmem>>
          %get3A_572 = tpu.memref_squeeze %get3A_571 : memref<1x128x128xf32, #tpu.memory_space<vmem>> -> memref<128x128xf32, #tpu.memory_space<vmem>>
          %get3A_573 = arith.index_cast %add3A_560 : i32 to index
          %get3A_574 = arith.constant 16 : index
          %get3A_575 = tpu.vector_load %get3A_572[%get3A_573, %get3A_574] {strides = array<i32>} : memref<128x128xf32, #tpu.memory_space<vmem>>, vector<1x16xf32>,
          %get3A_576 = vector.shape_cast %get3A_575 : vector<1x16xf32> to vector<16xf32>
          %get3A_577 = arith.constant 0 : i32
          %get3A_578 = arith.constant 0 : i32
          %get3A_579 = tpu.memref_slice %arg8[%scan3A_198, %get3A_577, %get3A_578] : memref<2x128x128xf32, #tpu.memory_space<vmem>> -> memref<1x128x128xf32, #tpu.memory_space<vmem>>
          %get3A_580 = tpu.memref_squeeze %get3A_579 : memref<1x128x128xf32, #tpu.memory_space<vmem>> -> memref<128x128xf32, #tpu.memory_space<vmem>>
          %get3A_581 = arith.index_cast %add3A_560 : i32 to index
          %get3A_582 = arith.constant 32 : index
          %get3A_583 = tpu.vector_load %get3A_580[%get3A_581, %get3A_582] {strides = array<i32>} : memref<128x128xf32, #tpu.memory_space<vmem>>, vector<1x16xf32>,
          %get3A_584 = vector.shape_cast %get3A_583 : vector<1x16xf32> to vector<16xf32>
          %get3A_585 = arith.constant 0 : i32
          %get3A_586 = arith.constant 0 : i32
          %get3A_587 = tpu.memref_slice %arg8[%scan3A_198, %get3A_585, %get3A_586] : memref<2x128x128xf32, #tpu.memory_space<vmem>> -> memref<1x128x128xf32, #tpu.memory_space<vmem>>
          %get3A_588 = tpu.memref_squeeze %get3A_587 : memref<1x128x128xf32, #tpu.memory_space<vmem>> -> memref<128x128xf32, #tpu.memory_space<vmem>>
          %get3A_589 = arith.index_cast %add3A_560 : i32 to index
          %get3A_590 = arith.constant 48 : index
          %get3A_591 = tpu.vector_load %get3A_588[%get3A_589, %get3A_590] {strides = array<i32>} : memref<128x128xf32, #tpu.memory_space<vmem>>, vector<1x16xf32>,
          %get3A_592 = vector.shape_cast %get3A_591 : vector<1x16xf32> to vector<16xf32>
          %slice3A = vector.extract_strided_slice %get3A_553 {offsets = [0], sizes = [1], strides = [1]} : vector<16xf32> to vector<1xf32>
          %squeeze3A = vector.extract %slice3A[0] : f32 from vector<1xf32>
          %mul3A_593 = vector.broadcast %squeeze3A : f32 to vector<16xf32>
          %mul3A_594 = arith.mulf %mul3A_593, %get3A_568 : vector<16xf32>
          %add3A_595 = arith.addf %scan3A_529, %mul3A_594 : vector<16xf32>
          %mul3A_596 = vector.broadcast %squeeze3A : f32 to vector<16xf32>
          %mul3A_597 = arith.mulf %mul3A_596, %get3A_576 : vector<16xf32>
          %add3A_598 = arith.addf %scan3A_530, %mul3A_597 : vector<16xf32>
          %mul3A_599 = vector.broadcast %squeeze3A : f32 to vector<16xf32>
          %mul3A_600 = arith.mulf %mul3A_599, %get3A_584 : vector<16xf32>
          %add3A_601 = arith.addf %scan3A_531, %mul3A_600 : vector<16xf32>
          %mul3A_602 = vector.broadcast %squeeze3A : f32 to vector<16xf32>
          %mul3A_603 = arith.mulf %mul3A_602, %get3A_592 : vector<16xf32>
          %add3A_604 = arith.addf %scan3A_532, %mul3A_603 : vector<16xf32>
          %slice3A_605 = vector.extract_strided_slice %get3A_553 {offsets = [1], sizes = [1], strides = [1]} : vector<16xf32> to vector<1xf32>
          %squeeze3A_606 = vector.extract %slice3A_605[0] : f32 from vector<1xf32>
          %mul3A_607 = vector.broadcast %squeeze3A_606 : f32 to vector<16xf32>
          %mul3A_608 = arith.mulf %mul3A_607, %get3A_568 : vector<16xf32>
          %add3A_609 = arith.addf %scan3A_533, %mul3A_608 : vector<16xf32>
          %mul3A_610 = vector.broadcast %squeeze3A_606 : f32 to vector<16xf32>
          %mul3A_611 = arith.mulf %mul3A_610, %get3A_576 : vector<16xf32>
          %add3A_612 = arith.addf %scan3A_534, %mul3A_611 : vector<16xf32>
          %mul3A_613 = vector.broadcast %squeeze3A_606 : f32 to vector<16xf32>
          %mul3A_614 = arith.mulf %mul3A_613, %get3A_584 : vector<16xf32>
          %add3A_615 = arith.addf %scan3A_535, %mul3A_614 : vector<16xf32>
          %mul3A_616 = vector.broadcast %squeeze3A_606 : f32 to vector<16xf32>
          %mul3A_617 = arith.mulf %mul3A_616, %get3A_592 : vector<16xf32>
          %add3A_618 = arith.addf %scan3A_536, %mul3A_617 : vector<16xf32>
          %slice3A_619 = vector.extract_strided_slice %get3A_553 {offsets = [2], sizes = [1], strides = [1]} : vector<16xf32> to vector<1xf32>
          %squeeze3A_620 = vector.extract %slice3A_619[0] : f32 from vector<1xf32>
          %mul3A_621 = vector.broadcast %squeeze3A_620 : f32 to vector<16xf32>
          %mul3A_622 = arith.mulf %mul3A_621, %get3A_568 : vector<16xf32>
          %add3A_623 = arith.addf %scan3A_537, %mul3A_622 : vector<16xf32>
          %mul3A_624 = vector.broadcast %squeeze3A_620 : f32 to vector<16xf32>
          %mul3A_625 = arith.mulf %mul3A_624, %get3A_576 : vector<16xf32>
          %add3A_626 = arith.addf %scan3A_538, %mul3A_625 : vector<16xf32>
          %mul3A_627 = vector.broadcast %squeeze3A_620 : f32 to vector<16xf32>
          %mul3A_628 = arith.mulf %mul3A_627, %get3A_584 : vector<16xf32>
          %add3A_629 = arith.addf %scan3A_539, %mul3A_628 : vector<16xf32>
          %mul3A_630 = vector.broadcast %squeeze3A_620 : f32 to vector<16xf32>
          %mul3A_631 = arith.mulf %mul3A_630, %get3A_592 : vector<16xf32>
          %add3A_632 = arith.addf %scan3A_540, %mul3A_631 : vector<16xf32>
          %slice3A_633 = vector.extract_strided_slice %get3A_553 {offsets = [3], sizes = [1], strides = [1]} : vector<16xf32> to vector<1xf32>
          %squeeze3A_634 = vector.extract %slice3A_633[0] : f32 from vector<1xf32>
          %mul3A_635 = vector.broadcast %squeeze3A_634 : f32 to vector<16xf32>
          %mul3A_636 = arith.mulf %mul3A_635, %get3A_568 : vector<16xf32>
          %add3A_637 = arith.addf %scan3A_541, %mul3A_636 : vector<16xf32>
          %mul3A_638 = vector.broadcast %squeeze3A_634 : f32 to vector<16xf32>
          %mul3A_639 = arith.mulf %mul3A_638, %get3A_576 : vector<16xf32>
          %add3A_640 = arith.addf %scan3A_542, %mul3A_639 : vector<16xf32>
          %mul3A_641 = vector.broadcast %squeeze3A_634 : f32 to vector<16xf32>
          %mul3A_642 = arith.mulf %mul3A_641, %get3A_584 : vector<16xf32>
          %add3A_643 = arith.addf %scan3A_543, %mul3A_642 : vector<16xf32>
          %mul3A_644 = vector.broadcast %squeeze3A_634 : f32 to vector<16xf32>
          %mul3A_645 = arith.mulf %mul3A_644, %get3A_592 : vector<16xf32>
          %add3A_646 = arith.addf %scan3A_544, %mul3A_645 : vector<16xf32>
          %mul3A_647 = arith.constant 32 : i32
          %mul3A_648 = arith.muli %add3A_225, %mul3A_647 : i32
          %mul3A_649 = arith.constant 4 : i32
          %mul3A_650 = arith.muli %scan3A_528, %mul3A_649 : i32
          %add3A_651 = arith.addi %mul3A_648, %mul3A_650 : i32
          %add3A_652 = arith.constant 1 : i32
          %add3A_653 = arith.addi %add3A_651, %add3A_652 : i32
          %get3A_654 = arith.constant 0 : i32
          %get3A_655 = arith.constant 0 : i32
          %get3A_656 = tpu.memref_slice %arg8[%scan3A_198, %get3A_654, %get3A_655] : memref<2x128x128xf32, #tpu.memory_space<vmem>> -> memref<1x128x128xf32, #tpu.memory_space<vmem>>
          %get3A_657 = tpu.memref_squeeze %get3A_656 : memref<1x128x128xf32, #tpu.memory_space<vmem>> -> memref<128x128xf32, #tpu.memory_space<vmem>>
          %get3A_658 = arith.index_cast %add3A_653 : i32 to index
          %get3A_659 = arith.constant 0 : index
          %get3A_660 = tpu.vector_load %get3A_657[%get3A_658, %get3A_659] {strides = array<i32>} : memref<128x128xf32, #tpu.memory_space<vmem>>, vector<1x16xf32>,
          %get3A_661 = vector.shape_cast %get3A_660 : vector<1x16xf32> to vector<16xf32>
          %get3A_662 = arith.constant 0 : i32
          %get3A_663 = arith.constant 0 : i32
          %get3A_664 = tpu.memref_slice %arg8[%scan3A_198, %get3A_662, %get3A_663] : memref<2x128x128xf32, #tpu.memory_space<vmem>> -> memref<1x128x128xf32, #tpu.memory_space<vmem>>
          %get3A_665 = tpu.memref_squeeze %get3A_664 : memref<1x128x128xf32, #tpu.memory_space<vmem>> -> memref<128x128xf32, #tpu.memory_space<vmem>>
          %get3A_666 = arith.index_cast %add3A_653 : i32 to index
          %get3A_667 = arith.constant 16 : index
          %get3A_668 = tpu.vector_load %get3A_665[%get3A_666, %get3A_667] {strides = array<i32>} : memref<128x128xf32, #tpu.memory_space<vmem>>, vector<1x16xf32>,
          %get3A_669 = vector.shape_cast %get3A_668 : vector<1x16xf32> to vector<16xf32>
          %get3A_670 = arith.constant 0 : i32
          %get3A_671 = arith.constant 0 : i32
          %get3A_672 = tpu.memref_slice %arg8[%scan3A_198, %get3A_670, %get3A_671] : memref<2x128x128xf32, #tpu.memory_space<vmem>> -> memref<1x128x128xf32, #tpu.memory_space<vmem>>
          %get3A_673 = tpu.memref_squeeze %get3A_672 : memref<1x128x128xf32, #tpu.memory_space<vmem>> -> memref<128x128xf32, #tpu.memory_space<vmem>>
          %get3A_674 = arith.index_cast %add3A_653 : i32 to index
          %get3A_675 = arith.constant 32 : index
          %get3A_676 = tpu.vector_load %get3A_673[%get3A_674, %get3A_675] {strides = array<i32>} : memref<128x128xf32, #tpu.memory_space<vmem>>, vector<1x16xf32>,
          %get3A_677 = vector.shape_cast %get3A_676 : vector<1x16xf32> to vector<16xf32>
          %get3A_678 = arith.constant 0 : i32
          %get3A_679 = arith.constant 0 : i32
          %get3A_680 = tpu.memref_slice %arg8[%scan3A_198, %get3A_678, %get3A_679] : memref<2x128x128xf32, #tpu.memory_space<vmem>> -> memref<1x128x128xf32, #tpu.memory_space<vmem>>
          %get3A_681 = tpu.memref_squeeze %get3A_680 : memref<1x128x128xf32, #tpu.memory_space<vmem>> -> memref<128x128xf32, #tpu.memory_space<vmem>>
          %get3A_682 = arith.index_cast %add3A_653 : i32 to index
          %get3A_683 = arith.constant 48 : index
          %get3A_684 = tpu.vector_load %get3A_681[%get3A_682, %get3A_683] {strides = array<i32>} : memref<128x128xf32, #tpu.memory_space<vmem>>, vector<1x16xf32>,
          %get3A_685 = vector.shape_cast %get3A_684 : vector<1x16xf32> to vector<16xf32>
          %slice3A_686 = vector.extract_strided_slice %get3A_553 {offsets = [4], sizes = [1], strides = [1]} : vector<16xf32> to vector<1xf32>
          %squeeze3A_687 = vector.extract %slice3A_686[0] : f32 from vector<1xf32>
          %mul3A_688 = vector.broadcast %squeeze3A_687 : f32 to vector<16xf32>
          %mul3A_689 = arith.mulf %mul3A_688, %get3A_661 : vector<16xf32>
          %add3A_690 = arith.addf %add3A_595, %mul3A_689 : vector<16xf32>
          %mul3A_691 = vector.broadcast %squeeze3A_687 : f32 to vector<16xf32>
          %mul3A_692 = arith.mulf %mul3A_691, %get3A_669 : vector<16xf32>
          %add3A_693 = arith.addf %add3A_598, %mul3A_692 : vector<16xf32>
          %mul3A_694 = vector.broadcast %squeeze3A_687 : f32 to vector<16xf32>
          %mul3A_695 = arith.mulf %mul3A_694, %get3A_677 : vector<16xf32>
          %add3A_696 = arith.addf %add3A_601, %mul3A_695 : vector<16xf32>
          %mul3A_697 = vector.broadcast %squeeze3A_687 : f32 to vector<16xf32>
          %mul3A_698 = arith.mulf %mul3A_697, %get3A_685 : vector<16xf32>
          %add3A_699 = arith.addf %add3A_604, %mul3A_698 : vector<16xf32>
          %slice3A_700 = vector.extract_strided_slice %get3A_553 {offsets = [5], sizes = [1], strides = [1]} : vector<16xf32> to vector<1xf32>
          %squeeze3A_701 = vector.extract %slice3A_700[0] : f32 from vector<1xf32>
          %mul3A_702 = vector.broadcast %squeeze3A_701 : f32 to vector<16xf32>
          %mul3A_703 = arith.mulf %mul3A_702, %get3A_661 : vector<16xf32>
          %add3A_704 = arith.addf %add3A_609, %mul3A_703 : vector<16xf32>
          %mul3A_705 = vector.broadcast %squeeze3A_701 : f32 to vector<16xf32>
          %mul3A_706 = arith.mulf %mul3A_705, %get3A_669 : vector<16xf32>
          %add3A_707 = arith.addf %add3A_612, %mul3A_706 : vector<16xf32>
          %mul3A_708 = vector.broadcast %squeeze3A_701 : f32 to vector<16xf32>
          %mul3A_709 = arith.mulf %mul3A_708, %get3A_677 : vector<16xf32>
          %add3A_710 = arith.addf %add3A_615, %mul3A_709 : vector<16xf32>
          %mul3A_711 = vector.broadcast %squeeze3A_701 : f32 to vector<16xf32>
          %mul3A_712 = arith.mulf %mul3A_711, %get3A_685 : vector<16xf32>
          %add3A_713 = arith.addf %add3A_618, %mul3A_712 : vector<16xf32>
          %slice3A_714 = vector.extract_strided_slice %get3A_553 {offsets = [6], sizes = [1], strides = [1]} : vector<16xf32> to vector<1xf32>
          %squeeze3A_715 = vector.extract %slice3A_714[0] : f32 from vector<1xf32>
          %mul3A_716 = vector.broadcast %squeeze3A_715 : f32 to vector<16xf32>
          %mul3A_717 = arith.mulf %mul3A_716, %get3A_661 : vector<16xf32>
          %add3A_718 = arith.addf %add3A_623, %mul3A_717 : vector<16xf32>
          %mul3A_719 = vector.broadcast %squeeze3A_715 : f32 to vector<16xf32>
          %mul3A_720 = arith.mulf %mul3A_719, %get3A_669 : vector<16xf32>
          %add3A_721 = arith.addf %add3A_626, %mul3A_720 : vector<16xf32>
          %mul3A_722 = vector.broadcast %squeeze3A_715 : f32 to vector<16xf32>
          %mul3A_723 = arith.mulf %mul3A_722, %get3A_677 : vector<16xf32>
          %add3A_724 = arith.addf %add3A_629, %mul3A_723 : vector<16xf32>
          %mul3A_725 = vector.broadcast %squeeze3A_715 : f32 to vector<16xf32>
          %mul3A_726 = arith.mulf %mul3A_725, %get3A_685 : vector<16xf32>
          %add3A_727 = arith.addf %add3A_632, %mul3A_726 : vector<16xf32>
          %slice3A_728 = vector.extract_strided_slice %get3A_553 {offsets = [7], sizes = [1], strides = [1]} : vector<16xf32> to vector<1xf32>
          %squeeze3A_729 = vector.extract %slice3A_728[0] : f32 from vector<1xf32>
          %mul3A_730 = vector.broadcast %squeeze3A_729 : f32 to vector<16xf32>
          %mul3A_731 = arith.mulf %mul3A_730, %get3A_661 : vector<16xf32>
          %add3A_732 = arith.addf %add3A_637, %mul3A_731 : vector<16xf32>
          %mul3A_733 = vector.broadcast %squeeze3A_729 : f32 to vector<16xf32>
          %mul3A_734 = arith.mulf %mul3A_733, %get3A_669 : vector<16xf32>
          %add3A_735 = arith.addf %add3A_640, %mul3A_734 : vector<16xf32>
          %mul3A_736 = vector.broadcast %squeeze3A_729 : f32 to vector<16xf32>
          %mul3A_737 = arith.mulf %mul3A_736, %get3A_677 : vector<16xf32>
          %add3A_738 = arith.addf %add3A_643, %mul3A_737 : vector<16xf32>
          %mul3A_739 = vector.broadcast %squeeze3A_729 : f32 to vector<16xf32>
          %mul3A_740 = arith.mulf %mul3A_739, %get3A_685 : vector<16xf32>
          %add3A_741 = arith.addf %add3A_646, %mul3A_740 : vector<16xf32>
          %mul3A_742 = arith.constant 32 : i32
          %mul3A_743 = arith.muli %add3A_225, %mul3A_742 : i32
          %mul3A_744 = arith.constant 4 : i32
          %mul3A_745 = arith.muli %scan3A_528, %mul3A_744 : i32
          %add3A_746 = arith.addi %mul3A_743, %mul3A_745 : i32
          %add3A_747 = arith.constant 2 : i32
          %add3A_748 = arith.addi %add3A_746, %add3A_747 : i32
          %get3A_749 = arith.constant 0 : i32
          %get3A_750 = arith.constant 0 : i32
          %get3A_751 = tpu.memref_slice %arg8[%scan3A_198, %get3A_749, %get3A_750] : memref<2x128x128xf32, #tpu.memory_space<vmem>> -> memref<1x128x128xf32, #tpu.memory_space<vmem>>
          %get3A_752 = tpu.memref_squeeze %get3A_751 : memref<1x128x128xf32, #tpu.memory_space<vmem>> -> memref<128x128xf32, #tpu.memory_space<vmem>>
          %get3A_753 = arith.index_cast %add3A_748 : i32 to index
          %get3A_754 = arith.constant 0 : index
          %get3A_755 = tpu.vector_load %get3A_752[%get3A_753, %get3A_754] {strides = array<i32>} : memref<128x128xf32, #tpu.memory_space<vmem>>, vector<1x16xf32>,
          %get3A_756 = vector.shape_cast %get3A_755 : vector<1x16xf32> to vector<16xf32>
          %get3A_757 = arith.constant 0 : i32
          %get3A_758 = arith.constant 0 : i32
          %get3A_759 = tpu.memref_slice %arg8[%scan3A_198, %get3A_757, %get3A_758] : memref<2x128x128xf32, #tpu.memory_space<vmem>> -> memref<1x128x128xf32, #tpu.memory_space<vmem>>
          %get3A_760 = tpu.memref_squeeze %get3A_759 : memref<1x128x128xf32, #tpu.memory_space<vmem>> -> memref<128x128xf32, #tpu.memory_space<vmem>>
          %get3A_761 = arith.index_cast %add3A_748 : i32 to index
          %get3A_762 = arith.constant 16 : index
          %get3A_763 = tpu.vector_load %get3A_760[%get3A_761, %get3A_762] {strides = array<i32>} : memref<128x128xf32, #tpu.memory_space<vmem>>, vector<1x16xf32>,
          %get3A_764 = vector.shape_cast %get3A_763 : vector<1x16xf32> to vector<16xf32>
          %get3A_765 = arith.constant 0 : i32
          %get3A_766 = arith.constant 0 : i32
          %get3A_767 = tpu.memref_slice %arg8[%scan3A_198, %get3A_765, %get3A_766] : memref<2x128x128xf32, #tpu.memory_space<vmem>> -> memref<1x128x128xf32, #tpu.memory_space<vmem>>
          %get3A_768 = tpu.memref_squeeze %get3A_767 : memref<1x128x128xf32, #tpu.memory_space<vmem>> -> memref<128x128xf32, #tpu.memory_space<vmem>>
          %get3A_769 = arith.index_cast %add3A_748 : i32 to index
          %get3A_770 = arith.constant 32 : index
          %get3A_771 = tpu.vector_load %get3A_768[%get3A_769, %get3A_770] {strides = array<i32>} : memref<128x128xf32, #tpu.memory_space<vmem>>, vector<1x16xf32>,
          %get3A_772 = vector.shape_cast %get3A_771 : vector<1x16xf32> to vector<16xf32>
          %get3A_773 = arith.constant 0 : i32
          %get3A_774 = arith.constant 0 : i32
          %get3A_775 = tpu.memref_slice %arg8[%scan3A_198, %get3A_773, %get3A_774] : memref<2x128x128xf32, #tpu.memory_space<vmem>> -> memref<1x128x128xf32, #tpu.memory_space<vmem>>
          %get3A_776 = tpu.memref_squeeze %get3A_775 : memref<1x128x128xf32, #tpu.memory_space<vmem>> -> memref<128x128xf32, #tpu.memory_space<vmem>>
          %get3A_777 = arith.index_cast %add3A_748 : i32 to index
          %get3A_778 = arith.constant 48 : index
          %get3A_779 = tpu.vector_load %get3A_776[%get3A_777, %get3A_778] {strides = array<i32>} : memref<128x128xf32, #tpu.memory_space<vmem>>, vector<1x16xf32>,
          %get3A_780 = vector.shape_cast %get3A_779 : vector<1x16xf32> to vector<16xf32>
          %slice3A_781 = vector.extract_strided_slice %get3A_553 {offsets = [8], sizes = [1], strides = [1]} : vector<16xf32> to vector<1xf32>
          %squeeze3A_782 = vector.extract %slice3A_781[0] : f32 from vector<1xf32>
          %mul3A_783 = vector.broadcast %squeeze3A_782 : f32 to vector<16xf32>
          %mul3A_784 = arith.mulf %mul3A_783, %get3A_756 : vector<16xf32>
          %add3A_785 = arith.addf %add3A_690, %mul3A_784 : vector<16xf32>
          %mul3A_786 = vector.broadcast %squeeze3A_782 : f32 to vector<16xf32>
          %mul3A_787 = arith.mulf %mul3A_786, %get3A_764 : vector<16xf32>
          %add3A_788 = arith.addf %add3A_693, %mul3A_787 : vector<16xf32>
          %mul3A_789 = vector.broadcast %squeeze3A_782 : f32 to vector<16xf32>
          %mul3A_790 = arith.mulf %mul3A_789, %get3A_772 : vector<16xf32>
          %add3A_791 = arith.addf %add3A_696, %mul3A_790 : vector<16xf32>
          %mul3A_792 = vector.broadcast %squeeze3A_782 : f32 to vector<16xf32>
          %mul3A_793 = arith.mulf %mul3A_792, %get3A_780 : vector<16xf32>
          %add3A_794 = arith.addf %add3A_699, %mul3A_793 : vector<16xf32>
          %slice3A_795 = vector.extract_strided_slice %get3A_553 {offsets = [9], sizes = [1], strides = [1]} : vector<16xf32> to vector<1xf32>
          %squeeze3A_796 = vector.extract %slice3A_795[0] : f32 from vector<1xf32>
          %mul3A_797 = vector.broadcast %squeeze3A_796 : f32 to vector<16xf32>
          %mul3A_798 = arith.mulf %mul3A_797, %get3A_756 : vector<16xf32>
          %add3A_799 = arith.addf %add3A_704, %mul3A_798 : vector<16xf32>
          %mul3A_800 = vector.broadcast %squeeze3A_796 : f32 to vector<16xf32>
          %mul3A_801 = arith.mulf %mul3A_800, %get3A_764 : vector<16xf32>
          %add3A_802 = arith.addf %add3A_707, %mul3A_801 : vector<16xf32>
          %mul3A_803 = vector.broadcast %squeeze3A_796 : f32 to vector<16xf32>
          %mul3A_804 = arith.mulf %mul3A_803, %get3A_772 : vector<16xf32>
          %add3A_805 = arith.addf %add3A_710, %mul3A_804 : vector<16xf32>
          %mul3A_806 = vector.broadcast %squeeze3A_796 : f32 to vector<16xf32>
          %mul3A_807 = arith.mulf %mul3A_806, %get3A_780 : vector<16xf32>
          %add3A_808 = arith.addf %add3A_713, %mul3A_807 : vector<16xf32>
          %slice3A_809 = vector.extract_strided_slice %get3A_553 {offsets = [10], sizes = [1], strides = [1]} : vector<16xf32> to vector<1xf32>
          %squeeze3A_810 = vector.extract %slice3A_809[0] : f32 from vector<1xf32>
          %mul3A_811 = vector.broadcast %squeeze3A_810 : f32 to vector<16xf32>
          %mul3A_812 = arith.mulf %mul3A_811, %get3A_756 : vector<16xf32>
          %add3A_813 = arith.addf %add3A_718, %mul3A_812 : vector<16xf32>
          %mul3A_814 = vector.broadcast %squeeze3A_810 : f32 to vector<16xf32>
          %mul3A_815 = arith.mulf %mul3A_814, %get3A_764 : vector<16xf32>
          %add3A_816 = arith.addf %add3A_721, %mul3A_815 : vector<16xf32>
          %mul3A_817 = vector.broadcast %squeeze3A_810 : f32 to vector<16xf32>
          %mul3A_818 = arith.mulf %mul3A_817, %get3A_772 : vector<16xf32>
          %add3A_819 = arith.addf %add3A_724, %mul3A_818 : vector<16xf32>
          %mul3A_820 = vector.broadcast %squeeze3A_810 : f32 to vector<16xf32>
          %mul3A_821 = arith.mulf %mul3A_820, %get3A_780 : vector<16xf32>
          %add3A_822 = arith.addf %add3A_727, %mul3A_821 : vector<16xf32>
          %slice3A_823 = vector.extract_strided_slice %get3A_553 {offsets = [11], sizes = [1], strides = [1]} : vector<16xf32> to vector<1xf32>
          %squeeze3A_824 = vector.extract %slice3A_823[0] : f32 from vector<1xf32>
          %mul3A_825 = vector.broadcast %squeeze3A_824 : f32 to vector<16xf32>
          %mul3A_826 = arith.mulf %mul3A_825, %get3A_756 : vector<16xf32>
          %add3A_827 = arith.addf %add3A_732, %mul3A_826 : vector<16xf32>
          %mul3A_828 = vector.broadcast %squeeze3A_824 : f32 to vector<16xf32>
          %mul3A_829 = arith.mulf %mul3A_828, %get3A_764 : vector<16xf32>
          %add3A_830 = arith.addf %add3A_735, %mul3A_829 : vector<16xf32>
          %mul3A_831 = vector.broadcast %squeeze3A_824 : f32 to vector<16xf32>
          %mul3A_832 = arith.mulf %mul3A_831, %get3A_772 : vector<16xf32>
          %add3A_833 = arith.addf %add3A_738, %mul3A_832 : vector<16xf32>
          %mul3A_834 = vector.broadcast %squeeze3A_824 : f32 to vector<16xf32>
          %mul3A_835 = arith.mulf %mul3A_834, %get3A_780 : vector<16xf32>
          %add3A_836 = arith.addf %add3A_741, %mul3A_835 : vector<16xf32>
          %mul3A_837 = arith.constant 32 : i32
          %mul3A_838 = arith.muli %add3A_225, %mul3A_837 : i32
          %mul3A_839 = arith.constant 4 : i32
          %mul3A_840 = arith.muli %scan3A_528, %mul3A_839 : i32
          %add3A_841 = arith.addi %mul3A_838, %mul3A_840 : i32
          %add3A_842 = arith.constant 3 : i32
          %add3A_843 = arith.addi %add3A_841, %add3A_842 : i32
          %get3A_844 = arith.constant 0 : i32
          %get3A_845 = arith.constant 0 : i32
          %get3A_846 = tpu.memref_slice %arg8[%scan3A_198, %get3A_844, %get3A_845] : memref<2x128x128xf32, #tpu.memory_space<vmem>> -> memref<1x128x128xf32, #tpu.memory_space<vmem>>
          %get3A_847 = tpu.memref_squeeze %get3A_846 : memref<1x128x128xf32, #tpu.memory_space<vmem>> -> memref<128x128xf32, #tpu.memory_space<vmem>>
          %get3A_848 = arith.index_cast %add3A_843 : i32 to index
          %get3A_849 = arith.constant 0 : index
          %get3A_850 = tpu.vector_load %get3A_847[%get3A_848, %get3A_849] {strides = array<i32>} : memref<128x128xf32, #tpu.memory_space<vmem>>, vector<1x16xf32>,
          %get3A_851 = vector.shape_cast %get3A_850 : vector<1x16xf32> to vector<16xf32>
          %get3A_852 = arith.constant 0 : i32
          %get3A_853 = arith.constant 0 : i32
          %get3A_854 = tpu.memref_slice %arg8[%scan3A_198, %get3A_852, %get3A_853] : memref<2x128x128xf32, #tpu.memory_space<vmem>> -> memref<1x128x128xf32, #tpu.memory_space<vmem>>
          %get3A_855 = tpu.memref_squeeze %get3A_854 : memref<1x128x128xf32, #tpu.memory_space<vmem>> -> memref<128x128xf32, #tpu.memory_space<vmem>>
          %get3A_856 = arith.index_cast %add3A_843 : i32 to index
          %get3A_857 = arith.constant 16 : index
          %get3A_858 = tpu.vector_load %get3A_855[%get3A_856, %get3A_857] {strides = array<i32>} : memref<128x128xf32, #tpu.memory_space<vmem>>, vector<1x16xf32>,
          %get3A_859 = vector.shape_cast %get3A_858 : vector<1x16xf32> to vector<16xf32>
          %get3A_860 = arith.constant 0 : i32
          %get3A_861 = arith.constant 0 : i32
          %get3A_862 = tpu.memref_slice %arg8[%scan3A_198, %get3A_860, %get3A_861] : memref<2x128x128xf32, #tpu.memory_space<vmem>> -> memref<1x128x128xf32, #tpu.memory_space<vmem>>
          %get3A_863 = tpu.memref_squeeze %get3A_862 : memref<1x128x128xf32, #tpu.memory_space<vmem>> -> memref<128x128xf32, #tpu.memory_space<vmem>>
          %get3A_864 = arith.index_cast %add3A_843 : i32 to index
          %get3A_865 = arith.constant 32 : index
          %get3A_866 = tpu.vector_load %get3A_863[%get3A_864, %get3A_865] {strides = array<i32>} : memref<128x128xf32, #tpu.memory_space<vmem>>, vector<1x16xf32>,
          %get3A_867 = vector.shape_cast %get3A_866 : vector<1x16xf32> to vector<16xf32>
          %get3A_868 = arith.constant 0 : i32
          %get3A_869 = arith.constant 0 : i32
          %get3A_870 = tpu.memref_slice %arg8[%scan3A_198, %get3A_868, %get3A_869] : memref<2x128x128xf32, #tpu.memory_space<vmem>> -> memref<1x128x128xf32, #tpu.memory_space<vmem>>
          %get3A_871 = tpu.memref_squeeze %get3A_870 : memref<1x128x128xf32, #tpu.memory_space<vmem>> -> memref<128x128xf32, #tpu.memory_space<vmem>>
          %get3A_872 = arith.index_cast %add3A_843 : i32 to index
          %get3A_873 = arith.constant 48 : index
          %get3A_874 = tpu.vector_load %get3A_871[%get3A_872, %get3A_873] {strides = array<i32>} : memref<128x128xf32, #tpu.memory_space<vmem>>, vector<1x16xf32>,
          %get3A_875 = vector.shape_cast %get3A_874 : vector<1x16xf32> to vector<16xf32>
          %slice3A_876 = vector.extract_strided_slice %get3A_553 {offsets = [12], sizes = [1], strides = [1]} : vector<16xf32> to vector<1xf32>
          %squeeze3A_877 = vector.extract %slice3A_876[0] : f32 from vector<1xf32>
          %mul3A_878 = vector.broadcast %squeeze3A_877 : f32 to vector<16xf32>
          %mul3A_879 = arith.mulf %mul3A_878, %get3A_851 : vector<16xf32>
          %add3A_880 = arith.addf %add3A_785, %mul3A_879 : vector<16xf32>
          %mul3A_881 = vector.broadcast %squeeze3A_877 : f32 to vector<16xf32>
          %mul3A_882 = arith.mulf %mul3A_881, %get3A_859 : vector<16xf32>
          %add3A_883 = arith.addf %add3A_788, %mul3A_882 : vector<16xf32>
          %mul3A_884 = vector.broadcast %squeeze3A_877 : f32 to vector<16xf32>
          %mul3A_885 = arith.mulf %mul3A_884, %get3A_867 : vector<16xf32>
          %add3A_886 = arith.addf %add3A_791, %mul3A_885 : vector<16xf32>
          %mul3A_887 = vector.broadcast %squeeze3A_877 : f32 to vector<16xf32>
          %mul3A_888 = arith.mulf %mul3A_887, %get3A_875 : vector<16xf32>
          %add3A_889 = arith.addf %add3A_794, %mul3A_888 : vector<16xf32>
          %slice3A_890 = vector.extract_strided_slice %get3A_553 {offsets = [13], sizes = [1], strides = [1]} : vector<16xf32> to vector<1xf32>
          %squeeze3A_891 = vector.extract %slice3A_890[0] : f32 from vector<1xf32>
          %mul3A_892 = vector.broadcast %squeeze3A_891 : f32 to vector<16xf32>
          %mul3A_893 = arith.mulf %mul3A_892, %get3A_851 : vector<16xf32>
          %add3A_894 = arith.addf %add3A_799, %mul3A_893 : vector<16xf32>
          %mul3A_895 = vector.broadcast %squeeze3A_891 : f32 to vector<16xf32>
          %mul3A_896 = arith.mulf %mul3A_895, %get3A_859 : vector<16xf32>
          %add3A_897 = arith.addf %add3A_802, %mul3A_896 : vector<16xf32>
          %mul3A_898 = vector.broadcast %squeeze3A_891 : f32 to vector<16xf32>
          %mul3A_899 = arith.mulf %mul3A_898, %get3A_867 : vector<16xf32>
          %add3A_900 = arith.addf %add3A_805, %mul3A_899 : vector<16xf32>
          %mul3A_901 = vector.broadcast %squeeze3A_891 : f32 to vector<16xf32>
          %mul3A_902 = arith.mulf %mul3A_901, %get3A_875 : vector<16xf32>
          %add3A_903 = arith.addf %add3A_808, %mul3A_902 : vector<16xf32>
          %slice3A_904 = vector.extract_strided_slice %get3A_553 {offsets = [14], sizes = [1], strides = [1]} : vector<16xf32> to vector<1xf32>
          %squeeze3A_905 = vector.extract %slice3A_904[0] : f32 from vector<1xf32>
          %mul3A_906 = vector.broadcast %squeeze3A_905 : f32 to vector<16xf32>
          %mul3A_907 = arith.mulf %mul3A_906, %get3A_851 : vector<16xf32>
          %add3A_908 = arith.addf %add3A_813, %mul3A_907 : vector<16xf32>
          %mul3A_909 = vector.broadcast %squeeze3A_905 : f32 to vector<16xf32>
          %mul3A_910 = arith.mulf %mul3A_909, %get3A_859 : vector<16xf32>
          %add3A_911 = arith.addf %add3A_816, %mul3A_910 : vector<16xf32>
          %mul3A_912 = vector.broadcast %squeeze3A_905 : f32 to vector<16xf32>
          %mul3A_913 = arith.mulf %mul3A_912, %get3A_867 : vector<16xf32>
          %add3A_914 = arith.addf %add3A_819, %mul3A_913 : vector<16xf32>
          %mul3A_915 = vector.broadcast %squeeze3A_905 : f32 to vector<16xf32>
          %mul3A_916 = arith.mulf %mul3A_915, %get3A_875 : vector<16xf32>
          %add3A_917 = arith.addf %add3A_822, %mul3A_916 : vector<16xf32>
          %slice3A_918 = vector.extract_strided_slice %get3A_553 {offsets = [15], sizes = [1], strides = [1]} : vector<16xf32> to vector<1xf32>
          %squeeze3A_919 = vector.extract %slice3A_918[0] : f32 from vector<1xf32>
          %mul3A_920 = vector.broadcast %squeeze3A_919 : f32 to vector<16xf32>
          %mul3A_921 = arith.mulf %mul3A_920, %get3A_851 : vector<16xf32>
          %add3A_922 = arith.addf %add3A_827, %mul3A_921 : vector<16xf32>
          %mul3A_923 = vector.broadcast %squeeze3A_919 : f32 to vector<16xf32>
          %mul3A_924 = arith.mulf %mul3A_923, %get3A_859 : vector<16xf32>
          %add3A_925 = arith.addf %add3A_830, %mul3A_924 : vector<16xf32>
          %mul3A_926 = vector.broadcast %squeeze3A_919 : f32 to vector<16xf32>
          %mul3A_927 = arith.mulf %mul3A_926, %get3A_867 : vector<16xf32>
          %add3A_928 = arith.addf %add3A_833, %mul3A_927 : vector<16xf32>
          %mul3A_929 = vector.broadcast %squeeze3A_919 : f32 to vector<16xf32>
          %mul3A_930 = arith.mulf %mul3A_929, %get3A_875 : vector<16xf32>
          %add3A_931 = arith.addf %add3A_836, %mul3A_930 : vector<16xf32>
          scf.yield %add3A_880, %add3A_883, %add3A_886, %add3A_889, %add3A_894, %add3A_897, %add3A_900, %add3A_903, %add3A_908, %add3A_911, %add3A_914, %add3A_917, %add3A_922, %add3A_925, %add3A_928, %add3A_931 : vector<16xf32>, vector<16xf32>, vector<16xf32>, vector<16xf32>, vector<16xf32>, vector<16xf32>, vector<16xf32>, vector<16xf32>, vector<16xf32>, vector<16xf32>, vector<16xf32>, vector<16xf32>, vector<16xf32>, vector<16xf32>, vector<16xf32>, vector<16xf32>
        }
        %scan3A_232 = arith.constant 8 : i32
        %swap3A = arith.constant 0 : i32
        %swap3A_233 = arith.constant 0 : i32
        %swap3A_234 = tpu.memref_slice %arg9[%scan3A_199, %swap3A, %swap3A_233] : memref<2x4x512xf32, #tpu.memory_space<vmem>> -> memref<1x4x512xf32, #tpu.memory_space<vmem>>
        %swap3A_235 = tpu.memref_squeeze %swap3A_234 : memref<1x4x512xf32, #tpu.memory_space<vmem>> -> memref<4x512xf32, #tpu.memory_space<vmem>>
        %swap3A_236 = arith.index_cast %add3A_225 : i32 to index
        %swap3A_237 = arith.constant 0 : index
        %swap3A_238 = tpu.vector_load %swap3A_235[%swap3A_236, %swap3A_237] {strides = array<i32>} : memref<4x512xf32, #tpu.memory_space<vmem>>, vector<1x16xf32>,
        %swap3A_239 = vector.shape_cast %swap3A_238 : vector<1x16xf32> to vector<16xf32>
        %swap3A_240 = vector.shape_cast %scan3A_231#0 : vector<16xf32> to vector<1x16xf32>
        tpu.vector_store %swap3A_235[%swap3A_236, %swap3A_237], %swap3A_240 {strides = array<i32>} : memref<4x512xf32, #tpu.memory_space<vmem>>, vector<1x16xf32>,
        %swap3A_241 = arith.constant 0 : i32
        %swap3A_242 = arith.constant 0 : i32
        %swap3A_243 = tpu.memref_slice %arg9[%scan3A_199, %swap3A_241, %swap3A_242] : memref<2x4x512xf32, #tpu.memory_space<vmem>> -> memref<1x4x512xf32, #tpu.memory_space<vmem>>
        %swap3A_244 = tpu.memref_squeeze %swap3A_243 : memref<1x4x512xf32, #tpu.memory_space<vmem>> -> memref<4x512xf32, #tpu.memory_space<vmem>>
        %swap3A_245 = arith.index_cast %add3A_225 : i32 to index
        %swap3A_246 = arith.constant 16 : index
        %swap3A_247 = tpu.vector_load %swap3A_244[%swap3A_245, %swap3A_246] {strides = array<i32>} : memref<4x512xf32, #tpu.memory_space<vmem>>, vector<1x16xf32>,
        %swap3A_248 = vector.shape_cast %swap3A_247 : vector<1x16xf32> to vector<16xf32>
        %swap3A_249 = vector.shape_cast %scan3A_231#1 : vector<16xf32> to vector<1x16xf32>
        tpu.vector_store %swap3A_244[%swap3A_245, %swap3A_246], %swap3A_249 {strides = array<i32>} : memref<4x512xf32, #tpu.memory_space<vmem>>, vector<1x16xf32>,
        %swap3A_250 = arith.constant 0 : i32
        %swap3A_251 = arith.constant 0 : i32
        %swap3A_252 = tpu.memref_slice %arg9[%scan3A_199, %swap3A_250, %swap3A_251] : memref<2x4x512xf32, #tpu.memory_space<vmem>> -> memref<1x4x512xf32, #tpu.memory_space<vmem>>
        %swap3A_253 = tpu.memref_squeeze %swap3A_252 : memref<1x4x512xf32, #tpu.memory_space<vmem>> -> memref<4x512xf32, #tpu.memory_space<vmem>>
        %swap3A_254 = arith.index_cast %add3A_225 : i32 to index
        %swap3A_255 = arith.constant 32 : index
        %swap3A_256 = tpu.vector_load %swap3A_253[%swap3A_254, %swap3A_255] {strides = array<i32>} : memref<4x512xf32, #tpu.memory_space<vmem>>, vector<1x16xf32>,
        %swap3A_257 = vector.shape_cast %swap3A_256 : vector<1x16xf32> to vector<16xf32>
        %swap3A_258 = vector.shape_cast %scan3A_231#2 : vector<16xf32> to vector<1x16xf32>
        tpu.vector_store %swap3A_253[%swap3A_254, %swap3A_255], %swap3A_258 {strides = array<i32>} : memref<4x512xf32, #tpu.memory_space<vmem>>, vector<1x16xf32>,
        %swap3A_259 = arith.constant 0 : i32
        %swap3A_260 = arith.constant 0 : i32
        %swap3A_261 = tpu.memref_slice %arg9[%scan3A_199, %swap3A_259, %swap3A_260] : memref<2x4x512xf32, #tpu.memory_space<vmem>> -> memref<1x4x512xf32, #tpu.memory_space<vmem>>
        %swap3A_262 = tpu.memref_squeeze %swap3A_261 : memref<1x4x512xf32, #tpu.memory_space<vmem>> -> memref<4x512xf32, #tpu.memory_space<vmem>>
        %swap3A_263 = arith.index_cast %add3A_225 : i32 to index
        %swap3A_264 = arith.constant 48 : index
        %swap3A_265 = tpu.vector_load %swap3A_262[%swap3A_263, %swap3A_264] {strides = array<i32>} : memref<4x512xf32, #tpu.memory_space<vmem>>, vector<1x16xf32>,
        %swap3A_266 = vector.shape_cast %swap3A_265 : vector<1x16xf32> to vector<16xf32>
        %swap3A_267 = vector.shape_cast %scan3A_231#3 : vector<16xf32> to vector<1x16xf32>
        tpu.vector_store %swap3A_262[%swap3A_263, %swap3A_264], %swap3A_267 {strides = array<i32>} : memref<4x512xf32, #tpu.memory_space<vmem>>, vector<1x16xf32>,
        %swap3A_268 = arith.constant 0 : i32
        %swap3A_269 = arith.constant 0 : i32
        %swap3A_270 = tpu.memref_slice %arg9[%scan3A_199, %swap3A_268, %swap3A_269] : memref<2x4x512xf32, #tpu.memory_space<vmem>> -> memref<1x4x512xf32, #tpu.memory_space<vmem>>
        %swap3A_271 = tpu.memref_squeeze %swap3A_270 : memref<1x4x512xf32, #tpu.memory_space<vmem>> -> memref<4x512xf32, #tpu.memory_space<vmem>>
        %swap3A_272 = arith.index_cast %add3A_225 : i32 to index
        %swap3A_273 = arith.constant 128 : index
        %swap3A_274 = tpu.vector_load %swap3A_271[%swap3A_272, %swap3A_273] {strides = array<i32>} : memref<4x512xf32, #tpu.memory_space<vmem>>, vector<1x16xf32>,
        %swap3A_275 = vector.shape_cast %swap3A_274 : vector<1x16xf32> to vector<16xf32>
        %swap3A_276 = vector.shape_cast %scan3A_231#4 : vector<16xf32> to vector<1x16xf32>
        tpu.vector_store %swap3A_271[%swap3A_272, %swap3A_273], %swap3A_276 {strides = array<i32>} : memref<4x512xf32, #tpu.memory_space<vmem>>, vector<1x16xf32>,
        %swap3A_277 = arith.constant 0 : i32
        %swap3A_278 = arith.constant 0 : i32
        %swap3A_279 = tpu.memref_slice %arg9[%scan3A_199, %swap3A_277, %swap3A_278] : memref<2x4x512xf32, #tpu.memory_space<vmem>> -> memref<1x4x512xf32, #tpu.memory_space<vmem>>
        %swap3A_280 = tpu.memref_squeeze %swap3A_279 : memref<1x4x512xf32, #tpu.memory_space<vmem>> -> memref<4x512xf32, #tpu.memory_space<vmem>>
        %swap3A_281 = arith.index_cast %add3A_225 : i32 to index
        %swap3A_282 = arith.constant 144 : index
        %swap3A_283 = tpu.vector_load %swap3A_280[%swap3A_281, %swap3A_282] {strides = array<i32>} : memref<4x512xf32, #tpu.memory_space<vmem>>, vector<1x16xf32>,
        %swap3A_284 = vector.shape_cast %swap3A_283 : vector<1x16xf32> to vector<16xf32>
        %swap3A_285 = vector.shape_cast %scan3A_231#5 : vector<16xf32> to vector<1x16xf32>
        tpu.vector_store %swap3A_280[%swap3A_281, %swap3A_282], %swap3A_285 {strides = array<i32>} : memref<4x512xf32, #tpu.memory_space<vmem>>, vector<1x16xf32>,
        %swap3A_286 = arith.constant 0 : i32
        %swap3A_287 = arith.constant 0 : i32
        %swap3A_288 = tpu.memref_slice %arg9[%scan3A_199, %swap3A_286, %swap3A_287] : memref<2x4x512xf32, #tpu.memory_space<vmem>> -> memref<1x4x512xf32, #tpu.memory_space<vmem>>
        %swap3A_289 = tpu.memref_squeeze %swap3A_288 : memref<1x4x512xf32, #tpu.memory_space<vmem>> -> memref<4x512xf32, #tpu.memory_space<vmem>>
        %swap3A_290 = arith.index_cast %add3A_225 : i32 to index
        %swap3A_291 = arith.constant 160 : index
        %swap3A_292 = tpu.vector_load %swap3A_289[%swap3A_290, %swap3A_291] {strides = array<i32>} : memref<4x512xf32, #tpu.memory_space<vmem>>, vector<1x16xf32>,
        %swap3A_293 = vector.shape_cast %swap3A_292 : vector<1x16xf32> to vector<16xf32>
        %swap3A_294 = vector.shape_cast %scan3A_231#6 : vector<16xf32> to vector<1x16xf32>
        tpu.vector_store %swap3A_289[%swap3A_290, %swap3A_291], %swap3A_294 {strides = array<i32>} : memref<4x512xf32, #tpu.memory_space<vmem>>, vector<1x16xf32>,
        %swap3A_295 = arith.constant 0 : i32
        %swap3A_296 = arith.constant 0 : i32
        %swap3A_297 = tpu.memref_slice %arg9[%scan3A_199, %swap3A_295, %swap3A_296] : memref<2x4x512xf32, #tpu.memory_space<vmem>> -> memref<1x4x512xf32, #tpu.memory_space<vmem>>
        %swap3A_298 = tpu.memref_squeeze %swap3A_297 : memref<1x4x512xf32, #tpu.memory_space<vmem>> -> memref<4x512xf32, #tpu.memory_space<vmem>>
        %swap3A_299 = arith.index_cast %add3A_225 : i32 to index
        %swap3A_300 = arith.constant 176 : index
        %swap3A_301 = tpu.vector_load %swap3A_298[%swap3A_299, %swap3A_300] {strides = array<i32>} : memref<4x512xf32, #tpu.memory_space<vmem>>, vector<1x16xf32>,
        %swap3A_302 = vector.shape_cast %swap3A_301 : vector<1x16xf32> to vector<16xf32>
        %swap3A_303 = vector.shape_cast %scan3A_231#7 : vector<16xf32> to vector<1x16xf32>
        tpu.vector_store %swap3A_298[%swap3A_299, %swap3A_300], %swap3A_303 {strides = array<i32>} : memref<4x512xf32, #tpu.memory_space<vmem>>, vector<1x16xf32>,
        %swap3A_304 = arith.constant 0 : i32
        %swap3A_305 = arith.constant 0 : i32
        %swap3A_306 = tpu.memref_slice %arg9[%scan3A_199, %swap3A_304, %swap3A_305] : memref<2x4x512xf32, #tpu.memory_space<vmem>> -> memref<1x4x512xf32, #tpu.memory_space<vmem>>
        %swap3A_307 = tpu.memref_squeeze %swap3A_306 : memref<1x4x512xf32, #tpu.memory_space<vmem>> -> memref<4x512xf32, #tpu.memory_space<vmem>>
        %swap3A_308 = arith.index_cast %add3A_225 : i32 to index
        %swap3A_309 = arith.constant 256 : index
        %swap3A_310 = tpu.vector_load %swap3A_307[%swap3A_308, %swap3A_309] {strides = array<i32>} : memref<4x512xf32, #tpu.memory_space<vmem>>, vector<1x16xf32>,
        %swap3A_311 = vector.shape_cast %swap3A_310 : vector<1x16xf32> to vector<16xf32>
        %swap3A_312 = vector.shape_cast %scan3A_231#8 : vector<16xf32> to vector<1x16xf32>
        tpu.vector_store %swap3A_307[%swap3A_308, %swap3A_309], %swap3A_312 {strides = array<i32>} : memref<4x512xf32, #tpu.memory_space<vmem>>, vector<1x16xf32>,
        %swap3A_313 = arith.constant 0 : i32
        %swap3A_314 = arith.constant 0 : i32
        %swap3A_315 = tpu.memref_slice %arg9[%scan3A_199, %swap3A_313, %swap3A_314] : memref<2x4x512xf32, #tpu.memory_space<vmem>> -> memref<1x4x512xf32, #tpu.memory_space<vmem>>
        %swap3A_316 = tpu.memref_squeeze %swap3A_315 : memref<1x4x512xf32, #tpu.memory_space<vmem>> -> memref<4x512xf32, #tpu.memory_space<vmem>>
        %swap3A_317 = arith.index_cast %add3A_225 : i32 to index
        %swap3A_318 = arith.constant 272 : index
        %swap3A_319 = tpu.vector_load %swap3A_316[%swap3A_317, %swap3A_318] {strides = array<i32>} : memref<4x512xf32, #tpu.memory_space<vmem>>, vector<1x16xf32>,
        %swap3A_320 = vector.shape_cast %swap3A_319 : vector<1x16xf32> to vector<16xf32>
        %swap3A_321 = vector.shape_cast %scan3A_231#9 : vector<16xf32> to vector<1x16xf32>
        tpu.vector_store %swap3A_316[%swap3A_317, %swap3A_318], %swap3A_321 {strides = array<i32>} : memref<4x512xf32, #tpu.memory_space<vmem>>, vector<1x16xf32>,
        %swap3A_322 = arith.constant 0 : i32
        %swap3A_323 = arith.constant 0 : i32
        %swap3A_324 = tpu.memref_slice %arg9[%scan3A_199, %swap3A_322, %swap3A_323] : memref<2x4x512xf32, #tpu.memory_space<vmem>> -> memref<1x4x512xf32, #tpu.memory_space<vmem>>
        %swap3A_325 = tpu.memref_squeeze %swap3A_324 : memref<1x4x512xf32, #tpu.memory_space<vmem>> -> memref<4x512xf32, #tpu.memory_space<vmem>>
        %swap3A_326 = arith.index_cast %add3A_225 : i32 to index
        %swap3A_327 = arith.constant 288 : index
        %swap3A_328 = tpu.vector_load %swap3A_325[%swap3A_326, %swap3A_327] {strides = array<i32>} : memref<4x512xf32, #tpu.memory_space<vmem>>, vector<1x16xf32>,
        %swap3A_329 = vector.shape_cast %swap3A_328 : vector<1x16xf32> to vector<16xf32>
        %swap3A_330 = vector.shape_cast %scan3A_231#10 : vector<16xf32> to vector<1x16xf32>
        tpu.vector_store %swap3A_325[%swap3A_326, %swap3A_327], %swap3A_330 {strides = array<i32>} : memref<4x512xf32, #tpu.memory_space<vmem>>, vector<1x16xf32>,
        %swap3A_331 = arith.constant 0 : i32
        %swap3A_332 = arith.constant 0 : i32
        %swap3A_333 = tpu.memref_slice %arg9[%scan3A_199, %swap3A_331, %swap3A_332] : memref<2x4x512xf32, #tpu.memory_space<vmem>> -> memref<1x4x512xf32, #tpu.memory_space<vmem>>
        %swap3A_334 = tpu.memref_squeeze %swap3A_333 : memref<1x4x512xf32, #tpu.memory_space<vmem>> -> memref<4x512xf32, #tpu.memory_space<vmem>>
        %swap3A_335 = arith.index_cast %add3A_225 : i32 to index
        %swap3A_336 = arith.constant 304 : index
        %swap3A_337 = tpu.vector_load %swap3A_334[%swap3A_335, %swap3A_336] {strides = array<i32>} : memref<4x512xf32, #tpu.memory_space<vmem>>, vector<1x16xf32>,
        %swap3A_338 = vector.shape_cast %swap3A_337 : vector<1x16xf32> to vector<16xf32>
        %swap3A_339 = vector.shape_cast %scan3A_231#11 : vector<16xf32> to vector<1x16xf32>
        tpu.vector_store %swap3A_334[%swap3A_335, %swap3A_336], %swap3A_339 {strides = array<i32>} : memref<4x512xf32, #tpu.memory_space<vmem>>, vector<1x16xf32>,
        %swap3A_340 = arith.constant 0 : i32
        %swap3A_341 = arith.constant 0 : i32
        %swap3A_342 = tpu.memref_slice %arg9[%scan3A_199, %swap3A_340, %swap3A_341] : memref<2x4x512xf32, #tpu.memory_space<vmem>> -> memref<1x4x512xf32, #tpu.memory_space<vmem>>
        %swap3A_343 = tpu.memref_squeeze %swap3A_342 : memref<1x4x512xf32, #tpu.memory_space<vmem>> -> memref<4x512xf32, #tpu.memory_space<vmem>>
        %swap3A_344 = arith.index_cast %add3A_225 : i32 to index
        %swap3A_345 = arith.constant 384 : index
        %swap3A_346 = tpu.vector_load %swap3A_343[%swap3A_344, %swap3A_345] {strides = array<i32>} : memref<4x512xf32, #tpu.memory_space<vmem>>, vector<1x16xf32>,
        %swap3A_347 = vector.shape_cast %swap3A_346 : vector<1x16xf32> to vector<16xf32>
        %swap3A_348 = vector.shape_cast %scan3A_231#12 : vector<16xf32> to vector<1x16xf32>
        tpu.vector_store %swap3A_343[%swap3A_344, %swap3A_345], %swap3A_348 {strides = array<i32>} : memref<4x512xf32, #tpu.memory_space<vmem>>, vector<1x16xf32>,
        %swap3A_349 = arith.constant 0 : i32
        %swap3A_350 = arith.constant 0 : i32
        %swap3A_351 = tpu.memref_slice %arg9[%scan3A_199, %swap3A_349, %swap3A_350] : memref<2x4x512xf32, #tpu.memory_space<vmem>> -> memref<1x4x512xf32, #tpu.memory_space<vmem>>
        %swap3A_352 = tpu.memref_squeeze %swap3A_351 : memref<1x4x512xf32, #tpu.memory_space<vmem>> -> memref<4x512xf32, #tpu.memory_space<vmem>>
        %swap3A_353 = arith.index_cast %add3A_225 : i32 to index
        %swap3A_354 = arith.constant 400 : index
        %swap3A_355 = tpu.vector_load %swap3A_352[%swap3A_353, %swap3A_354] {strides = array<i32>} : memref<4x512xf32, #tpu.memory_space<vmem>>, vector<1x16xf32>,
        %swap3A_356 = vector.shape_cast %swap3A_355 : vector<1x16xf32> to vector<16xf32>
        %swap3A_357 = vector.shape_cast %scan3A_231#13 : vector<16xf32> to vector<1x16xf32>
        tpu.vector_store %swap3A_352[%swap3A_353, %swap3A_354], %swap3A_357 {strides = array<i32>} : memref<4x512xf32, #tpu.memory_space<vmem>>, vector<1x16xf32>,
        %swap3A_358 = arith.constant 0 : i32
        %swap3A_359 = arith.constant 0 : i32
        %swap3A_360 = tpu.memref_slice %arg9[%scan3A_199, %swap3A_358, %swap3A_359] : memref<2x4x512xf32, #tpu.memory_space<vmem>> -> memref<1x4x512xf32, #tpu.memory_space<vmem>>
        %swap3A_361 = tpu.memref_squeeze %swap3A_360 : memref<1x4x512xf32, #tpu.memory_space<vmem>> -> memref<4x512xf32, #tpu.memory_space<vmem>>
        %swap3A_362 = arith.index_cast %add3A_225 : i32 to index
        %swap3A_363 = arith.constant 416 : index
        %swap3A_364 = tpu.vector_load %swap3A_361[%swap3A_362, %swap3A_363] {strides = array<i32>} : memref<4x512xf32, #tpu.memory_space<vmem>>, vector<1x16xf32>,
        %swap3A_365 = vector.shape_cast %swap3A_364 : vector<1x16xf32> to vector<16xf32>
        %swap3A_366 = vector.shape_cast %scan3A_231#14 : vector<16xf32> to vector<1x16xf32>
        tpu.vector_store %swap3A_361[%swap3A_362, %swap3A_363], %swap3A_366 {strides = array<i32>} : memref<4x512xf32, #tpu.memory_space<vmem>>, vector<1x16xf32>,
        %swap3A_367 = arith.constant 0 : i32
        %swap3A_368 = arith.constant 0 : i32
        %swap3A_369 = tpu.memref_slice %arg9[%scan3A_199, %swap3A_367, %swap3A_368] : memref<2x4x512xf32, #tpu.memory_space<vmem>> -> memref<1x4x512xf32, #tpu.memory_space<vmem>>
        %swap3A_370 = tpu.memref_squeeze %swap3A_369 : memref<1x4x512xf32, #tpu.memory_space<vmem>> -> memref<4x512xf32, #tpu.memory_space<vmem>>
        %swap3A_371 = arith.index_cast %add3A_225 : i32 to index
        %swap3A_372 = arith.constant 432 : index
        %swap3A_373 = tpu.vector_load %swap3A_370[%swap3A_371, %swap3A_372] {strides = array<i32>} : memref<4x512xf32, #tpu.memory_space<vmem>>, vector<1x16xf32>,
        %swap3A_374 = vector.shape_cast %swap3A_373 : vector<1x16xf32> to vector<16xf32>
        %swap3A_375 = vector.shape_cast %scan3A_231#15 : vector<16xf32> to vector<1x16xf32>
        tpu.vector_store %swap3A_370[%swap3A_371, %swap3A_372], %swap3A_375 {strides = array<i32>} : memref<4x512xf32, #tpu.memory_space<vmem>>, vector<1x16xf32>,
        %broadcast_in_dim3A_376 = arith.constant 0.000000e+00 : f32
        %broadcast_in_dim3A_377 = vector.broadcast %broadcast_in_dim3A_376 : f32 to vector<16xf32>
        %scan3A_378 = arith.constant 0 : i32
        %scan3A_379 = arith.constant 8 : i32
        %scan3A_380 = arith.addi %scan3A_378, %scan3A_379 : i32
        %scan3A_381 = arith.constant 1 : i32
        %scan3A_382:16 = scf.for %scan3A_528 = %scan3A_378 to %scan3A_380 step %scan3A_381 iter_args(%scan3A_529 = %broadcast_in_dim3A_377, %scan3A_530 = %broadcast_in_dim3A_377, %scan3A_531 = %broadcast_in_dim3A_377, %scan3A_532 = %broadcast_in_dim3A_377, %scan3A_533 = %broadcast_in_dim3A_377, %scan3A_534 = %broadcast_in_dim3A_377, %scan3A_535 = %broadcast_in_dim3A_377, %scan3A_536 = %broadcast_in_dim3A_377, %scan3A_537 = %broadcast_in_dim3A_377, %scan3A_538 = %broadcast_in_dim3A_377, %scan3A_539 = %broadcast_in_dim3A_377, %scan3A_540 = %broadcast_in_dim3A_377, %scan3A_541 = %broadcast_in_dim3A_377, %scan3A_542 = %broadcast_in_dim3A_377, %scan3A_543 = %broadcast_in_dim3A_377, %scan3A_544 = %broadcast_in_dim3A_377) -> (vector<16xf32>, vector<16xf32>, vector<16xf32>, vector<16xf32>, vector<16xf32>, vector<16xf32>, vector<16xf32>, vector<16xf32>, vector<16xf32>, vector<16xf32>, vector<16xf32>, vector<16xf32>, vector<16xf32>, vector<16xf32>, vector<16xf32>, vector<16xf32>)  : i32 {
          %mul3A_545 = arith.constant 16 : i32
          %mul3A_546 = arith.muli %scan3A_528, %mul3A_545 : i32
          %get3A = arith.constant 0 : i32
          %get3A_547 = arith.constant 0 : i32
          %get3A_548 = tpu.memref_slice %arg7[%scan3A_197, %get3A, %get3A_547] : memref<2x4x128xf32, #tpu.memory_space<vmem>> -> memref<1x4x128xf32, #tpu.memory_space<vmem>>
          %get3A_549 = tpu.memref_squeeze %get3A_548 : memref<1x4x128xf32, #tpu.memory_space<vmem>> -> memref<4x128xf32, #tpu.memory_space<vmem>>
          %get3A_550 = arith.index_cast %add3A_225 : i32 to index
          %get3A_551 = arith.index_cast %mul3A_546 : i32 to index
          %get3A_552 = tpu.vector_load %get3A_549[%get3A_550, %get3A_551] {strides = array<i32>} : memref<4x128xf32, #tpu.memory_space<vmem>>, vector<1x16xf32>,
          %get3A_553 = vector.shape_cast %get3A_552 : vector<1x16xf32> to vector<16xf32>
          %mul3A_554 = arith.constant 32 : i32
          %mul3A_555 = arith.muli %add3A_225, %mul3A_554 : i32
          %mul3A_556 = arith.constant 4 : i32
          %mul3A_557 = arith.muli %scan3A_528, %mul3A_556 : i32
          %add3A_558 = arith.addi %mul3A_555, %mul3A_557 : i32
          %add3A_559 = arith.constant 0 : i32
          %add3A_560 = arith.addi %add3A_558, %add3A_559 : i32
          %get3A_561 = arith.constant 0 : i32
          %get3A_562 = arith.constant 0 : i32
          %get3A_563 = tpu.memref_slice %arg8[%scan3A_198, %get3A_561, %get3A_562] : memref<2x128x128xf32, #tpu.memory_space<vmem>> -> memref<1x128x128xf32, #tpu.memory_space<vmem>>
          %get3A_564 = tpu.memref_squeeze %get3A_563 : memref<1x128x128xf32, #tpu.memory_space<vmem>> -> memref<128x128xf32, #tpu.memory_space<vmem>>
          %get3A_565 = arith.index_cast %add3A_560 : i32 to index
          %get3A_566 = arith.constant 64 : index
          %get3A_567 = tpu.vector_load %get3A_564[%get3A_565, %get3A_566] {strides = array<i32>} : memref<128x128xf32, #tpu.memory_space<vmem>>, vector<1x16xf32>,
          %get3A_568 = vector.shape_cast %get3A_567 : vector<1x16xf32> to vector<16xf32>
          %get3A_569 = arith.constant 0 : i32
          %get3A_570 = arith.constant 0 : i32
          %get3A_571 = tpu.memref_slice %arg8[%scan3A_198, %get3A_569, %get3A_570] : memref<2x128x128xf32, #tpu.memory_space<vmem>> -> memref<1x128x128xf32, #tpu.memory_space<vmem>>
          %get3A_572 = tpu.memref_squeeze %get3A_571 : memref<1x128x128xf32, #tpu.memory_space<vmem>> -> memref<128x128xf32, #tpu.memory_space<vmem>>
          %get3A_573 = arith.index_cast %add3A_560 : i32 to index
          %get3A_574 = arith.constant 80 : index
          %get3A_575 = tpu.vector_load %get3A_572[%get3A_573, %get3A_574] {strides = array<i32>} : memref<128x128xf32, #tpu.memory_space<vmem>>, vector<1x16xf32>,
          %get3A_576 = vector.shape_cast %get3A_575 : vector<1x16xf32> to vector<16xf32>
          %get3A_577 = arith.constant 0 : i32
          %get3A_578 = arith.constant 0 : i32
          %get3A_579 = tpu.memref_slice %arg8[%scan3A_198, %get3A_577, %get3A_578] : memref<2x128x128xf32, #tpu.memory_space<vmem>> -> memref<1x128x128xf32, #tpu.memory_space<vmem>>
          %get3A_580 = tpu.memref_squeeze %get3A_579 : memref<1x128x128xf32, #tpu.memory_space<vmem>> -> memref<128x128xf32, #tpu.memory_space<vmem>>
          %get3A_581 = arith.index_cast %add3A_560 : i32 to index
          %get3A_582 = arith.constant 96 : index
          %get3A_583 = tpu.vector_load %get3A_580[%get3A_581, %get3A_582] {strides = array<i32>} : memref<128x128xf32, #tpu.memory_space<vmem>>, vector<1x16xf32>,
          %get3A_584 = vector.shape_cast %get3A_583 : vector<1x16xf32> to vector<16xf32>
          %get3A_585 = arith.constant 0 : i32
          %get3A_586 = arith.constant 0 : i32
          %get3A_587 = tpu.memref_slice %arg8[%scan3A_198, %get3A_585, %get3A_586] : memref<2x128x128xf32, #tpu.memory_space<vmem>> -> memref<1x128x128xf32, #tpu.memory_space<vmem>>
          %get3A_588 = tpu.memref_squeeze %get3A_587 : memref<1x128x128xf32, #tpu.memory_space<vmem>> -> memref<128x128xf32, #tpu.memory_space<vmem>>
          %get3A_589 = arith.index_cast %add3A_560 : i32 to index
          %get3A_590 = arith.constant 112 : index
          %get3A_591 = tpu.vector_load %get3A_588[%get3A_589, %get3A_590] {strides = array<i32>} : memref<128x128xf32, #tpu.memory_space<vmem>>, vector<1x16xf32>,
          %get3A_592 = vector.shape_cast %get3A_591 : vector<1x16xf32> to vector<16xf32>
          %slice3A = vector.extract_strided_slice %get3A_553 {offsets = [0], sizes = [1], strides = [1]} : vector<16xf32> to vector<1xf32>
          %squeeze3A = vector.extract %slice3A[0] : f32 from vector<1xf32>
          %mul3A_593 = vector.broadcast %squeeze3A : f32 to vector<16xf32>
          %mul3A_594 = arith.mulf %mul3A_593, %get3A_568 : vector<16xf32>
          %add3A_595 = arith.addf %scan3A_529, %mul3A_594 : vector<16xf32>
          %mul3A_596 = vector.broadcast %squeeze3A : f32 to vector<16xf32>
          %mul3A_597 = arith.mulf %mul3A_596, %get3A_576 : vector<16xf32>
          %add3A_598 = arith.addf %scan3A_530, %mul3A_597 : vector<16xf32>
          %mul3A_599 = vector.broadcast %squeeze3A : f32 to vector<16xf32>
          %mul3A_600 = arith.mulf %mul3A_599, %get3A_584 : vector<16xf32>
          %add3A_601 = arith.addf %scan3A_531, %mul3A_600 : vector<16xf32>
          %mul3A_602 = vector.broadcast %squeeze3A : f32 to vector<16xf32>
          %mul3A_603 = arith.mulf %mul3A_602, %get3A_592 : vector<16xf32>
          %add3A_604 = arith.addf %scan3A_532, %mul3A_603 : vector<16xf32>
          %slice3A_605 = vector.extract_strided_slice %get3A_553 {offsets = [1], sizes = [1], strides = [1]} : vector<16xf32> to vector<1xf32>
          %squeeze3A_606 = vector.extract %slice3A_605[0] : f32 from vector<1xf32>
          %mul3A_607 = vector.broadcast %squeeze3A_606 : f32 to vector<16xf32>
          %mul3A_608 = arith.mulf %mul3A_607, %get3A_568 : vector<16xf32>
          %add3A_609 = arith.addf %scan3A_533, %mul3A_608 : vector<16xf32>
          %mul3A_610 = vector.broadcast %squeeze3A_606 : f32 to vector<16xf32>
          %mul3A_611 = arith.mulf %mul3A_610, %get3A_576 : vector<16xf32>
          %add3A_612 = arith.addf %scan3A_534, %mul3A_611 : vector<16xf32>
          %mul3A_613 = vector.broadcast %squeeze3A_606 : f32 to vector<16xf32>
          %mul3A_614 = arith.mulf %mul3A_613, %get3A_584 : vector<16xf32>
          %add3A_615 = arith.addf %scan3A_535, %mul3A_614 : vector<16xf32>
          %mul3A_616 = vector.broadcast %squeeze3A_606 : f32 to vector<16xf32>
          %mul3A_617 = arith.mulf %mul3A_616, %get3A_592 : vector<16xf32>
          %add3A_618 = arith.addf %scan3A_536, %mul3A_617 : vector<16xf32>
          %slice3A_619 = vector.extract_strided_slice %get3A_553 {offsets = [2], sizes = [1], strides = [1]} : vector<16xf32> to vector<1xf32>
          %squeeze3A_620 = vector.extract %slice3A_619[0] : f32 from vector<1xf32>
          %mul3A_621 = vector.broadcast %squeeze3A_620 : f32 to vector<16xf32>
          %mul3A_622 = arith.mulf %mul3A_621, %get3A_568 : vector<16xf32>
          %add3A_623 = arith.addf %scan3A_537, %mul3A_622 : vector<16xf32>
          %mul3A_624 = vector.broadcast %squeeze3A_620 : f32 to vector<16xf32>
          %mul3A_625 = arith.mulf %mul3A_624, %get3A_576 : vector<16xf32>
          %add3A_626 = arith.addf %scan3A_538, %mul3A_625 : vector<16xf32>
          %mul3A_627 = vector.broadcast %squeeze3A_620 : f32 to vector<16xf32>
          %mul3A_628 = arith.mulf %mul3A_627, %get3A_584 : vector<16xf32>
          %add3A_629 = arith.addf %scan3A_539, %mul3A_628 : vector<16xf32>
          %mul3A_630 = vector.broadcast %squeeze3A_620 : f32 to vector<16xf32>
          %mul3A_631 = arith.mulf %mul3A_630, %get3A_592 : vector<16xf32>
          %add3A_632 = arith.addf %scan3A_540, %mul3A_631 : vector<16xf32>
          %slice3A_633 = vector.extract_strided_slice %get3A_553 {offsets = [3], sizes = [1], strides = [1]} : vector<16xf32> to vector<1xf32>
          %squeeze3A_634 = vector.extract %slice3A_633[0] : f32 from vector<1xf32>
          %mul3A_635 = vector.broadcast %squeeze3A_634 : f32 to vector<16xf32>
          %mul3A_636 = arith.mulf %mul3A_635, %get3A_568 : vector<16xf32>
          %add3A_637 = arith.addf %scan3A_541, %mul3A_636 : vector<16xf32>
          %mul3A_638 = vector.broadcast %squeeze3A_634 : f32 to vector<16xf32>
          %mul3A_639 = arith.mulf %mul3A_638, %get3A_576 : vector<16xf32>
          %add3A_640 = arith.addf %scan3A_542, %mul3A_639 : vector<16xf32>
          %mul3A_641 = vector.broadcast %squeeze3A_634 : f32 to vector<16xf32>
          %mul3A_642 = arith.mulf %mul3A_641, %get3A_584 : vector<16xf32>
          %add3A_643 = arith.addf %scan3A_543, %mul3A_642 : vector<16xf32>
          %mul3A_644 = vector.broadcast %squeeze3A_634 : f32 to vector<16xf32>
          %mul3A_645 = arith.mulf %mul3A_644, %get3A_592 : vector<16xf32>
          %add3A_646 = arith.addf %scan3A_544, %mul3A_645 : vector<16xf32>
          %mul3A_647 = arith.constant 32 : i32
          %mul3A_648 = arith.muli %add3A_225, %mul3A_647 : i32
          %mul3A_649 = arith.constant 4 : i32
          %mul3A_650 = arith.muli %scan3A_528, %mul3A_649 : i32
          %add3A_651 = arith.addi %mul3A_648, %mul3A_650 : i32
          %add3A_652 = arith.constant 1 : i32
          %add3A_653 = arith.addi %add3A_651, %add3A_652 : i32
          %get3A_654 = arith.constant 0 : i32
          %get3A_655 = arith.constant 0 : i32
          %get3A_656 = tpu.memref_slice %arg8[%scan3A_198, %get3A_654, %get3A_655] : memref<2x128x128xf32, #tpu.memory_space<vmem>> -> memref<1x128x128xf32, #tpu.memory_space<vmem>>
          %get3A_657 = tpu.memref_squeeze %get3A_656 : memref<1x128x128xf32, #tpu.memory_space<vmem>> -> memref<128x128xf32, #tpu.memory_space<vmem>>
          %get3A_658 = arith.index_cast %add3A_653 : i32 to index
          %get3A_659 = arith.constant 64 : index
          %get3A_660 = tpu.vector_load %get3A_657[%get3A_658, %get3A_659] {strides = array<i32>} : memref<128x128xf32, #tpu.memory_space<vmem>>, vector<1x16xf32>,
          %get3A_661 = vector.shape_cast %get3A_660 : vector<1x16xf32> to vector<16xf32>
          %get3A_662 = arith.constant 0 : i32
          %get3A_663 = arith.constant 0 : i32
          %get3A_664 = tpu.memref_slice %arg8[%scan3A_198, %get3A_662, %get3A_663] : memref<2x128x128xf32, #tpu.memory_space<vmem>> -> memref<1x128x128xf32, #tpu.memory_space<vmem>>
          %get3A_665 = tpu.memref_squeeze %get3A_664 : memref<1x128x128xf32, #tpu.memory_space<vmem>> -> memref<128x128xf32, #tpu.memory_space<vmem>>
          %get3A_666 = arith.index_cast %add3A_653 : i32 to index
          %get3A_667 = arith.constant 80 : index
          %get3A_668 = tpu.vector_load %get3A_665[%get3A_666, %get3A_667] {strides = array<i32>} : memref<128x128xf32, #tpu.memory_space<vmem>>, vector<1x16xf32>,
          %get3A_669 = vector.shape_cast %get3A_668 : vector<1x16xf32> to vector<16xf32>
          %get3A_670 = arith.constant 0 : i32
          %get3A_671 = arith.constant 0 : i32
          %get3A_672 = tpu.memref_slice %arg8[%scan3A_198, %get3A_670, %get3A_671] : memref<2x128x128xf32, #tpu.memory_space<vmem>> -> memref<1x128x128xf32, #tpu.memory_space<vmem>>
          %get3A_673 = tpu.memref_squeeze %get3A_672 : memref<1x128x128xf32, #tpu.memory_space<vmem>> -> memref<128x128xf32, #tpu.memory_space<vmem>>
          %get3A_674 = arith.index_cast %add3A_653 : i32 to index
          %get3A_675 = arith.constant 96 : index
          %get3A_676 = tpu.vector_load %get3A_673[%get3A_674, %get3A_675] {strides = array<i32>} : memref<128x128xf32, #tpu.memory_space<vmem>>, vector<1x16xf32>,
          %get3A_677 = vector.shape_cast %get3A_676 : vector<1x16xf32> to vector<16xf32>
          %get3A_678 = arith.constant 0 : i32
          %get3A_679 = arith.constant 0 : i32
          %get3A_680 = tpu.memref_slice %arg8[%scan3A_198, %get3A_678, %get3A_679] : memref<2x128x128xf32, #tpu.memory_space<vmem>> -> memref<1x128x128xf32, #tpu.memory_space<vmem>>
          %get3A_681 = tpu.memref_squeeze %get3A_680 : memref<1x128x128xf32, #tpu.memory_space<vmem>> -> memref<128x128xf32, #tpu.memory_space<vmem>>
          %get3A_682 = arith.index_cast %add3A_653 : i32 to index
          %get3A_683 = arith.constant 112 : index
          %get3A_684 = tpu.vector_load %get3A_681[%get3A_682, %get3A_683] {strides = array<i32>} : memref<128x128xf32, #tpu.memory_space<vmem>>, vector<1x16xf32>,
          %get3A_685 = vector.shape_cast %get3A_684 : vector<1x16xf32> to vector<16xf32>
          %slice3A_686 = vector.extract_strided_slice %get3A_553 {offsets = [4], sizes = [1], strides = [1]} : vector<16xf32> to vector<1xf32>
          %squeeze3A_687 = vector.extract %slice3A_686[0] : f32 from vector<1xf32>
          %mul3A_688 = vector.broadcast %squeeze3A_687 : f32 to vector<16xf32>
          %mul3A_689 = arith.mulf %mul3A_688, %get3A_661 : vector<16xf32>
          %add3A_690 = arith.addf %add3A_595, %mul3A_689 : vector<16xf32>
          %mul3A_691 = vector.broadcast %squeeze3A_687 : f32 to vector<16xf32>
          %mul3A_692 = arith.mulf %mul3A_691, %get3A_669 : vector<16xf32>
          %add3A_693 = arith.addf %add3A_598, %mul3A_692 : vector<16xf32>
          %mul3A_694 = vector.broadcast %squeeze3A_687 : f32 to vector<16xf32>
          %mul3A_695 = arith.mulf %mul3A_694, %get3A_677 : vector<16xf32>
          %add3A_696 = arith.addf %add3A_601, %mul3A_695 : vector<16xf32>
          %mul3A_697 = vector.broadcast %squeeze3A_687 : f32 to vector<16xf32>
          %mul3A_698 = arith.mulf %mul3A_697, %get3A_685 : vector<16xf32>
          %add3A_699 = arith.addf %add3A_604, %mul3A_698 : vector<16xf32>
          %slice3A_700 = vector.extract_strided_slice %get3A_553 {offsets = [5], sizes = [1], strides = [1]} : vector<16xf32> to vector<1xf32>
          %squeeze3A_701 = vector.extract %slice3A_700[0] : f32 from vector<1xf32>
          %mul3A_702 = vector.broadcast %squeeze3A_701 : f32 to vector<16xf32>
          %mul3A_703 = arith.mulf %mul3A_702, %get3A_661 : vector<16xf32>
          %add3A_704 = arith.addf %add3A_609, %mul3A_703 : vector<16xf32>
          %mul3A_705 = vector.broadcast %squeeze3A_701 : f32 to vector<16xf32>
          %mul3A_706 = arith.mulf %mul3A_705, %get3A_669 : vector<16xf32>
          %add3A_707 = arith.addf %add3A_612, %mul3A_706 : vector<16xf32>
          %mul3A_708 = vector.broadcast %squeeze3A_701 : f32 to vector<16xf32>
          %mul3A_709 = arith.mulf %mul3A_708, %get3A_677 : vector<16xf32>
          %add3A_710 = arith.addf %add3A_615, %mul3A_709 : vector<16xf32>
          %mul3A_711 = vector.broadcast %squeeze3A_701 : f32 to vector<16xf32>
          %mul3A_712 = arith.mulf %mul3A_711, %get3A_685 : vector<16xf32>
          %add3A_713 = arith.addf %add3A_618, %mul3A_712 : vector<16xf32>
          %slice3A_714 = vector.extract_strided_slice %get3A_553 {offsets = [6], sizes = [1], strides = [1]} : vector<16xf32> to vector<1xf32>
          %squeeze3A_715 = vector.extract %slice3A_714[0] : f32 from vector<1xf32>
          %mul3A_716 = vector.broadcast %squeeze3A_715 : f32 to vector<16xf32>
          %mul3A_717 = arith.mulf %mul3A_716, %get3A_661 : vector<16xf32>
          %add3A_718 = arith.addf %add3A_623, %mul3A_717 : vector<16xf32>
          %mul3A_719 = vector.broadcast %squeeze3A_715 : f32 to vector<16xf32>
          %mul3A_720 = arith.mulf %mul3A_719, %get3A_669 : vector<16xf32>
          %add3A_721 = arith.addf %add3A_626, %mul3A_720 : vector<16xf32>
          %mul3A_722 = vector.broadcast %squeeze3A_715 : f32 to vector<16xf32>
          %mul3A_723 = arith.mulf %mul3A_722, %get3A_677 : vector<16xf32>
          %add3A_724 = arith.addf %add3A_629, %mul3A_723 : vector<16xf32>
          %mul3A_725 = vector.broadcast %squeeze3A_715 : f32 to vector<16xf32>
          %mul3A_726 = arith.mulf %mul3A_725, %get3A_685 : vector<16xf32>
          %add3A_727 = arith.addf %add3A_632, %mul3A_726 : vector<16xf32>
          %slice3A_728 = vector.extract_strided_slice %get3A_553 {offsets = [7], sizes = [1], strides = [1]} : vector<16xf32> to vector<1xf32>
          %squeeze3A_729 = vector.extract %slice3A_728[0] : f32 from vector<1xf32>
          %mul3A_730 = vector.broadcast %squeeze3A_729 : f32 to vector<16xf32>
          %mul3A_731 = arith.mulf %mul3A_730, %get3A_661 : vector<16xf32>
          %add3A_732 = arith.addf %add3A_637, %mul3A_731 : vector<16xf32>
          %mul3A_733 = vector.broadcast %squeeze3A_729 : f32 to vector<16xf32>
          %mul3A_734 = arith.mulf %mul3A_733, %get3A_669 : vector<16xf32>
          %add3A_735 = arith.addf %add3A_640, %mul3A_734 : vector<16xf32>
          %mul3A_736 = vector.broadcast %squeeze3A_729 : f32 to vector<16xf32>
          %mul3A_737 = arith.mulf %mul3A_736, %get3A_677 : vector<16xf32>
          %add3A_738 = arith.addf %add3A_643, %mul3A_737 : vector<16xf32>
          %mul3A_739 = vector.broadcast %squeeze3A_729 : f32 to vector<16xf32>
          %mul3A_740 = arith.mulf %mul3A_739, %get3A_685 : vector<16xf32>
          %add3A_741 = arith.addf %add3A_646, %mul3A_740 : vector<16xf32>
          %mul3A_742 = arith.constant 32 : i32
          %mul3A_743 = arith.muli %add3A_225, %mul3A_742 : i32
          %mul3A_744 = arith.constant 4 : i32
          %mul3A_745 = arith.muli %scan3A_528, %mul3A_744 : i32
          %add3A_746 = arith.addi %mul3A_743, %mul3A_745 : i32
          %add3A_747 = arith.constant 2 : i32
          %add3A_748 = arith.addi %add3A_746, %add3A_747 : i32
          %get3A_749 = arith.constant 0 : i32
          %get3A_750 = arith.constant 0 : i32
          %get3A_751 = tpu.memref_slice %arg8[%scan3A_198, %get3A_749, %get3A_750] : memref<2x128x128xf32, #tpu.memory_space<vmem>> -> memref<1x128x128xf32, #tpu.memory_space<vmem>>
          %get3A_752 = tpu.memref_squeeze %get3A_751 : memref<1x128x128xf32, #tpu.memory_space<vmem>> -> memref<128x128xf32, #tpu.memory_space<vmem>>
          %get3A_753 = arith.index_cast %add3A_748 : i32 to index
          %get3A_754 = arith.constant 64 : index
          %get3A_755 = tpu.vector_load %get3A_752[%get3A_753, %get3A_754] {strides = array<i32>} : memref<128x128xf32, #tpu.memory_space<vmem>>, vector<1x16xf32>,
          %get3A_756 = vector.shape_cast %get3A_755 : vector<1x16xf32> to vector<16xf32>
          %get3A_757 = arith.constant 0 : i32
          %get3A_758 = arith.constant 0 : i32
          %get3A_759 = tpu.memref_slice %arg8[%scan3A_198, %get3A_757, %get3A_758] : memref<2x128x128xf32, #tpu.memory_space<vmem>> -> memref<1x128x128xf32, #tpu.memory_space<vmem>>
          %get3A_760 = tpu.memref_squeeze %get3A_759 : memref<1x128x128xf32, #tpu.memory_space<vmem>> -> memref<128x128xf32, #tpu.memory_space<vmem>>
          %get3A_761 = arith.index_cast %add3A_748 : i32 to index
          %get3A_762 = arith.constant 80 : index
          %get3A_763 = tpu.vector_load %get3A_760[%get3A_761, %get3A_762] {strides = array<i32>} : memref<128x128xf32, #tpu.memory_space<vmem>>, vector<1x16xf32>,
          %get3A_764 = vector.shape_cast %get3A_763 : vector<1x16xf32> to vector<16xf32>
          %get3A_765 = arith.constant 0 : i32
          %get3A_766 = arith.constant 0 : i32
          %get3A_767 = tpu.memref_slice %arg8[%scan3A_198, %get3A_765, %get3A_766] : memref<2x128x128xf32, #tpu.memory_space<vmem>> -> memref<1x128x128xf32, #tpu.memory_space<vmem>>
          %get3A_768 = tpu.memref_squeeze %get3A_767 : memref<1x128x128xf32, #tpu.memory_space<vmem>> -> memref<128x128xf32, #tpu.memory_space<vmem>>
          %get3A_769 = arith.index_cast %add3A_748 : i32 to index
          %get3A_770 = arith.constant 96 : index
          %get3A_771 = tpu.vector_load %get3A_768[%get3A_769, %get3A_770] {strides = array<i32>} : memref<128x128xf32, #tpu.memory_space<vmem>>, vector<1x16xf32>,
          %get3A_772 = vector.shape_cast %get3A_771 : vector<1x16xf32> to vector<16xf32>
          %get3A_773 = arith.constant 0 : i32
          %get3A_774 = arith.constant 0 : i32
          %get3A_775 = tpu.memref_slice %arg8[%scan3A_198, %get3A_773, %get3A_774] : memref<2x128x128xf32, #tpu.memory_space<vmem>> -> memref<1x128x128xf32, #tpu.memory_space<vmem>>
          %get3A_776 = tpu.memref_squeeze %get3A_775 : memref<1x128x128xf32, #tpu.memory_space<vmem>> -> memref<128x128xf32, #tpu.memory_space<vmem>>
          %get3A_777 = arith.index_cast %add3A_748 : i32 to index
          %get3A_778 = arith.constant 112 : index
          %get3A_779 = tpu.vector_load %get3A_776[%get3A_777, %get3A_778] {strides = array<i32>} : memref<128x128xf32, #tpu.memory_space<vmem>>, vector<1x16xf32>,
          %get3A_780 = vector.shape_cast %get3A_779 : vector<1x16xf32> to vector<16xf32>
          %slice3A_781 = vector.extract_strided_slice %get3A_553 {offsets = [8], sizes = [1], strides = [1]} : vector<16xf32> to vector<1xf32>
          %squeeze3A_782 = vector.extract %slice3A_781[0] : f32 from vector<1xf32>
          %mul3A_783 = vector.broadcast %squeeze3A_782 : f32 to vector<16xf32>
          %mul3A_784 = arith.mulf %mul3A_783, %get3A_756 : vector<16xf32>
          %add3A_785 = arith.addf %add3A_690, %mul3A_784 : vector<16xf32>
          %mul3A_786 = vector.broadcast %squeeze3A_782 : f32 to vector<16xf32>
          %mul3A_787 = arith.mulf %mul3A_786, %get3A_764 : vector<16xf32>
          %add3A_788 = arith.addf %add3A_693, %mul3A_787 : vector<16xf32>
          %mul3A_789 = vector.broadcast %squeeze3A_782 : f32 to vector<16xf32>
          %mul3A_790 = arith.mulf %mul3A_789, %get3A_772 : vector<16xf32>
          %add3A_791 = arith.addf %add3A_696, %mul3A_790 : vector<16xf32>
          %mul3A_792 = vector.broadcast %squeeze3A_782 : f32 to vector<16xf32>
          %mul3A_793 = arith.mulf %mul3A_792, %get3A_780 : vector<16xf32>
          %add3A_794 = arith.addf %add3A_699, %mul3A_793 : vector<16xf32>
          %slice3A_795 = vector.extract_strided_slice %get3A_553 {offsets = [9], sizes = [1], strides = [1]} : vector<16xf32> to vector<1xf32>
          %squeeze3A_796 = vector.extract %slice3A_795[0] : f32 from vector<1xf32>
          %mul3A_797 = vector.broadcast %squeeze3A_796 : f32 to vector<16xf32>
          %mul3A_798 = arith.mulf %mul3A_797, %get3A_756 : vector<16xf32>
          %add3A_799 = arith.addf %add3A_704, %mul3A_798 : vector<16xf32>
          %mul3A_800 = vector.broadcast %squeeze3A_796 : f32 to vector<16xf32>
          %mul3A_801 = arith.mulf %mul3A_800, %get3A_764 : vector<16xf32>
          %add3A_802 = arith.addf %add3A_707, %mul3A_801 : vector<16xf32>
          %mul3A_803 = vector.broadcast %squeeze3A_796 : f32 to vector<16xf32>
          %mul3A_804 = arith.mulf %mul3A_803, %get3A_772 : vector<16xf32>
          %add3A_805 = arith.addf %add3A_710, %mul3A_804 : vector<16xf32>
          %mul3A_806 = vector.broadcast %squeeze3A_796 : f32 to vector<16xf32>
          %mul3A_807 = arith.mulf %mul3A_806, %get3A_780 : vector<16xf32>
          %add3A_808 = arith.addf %add3A_713, %mul3A_807 : vector<16xf32>
          %slice3A_809 = vector.extract_strided_slice %get3A_553 {offsets = [10], sizes = [1], strides = [1]} : vector<16xf32> to vector<1xf32>
          %squeeze3A_810 = vector.extract %slice3A_809[0] : f32 from vector<1xf32>
          %mul3A_811 = vector.broadcast %squeeze3A_810 : f32 to vector<16xf32>
          %mul3A_812 = arith.mulf %mul3A_811, %get3A_756 : vector<16xf32>
          %add3A_813 = arith.addf %add3A_718, %mul3A_812 : vector<16xf32>
          %mul3A_814 = vector.broadcast %squeeze3A_810 : f32 to vector<16xf32>
          %mul3A_815 = arith.mulf %mul3A_814, %get3A_764 : vector<16xf32>
          %add3A_816 = arith.addf %add3A_721, %mul3A_815 : vector<16xf32>
          %mul3A_817 = vector.broadcast %squeeze3A_810 : f32 to vector<16xf32>
          %mul3A_818 = arith.mulf %mul3A_817, %get3A_772 : vector<16xf32>
          %add3A_819 = arith.addf %add3A_724, %mul3A_818 : vector<16xf32>
          %mul3A_820 = vector.broadcast %squeeze3A_810 : f32 to vector<16xf32>
          %mul3A_821 = arith.mulf %mul3A_820, %get3A_780 : vector<16xf32>
          %add3A_822 = arith.addf %add3A_727, %mul3A_821 : vector<16xf32>
          %slice3A_823 = vector.extract_strided_slice %get3A_553 {offsets = [11], sizes = [1], strides = [1]} : vector<16xf32> to vector<1xf32>
          %squeeze3A_824 = vector.extract %slice3A_823[0] : f32 from vector<1xf32>
          %mul3A_825 = vector.broadcast %squeeze3A_824 : f32 to vector<16xf32>
          %mul3A_826 = arith.mulf %mul3A_825, %get3A_756 : vector<16xf32>
          %add3A_827 = arith.addf %add3A_732, %mul3A_826 : vector<16xf32>
          %mul3A_828 = vector.broadcast %squeeze3A_824 : f32 to vector<16xf32>
          %mul3A_829 = arith.mulf %mul3A_828, %get3A_764 : vector<16xf32>
          %add3A_830 = arith.addf %add3A_735, %mul3A_829 : vector<16xf32>
          %mul3A_831 = vector.broadcast %squeeze3A_824 : f32 to vector<16xf32>
          %mul3A_832 = arith.mulf %mul3A_831, %get3A_772 : vector<16xf32>
          %add3A_833 = arith.addf %add3A_738, %mul3A_832 : vector<16xf32>
          %mul3A_834 = vector.broadcast %squeeze3A_824 : f32 to vector<16xf32>
          %mul3A_835 = arith.mulf %mul3A_834, %get3A_780 : vector<16xf32>
          %add3A_836 = arith.addf %add3A_741, %mul3A_835 : vector<16xf32>
          %mul3A_837 = arith.constant 32 : i32
          %mul3A_838 = arith.muli %add3A_225, %mul3A_837 : i32
          %mul3A_839 = arith.constant 4 : i32
          %mul3A_840 = arith.muli %scan3A_528, %mul3A_839 : i32
          %add3A_841 = arith.addi %mul3A_838, %mul3A_840 : i32
          %add3A_842 = arith.constant 3 : i32
          %add3A_843 = arith.addi %add3A_841, %add3A_842 : i32
          %get3A_844 = arith.constant 0 : i32
          %get3A_845 = arith.constant 0 : i32
          %get3A_846 = tpu.memref_slice %arg8[%scan3A_198, %get3A_844, %get3A_845] : memref<2x128x128xf32, #tpu.memory_space<vmem>> -> memref<1x128x128xf32, #tpu.memory_space<vmem>>
          %get3A_847 = tpu.memref_squeeze %get3A_846 : memref<1x128x128xf32, #tpu.memory_space<vmem>> -> memref<128x128xf32, #tpu.memory_space<vmem>>
          %get3A_848 = arith.index_cast %add3A_843 : i32 to index
          %get3A_849 = arith.constant 64 : index
          %get3A_850 = tpu.vector_load %get3A_847[%get3A_848, %get3A_849] {strides = array<i32>} : memref<128x128xf32, #tpu.memory_space<vmem>>, vector<1x16xf32>,
          %get3A_851 = vector.shape_cast %get3A_850 : vector<1x16xf32> to vector<16xf32>
          %get3A_852 = arith.constant 0 : i32
          %get3A_853 = arith.constant 0 : i32
          %get3A_854 = tpu.memref_slice %arg8[%scan3A_198, %get3A_852, %get3A_853] : memref<2x128x128xf32, #tpu.memory_space<vmem>> -> memref<1x128x128xf32, #tpu.memory_space<vmem>>
          %get3A_855 = tpu.memref_squeeze %get3A_854 : memref<1x128x128xf32, #tpu.memory_space<vmem>> -> memref<128x128xf32, #tpu.memory_space<vmem>>
          %get3A_856 = arith.index_cast %add3A_843 : i32 to index
          %get3A_857 = arith.constant 80 : index
          %get3A_858 = tpu.vector_load %get3A_855[%get3A_856, %get3A_857] {strides = array<i32>} : memref<128x128xf32, #tpu.memory_space<vmem>>, vector<1x16xf32>,
          %get3A_859 = vector.shape_cast %get3A_858 : vector<1x16xf32> to vector<16xf32>
          %get3A_860 = arith.constant 0 : i32
          %get3A_861 = arith.constant 0 : i32
          %get3A_862 = tpu.memref_slice %arg8[%scan3A_198, %get3A_860, %get3A_861] : memref<2x128x128xf32, #tpu.memory_space<vmem>> -> memref<1x128x128xf32, #tpu.memory_space<vmem>>
          %get3A_863 = tpu.memref_squeeze %get3A_862 : memref<1x128x128xf32, #tpu.memory_space<vmem>> -> memref<128x128xf32, #tpu.memory_space<vmem>>
          %get3A_864 = arith.index_cast %add3A_843 : i32 to index
          %get3A_865 = arith.constant 96 : index
          %get3A_866 = tpu.vector_load %get3A_863[%get3A_864, %get3A_865] {strides = array<i32>} : memref<128x128xf32, #tpu.memory_space<vmem>>, vector<1x16xf32>,
          %get3A_867 = vector.shape_cast %get3A_866 : vector<1x16xf32> to vector<16xf32>
          %get3A_868 = arith.constant 0 : i32
          %get3A_869 = arith.constant 0 : i32
          %get3A_870 = tpu.memref_slice %arg8[%scan3A_198, %get3A_868, %get3A_869] : memref<2x128x128xf32, #tpu.memory_space<vmem>> -> memref<1x128x128xf32, #tpu.memory_space<vmem>>
          %get3A_871 = tpu.memref_squeeze %get3A_870 : memref<1x128x128xf32, #tpu.memory_space<vmem>> -> memref<128x128xf32, #tpu.memory_space<vmem>>
          %get3A_872 = arith.index_cast %add3A_843 : i32 to index
          %get3A_873 = arith.constant 112 : index
          %get3A_874 = tpu.vector_load %get3A_871[%get3A_872, %get3A_873] {strides = array<i32>} : memref<128x128xf32, #tpu.memory_space<vmem>>, vector<1x16xf32>,
          %get3A_875 = vector.shape_cast %get3A_874 : vector<1x16xf32> to vector<16xf32>
          %slice3A_876 = vector.extract_strided_slice %get3A_553 {offsets = [12], sizes = [1], strides = [1]} : vector<16xf32> to vector<1xf32>
          %squeeze3A_877 = vector.extract %slice3A_876[0] : f32 from vector<1xf32>
          %mul3A_878 = vector.broadcast %squeeze3A_877 : f32 to vector<16xf32>
          %mul3A_879 = arith.mulf %mul3A_878, %get3A_851 : vector<16xf32>
          %add3A_880 = arith.addf %add3A_785, %mul3A_879 : vector<16xf32>
          %mul3A_881 = vector.broadcast %squeeze3A_877 : f32 to vector<16xf32>
          %mul3A_882 = arith.mulf %mul3A_881, %get3A_859 : vector<16xf32>
          %add3A_883 = arith.addf %add3A_788, %mul3A_882 : vector<16xf32>
          %mul3A_884 = vector.broadcast %squeeze3A_877 : f32 to vector<16xf32>
          %mul3A_885 = arith.mulf %mul3A_884, %get3A_867 : vector<16xf32>
          %add3A_886 = arith.addf %add3A_791, %mul3A_885 : vector<16xf32>
          %mul3A_887 = vector.broadcast %squeeze3A_877 : f32 to vector<16xf32>
          %mul3A_888 = arith.mulf %mul3A_887, %get3A_875 : vector<16xf32>
          %add3A_889 = arith.addf %add3A_794, %mul3A_888 : vector<16xf32>
          %slice3A_890 = vector.extract_strided_slice %get3A_553 {offsets = [13], sizes = [1], strides = [1]} : vector<16xf32> to vector<1xf32>
          %squeeze3A_891 = vector.extract %slice3A_890[0] : f32 from vector<1xf32>
          %mul3A_892 = vector.broadcast %squeeze3A_891 : f32 to vector<16xf32>
          %mul3A_893 = arith.mulf %mul3A_892, %get3A_851 : vector<16xf32>
          %add3A_894 = arith.addf %add3A_799, %mul3A_893 : vector<16xf32>
          %mul3A_895 = vector.broadcast %squeeze3A_891 : f32 to vector<16xf32>
          %mul3A_896 = arith.mulf %mul3A_895, %get3A_859 : vector<16xf32>
          %add3A_897 = arith.addf %add3A_802, %mul3A_896 : vector<16xf32>
          %mul3A_898 = vector.broadcast %squeeze3A_891 : f32 to vector<16xf32>
          %mul3A_899 = arith.mulf %mul3A_898, %get3A_867 : vector<16xf32>
          %add3A_900 = arith.addf %add3A_805, %mul3A_899 : vector<16xf32>
          %mul3A_901 = vector.broadcast %squeeze3A_891 : f32 to vector<16xf32>
          %mul3A_902 = arith.mulf %mul3A_901, %get3A_875 : vector<16xf32>
          %add3A_903 = arith.addf %add3A_808, %mul3A_902 : vector<16xf32>
          %slice3A_904 = vector.extract_strided_slice %get3A_553 {offsets = [14], sizes = [1], strides = [1]} : vector<16xf32> to vector<1xf32>
          %squeeze3A_905 = vector.extract %slice3A_904[0] : f32 from vector<1xf32>
          %mul3A_906 = vector.broadcast %squeeze3A_905 : f32 to vector<16xf32>
          %mul3A_907 = arith.mulf %mul3A_906, %get3A_851 : vector<16xf32>
          %add3A_908 = arith.addf %add3A_813, %mul3A_907 : vector<16xf32>
          %mul3A_909 = vector.broadcast %squeeze3A_905 : f32 to vector<16xf32>
          %mul3A_910 = arith.mulf %mul3A_909, %get3A_859 : vector<16xf32>
          %add3A_911 = arith.addf %add3A_816, %mul3A_910 : vector<16xf32>
          %mul3A_912 = vector.broadcast %squeeze3A_905 : f32 to vector<16xf32>
          %mul3A_913 = arith.mulf %mul3A_912, %get3A_867 : vector<16xf32>
          %add3A_914 = arith.addf %add3A_819, %mul3A_913 : vector<16xf32>
          %mul3A_915 = vector.broadcast %squeeze3A_905 : f32 to vector<16xf32>
          %mul3A_916 = arith.mulf %mul3A_915, %get3A_875 : vector<16xf32>
          %add3A_917 = arith.addf %add3A_822, %mul3A_916 : vector<16xf32>
          %slice3A_918 = vector.extract_strided_slice %get3A_553 {offsets = [15], sizes = [1], strides = [1]} : vector<16xf32> to vector<1xf32>
          %squeeze3A_919 = vector.extract %slice3A_918[0] : f32 from vector<1xf32>
          %mul3A_920 = vector.broadcast %squeeze3A_919 : f32 to vector<16xf32>
          %mul3A_921 = arith.mulf %mul3A_920, %get3A_851 : vector<16xf32>
          %add3A_922 = arith.addf %add3A_827, %mul3A_921 : vector<16xf32>
          %mul3A_923 = vector.broadcast %squeeze3A_919 : f32 to vector<16xf32>
          %mul3A_924 = arith.mulf %mul3A_923, %get3A_859 : vector<16xf32>
          %add3A_925 = arith.addf %add3A_830, %mul3A_924 : vector<16xf32>
          %mul3A_926 = vector.broadcast %squeeze3A_919 : f32 to vector<16xf32>
          %mul3A_927 = arith.mulf %mul3A_926, %get3A_867 : vector<16xf32>
          %add3A_928 = arith.addf %add3A_833, %mul3A_927 : vector<16xf32>
          %mul3A_929 = vector.broadcast %squeeze3A_919 : f32 to vector<16xf32>
          %mul3A_930 = arith.mulf %mul3A_929, %get3A_875 : vector<16xf32>
          %add3A_931 = arith.addf %add3A_836, %mul3A_930 : vector<16xf32>
          scf.yield %add3A_880, %add3A_883, %add3A_886, %add3A_889, %add3A_894, %add3A_897, %add3A_900, %add3A_903, %add3A_908, %add3A_911, %add3A_914, %add3A_917, %add3A_922, %add3A_925, %add3A_928, %add3A_931 : vector<16xf32>, vector<16xf32>, vector<16xf32>, vector<16xf32>, vector<16xf32>, vector<16xf32>, vector<16xf32>, vector<16xf32>, vector<16xf32>, vector<16xf32>, vector<16xf32>, vector<16xf32>, vector<16xf32>, vector<16xf32>, vector<16xf32>, vector<16xf32>
        }
        %scan3A_383 = arith.constant 8 : i32
        %swap3A_384 = arith.constant 0 : i32
        %swap3A_385 = arith.constant 0 : i32
        %swap3A_386 = tpu.memref_slice %arg9[%scan3A_199, %swap3A_384, %swap3A_385] : memref<2x4x512xf32, #tpu.memory_space<vmem>> -> memref<1x4x512xf32, #tpu.memory_space<vmem>>
        %swap3A_387 = tpu.memref_squeeze %swap3A_386 : memref<1x4x512xf32, #tpu.memory_space<vmem>> -> memref<4x512xf32, #tpu.memory_space<vmem>>
        %swap3A_388 = arith.index_cast %add3A_225 : i32 to index
        %swap3A_389 = arith.constant 64 : index
        %swap3A_390 = tpu.vector_load %swap3A_387[%swap3A_388, %swap3A_389] {strides = array<i32>} : memref<4x512xf32, #tpu.memory_space<vmem>>, vector<1x16xf32>,
        %swap3A_391 = vector.shape_cast %swap3A_390 : vector<1x16xf32> to vector<16xf32>
        %swap3A_392 = vector.shape_cast %scan3A_382#0 : vector<16xf32> to vector<1x16xf32>
        tpu.vector_store %swap3A_387[%swap3A_388, %swap3A_389], %swap3A_392 {strides = array<i32>} : memref<4x512xf32, #tpu.memory_space<vmem>>, vector<1x16xf32>,
        %swap3A_393 = arith.constant 0 : i32
        %swap3A_394 = arith.constant 0 : i32
        %swap3A_395 = tpu.memref_slice %arg9[%scan3A_199, %swap3A_393, %swap3A_394] : memref<2x4x512xf32, #tpu.memory_space<vmem>> -> memref<1x4x512xf32, #tpu.memory_space<vmem>>
        %swap3A_396 = tpu.memref_squeeze %swap3A_395 : memref<1x4x512xf32, #tpu.memory_space<vmem>> -> memref<4x512xf32, #tpu.memory_space<vmem>>
        %swap3A_397 = arith.index_cast %add3A_225 : i32 to index
        %swap3A_398 = arith.constant 80 : index
        %swap3A_399 = tpu.vector_load %swap3A_396[%swap3A_397, %swap3A_398] {strides = array<i32>} : memref<4x512xf32, #tpu.memory_space<vmem>>, vector<1x16xf32>,
        %swap3A_400 = vector.shape_cast %swap3A_399 : vector<1x16xf32> to vector<16xf32>
        %swap3A_401 = vector.shape_cast %scan3A_382#1 : vector<16xf32> to vector<1x16xf32>
        tpu.vector_store %swap3A_396[%swap3A_397, %swap3A_398], %swap3A_401 {strides = array<i32>} : memref<4x512xf32, #tpu.memory_space<vmem>>, vector<1x16xf32>,
        %swap3A_402 = arith.constant 0 : i32
        %swap3A_403 = arith.constant 0 : i32
        %swap3A_404 = tpu.memref_slice %arg9[%scan3A_199, %swap3A_402, %swap3A_403] : memref<2x4x512xf32, #tpu.memory_space<vmem>> -> memref<1x4x512xf32, #tpu.memory_space<vmem>>
        %swap3A_405 = tpu.memref_squeeze %swap3A_404 : memref<1x4x512xf32, #tpu.memory_space<vmem>> -> memref<4x512xf32, #tpu.memory_space<vmem>>
        %swap3A_406 = arith.index_cast %add3A_225 : i32 to index
        %swap3A_407 = arith.constant 96 : index
        %swap3A_408 = tpu.vector_load %swap3A_405[%swap3A_406, %swap3A_407] {strides = array<i32>} : memref<4x512xf32, #tpu.memory_space<vmem>>, vector<1x16xf32>,
        %swap3A_409 = vector.shape_cast %swap3A_408 : vector<1x16xf32> to vector<16xf32>
        %swap3A_410 = vector.shape_cast %scan3A_382#2 : vector<16xf32> to vector<1x16xf32>
        tpu.vector_store %swap3A_405[%swap3A_406, %swap3A_407], %swap3A_410 {strides = array<i32>} : memref<4x512xf32, #tpu.memory_space<vmem>>, vector<1x16xf32>,
        %swap3A_411 = arith.constant 0 : i32
        %swap3A_412 = arith.constant 0 : i32
        %swap3A_413 = tpu.memref_slice %arg9[%scan3A_199, %swap3A_411, %swap3A_412] : memref<2x4x512xf32, #tpu.memory_space<vmem>> -> memref<1x4x512xf32, #tpu.memory_space<vmem>>
        %swap3A_414 = tpu.memref_squeeze %swap3A_413 : memref<1x4x512xf32, #tpu.memory_space<vmem>> -> memref<4x512xf32, #tpu.memory_space<vmem>>
        %swap3A_415 = arith.index_cast %add3A_225 : i32 to index
        %swap3A_416 = arith.constant 112 : index
        %swap3A_417 = tpu.vector_load %swap3A_414[%swap3A_415, %swap3A_416] {strides = array<i32>} : memref<4x512xf32, #tpu.memory_space<vmem>>, vector<1x16xf32>,
        %swap3A_418 = vector.shape_cast %swap3A_417 : vector<1x16xf32> to vector<16xf32>
        %swap3A_419 = vector.shape_cast %scan3A_382#3 : vector<16xf32> to vector<1x16xf32>
        tpu.vector_store %swap3A_414[%swap3A_415, %swap3A_416], %swap3A_419 {strides = array<i32>} : memref<4x512xf32, #tpu.memory_space<vmem>>, vector<1x16xf32>,
        %swap3A_420 = arith.constant 0 : i32
        %swap3A_421 = arith.constant 0 : i32
        %swap3A_422 = tpu.memref_slice %arg9[%scan3A_199, %swap3A_420, %swap3A_421] : memref<2x4x512xf32, #tpu.memory_space<vmem>> -> memref<1x4x512xf32, #tpu.memory_space<vmem>>
        %swap3A_423 = tpu.memref_squeeze %swap3A_422 : memref<1x4x512xf32, #tpu.memory_space<vmem>> -> memref<4x512xf32, #tpu.memory_space<vmem>>
        %swap3A_424 = arith.index_cast %add3A_225 : i32 to index
        %swap3A_425 = arith.constant 192 : index
        %swap3A_426 = tpu.vector_load %swap3A_423[%swap3A_424, %swap3A_425] {strides = array<i32>} : memref<4x512xf32, #tpu.memory_space<vmem>>, vector<1x16xf32>,
        %swap3A_427 = vector.shape_cast %swap3A_426 : vector<1x16xf32> to vector<16xf32>
        %swap3A_428 = vector.shape_cast %scan3A_382#4 : vector<16xf32> to vector<1x16xf32>
        tpu.vector_store %swap3A_423[%swap3A_424, %swap3A_425], %swap3A_428 {strides = array<i32>} : memref<4x512xf32, #tpu.memory_space<vmem>>, vector<1x16xf32>,
        %swap3A_429 = arith.constant 0 : i32
        %swap3A_430 = arith.constant 0 : i32
        %swap3A_431 = tpu.memref_slice %arg9[%scan3A_199, %swap3A_429, %swap3A_430] : memref<2x4x512xf32, #tpu.memory_space<vmem>> -> memref<1x4x512xf32, #tpu.memory_space<vmem>>
        %swap3A_432 = tpu.memref_squeeze %swap3A_431 : memref<1x4x512xf32, #tpu.memory_space<vmem>> -> memref<4x512xf32, #tpu.memory_space<vmem>>
        %swap3A_433 = arith.index_cast %add3A_225 : i32 to index
        %swap3A_434 = arith.constant 208 : index
        %swap3A_435 = tpu.vector_load %swap3A_432[%swap3A_433, %swap3A_434] {strides = array<i32>} : memref<4x512xf32, #tpu.memory_space<vmem>>, vector<1x16xf32>,
        %swap3A_436 = vector.shape_cast %swap3A_435 : vector<1x16xf32> to vector<16xf32>
        %swap3A_437 = vector.shape_cast %scan3A_382#5 : vector<16xf32> to vector<1x16xf32>
        tpu.vector_store %swap3A_432[%swap3A_433, %swap3A_434], %swap3A_437 {strides = array<i32>} : memref<4x512xf32, #tpu.memory_space<vmem>>, vector<1x16xf32>,
        %swap3A_438 = arith.constant 0 : i32
        %swap3A_439 = arith.constant 0 : i32
        %swap3A_440 = tpu.memref_slice %arg9[%scan3A_199, %swap3A_438, %swap3A_439] : memref<2x4x512xf32, #tpu.memory_space<vmem>> -> memref<1x4x512xf32, #tpu.memory_space<vmem>>
        %swap3A_441 = tpu.memref_squeeze %swap3A_440 : memref<1x4x512xf32, #tpu.memory_space<vmem>> -> memref<4x512xf32, #tpu.memory_space<vmem>>
        %swap3A_442 = arith.index_cast %add3A_225 : i32 to index
        %swap3A_443 = arith.constant 224 : index
        %swap3A_444 = tpu.vector_load %swap3A_441[%swap3A_442, %swap3A_443] {strides = array<i32>} : memref<4x512xf32, #tpu.memory_space<vmem>>, vector<1x16xf32>,
        %swap3A_445 = vector.shape_cast %swap3A_444 : vector<1x16xf32> to vector<16xf32>
        %swap3A_446 = vector.shape_cast %scan3A_382#6 : vector<16xf32> to vector<1x16xf32>
        tpu.vector_store %swap3A_441[%swap3A_442, %swap3A_443], %swap3A_446 {strides = array<i32>} : memref<4x512xf32, #tpu.memory_space<vmem>>, vector<1x16xf32>,
        %swap3A_447 = arith.constant 0 : i32
        %swap3A_448 = arith.constant 0 : i32
        %swap3A_449 = tpu.memref_slice %arg9[%scan3A_199, %swap3A_447, %swap3A_448] : memref<2x4x512xf32, #tpu.memory_space<vmem>> -> memref<1x4x512xf32, #tpu.memory_space<vmem>>
        %swap3A_450 = tpu.memref_squeeze %swap3A_449 : memref<1x4x512xf32, #tpu.memory_space<vmem>> -> memref<4x512xf32, #tpu.memory_space<vmem>>
        %swap3A_451 = arith.index_cast %add3A_225 : i32 to index
        %swap3A_452 = arith.constant 240 : index
        %swap3A_453 = tpu.vector_load %swap3A_450[%swap3A_451, %swap3A_452] {strides = array<i32>} : memref<4x512xf32, #tpu.memory_space<vmem>>, vector<1x16xf32>,
        %swap3A_454 = vector.shape_cast %swap3A_453 : vector<1x16xf32> to vector<16xf32>
        %swap3A_455 = vector.shape_cast %scan3A_382#7 : vector<16xf32> to vector<1x16xf32>
        tpu.vector_store %swap3A_450[%swap3A_451, %swap3A_452], %swap3A_455 {strides = array<i32>} : memref<4x512xf32, #tpu.memory_space<vmem>>, vector<1x16xf32>,
        %swap3A_456 = arith.constant 0 : i32
        %swap3A_457 = arith.constant 0 : i32
        %swap3A_458 = tpu.memref_slice %arg9[%scan3A_199, %swap3A_456, %swap3A_457] : memref<2x4x512xf32, #tpu.memory_space<vmem>> -> memref<1x4x512xf32, #tpu.memory_space<vmem>>
        %swap3A_459 = tpu.memref_squeeze %swap3A_458 : memref<1x4x512xf32, #tpu.memory_space<vmem>> -> memref<4x512xf32, #tpu.memory_space<vmem>>
        %swap3A_460 = arith.index_cast %add3A_225 : i32 to index
        %swap3A_461 = arith.constant 320 : index
        %swap3A_462 = tpu.vector_load %swap3A_459[%swap3A_460, %swap3A_461] {strides = array<i32>} : memref<4x512xf32, #tpu.memory_space<vmem>>, vector<1x16xf32>,
        %swap3A_463 = vector.shape_cast %swap3A_462 : vector<1x16xf32> to vector<16xf32>
        %swap3A_464 = vector.shape_cast %scan3A_382#8 : vector<16xf32> to vector<1x16xf32>
        tpu.vector_store %swap3A_459[%swap3A_460, %swap3A_461], %swap3A_464 {strides = array<i32>} : memref<4x512xf32, #tpu.memory_space<vmem>>, vector<1x16xf32>,
        %swap3A_465 = arith.constant 0 : i32
        %swap3A_466 = arith.constant 0 : i32
        %swap3A_467 = tpu.memref_slice %arg9[%scan3A_199, %swap3A_465, %swap3A_466] : memref<2x4x512xf32, #tpu.memory_space<vmem>> -> memref<1x4x512xf32, #tpu.memory_space<vmem>>
        %swap3A_468 = tpu.memref_squeeze %swap3A_467 : memref<1x4x512xf32, #tpu.memory_space<vmem>> -> memref<4x512xf32, #tpu.memory_space<vmem>>
        %swap3A_469 = arith.index_cast %add3A_225 : i32 to index
        %swap3A_470 = arith.constant 336 : index
        %swap3A_471 = tpu.vector_load %swap3A_468[%swap3A_469, %swap3A_470] {strides = array<i32>} : memref<4x512xf32, #tpu.memory_space<vmem>>, vector<1x16xf32>,
        %swap3A_472 = vector.shape_cast %swap3A_471 : vector<1x16xf32> to vector<16xf32>
        %swap3A_473 = vector.shape_cast %scan3A_382#9 : vector<16xf32> to vector<1x16xf32>
        tpu.vector_store %swap3A_468[%swap3A_469, %swap3A_470], %swap3A_473 {strides = array<i32>} : memref<4x512xf32, #tpu.memory_space<vmem>>, vector<1x16xf32>,
        %swap3A_474 = arith.constant 0 : i32
        %swap3A_475 = arith.constant 0 : i32
        %swap3A_476 = tpu.memref_slice %arg9[%scan3A_199, %swap3A_474, %swap3A_475] : memref<2x4x512xf32, #tpu.memory_space<vmem>> -> memref<1x4x512xf32, #tpu.memory_space<vmem>>
        %swap3A_477 = tpu.memref_squeeze %swap3A_476 : memref<1x4x512xf32, #tpu.memory_space<vmem>> -> memref<4x512xf32, #tpu.memory_space<vmem>>
        %swap3A_478 = arith.index_cast %add3A_225 : i32 to index
        %swap3A_479 = arith.constant 352 : index
        %swap3A_480 = tpu.vector_load %swap3A_477[%swap3A_478, %swap3A_479] {strides = array<i32>} : memref<4x512xf32, #tpu.memory_space<vmem>>, vector<1x16xf32>,
        %swap3A_481 = vector.shape_cast %swap3A_480 : vector<1x16xf32> to vector<16xf32>
        %swap3A_482 = vector.shape_cast %scan3A_382#10 : vector<16xf32> to vector<1x16xf32>
        tpu.vector_store %swap3A_477[%swap3A_478, %swap3A_479], %swap3A_482 {strides = array<i32>} : memref<4x512xf32, #tpu.memory_space<vmem>>, vector<1x16xf32>,
        %swap3A_483 = arith.constant 0 : i32
        %swap3A_484 = arith.constant 0 : i32
        %swap3A_485 = tpu.memref_slice %arg9[%scan3A_199, %swap3A_483, %swap3A_484] : memref<2x4x512xf32, #tpu.memory_space<vmem>> -> memref<1x4x512xf32, #tpu.memory_space<vmem>>
        %swap3A_486 = tpu.memref_squeeze %swap3A_485 : memref<1x4x512xf32, #tpu.memory_space<vmem>> -> memref<4x512xf32, #tpu.memory_space<vmem>>
        %swap3A_487 = arith.index_cast %add3A_225 : i32 to index
        %swap3A_488 = arith.constant 368 : index
        %swap3A_489 = tpu.vector_load %swap3A_486[%swap3A_487, %swap3A_488] {strides = array<i32>} : memref<4x512xf32, #tpu.memory_space<vmem>>, vector<1x16xf32>,
        %swap3A_490 = vector.shape_cast %swap3A_489 : vector<1x16xf32> to vector<16xf32>
        %swap3A_491 = vector.shape_cast %scan3A_382#11 : vector<16xf32> to vector<1x16xf32>
        tpu.vector_store %swap3A_486[%swap3A_487, %swap3A_488], %swap3A_491 {strides = array<i32>} : memref<4x512xf32, #tpu.memory_space<vmem>>, vector<1x16xf32>,
        %swap3A_492 = arith.constant 0 : i32
        %swap3A_493 = arith.constant 0 : i32
        %swap3A_494 = tpu.memref_slice %arg9[%scan3A_199, %swap3A_492, %swap3A_493] : memref<2x4x512xf32, #tpu.memory_space<vmem>> -> memref<1x4x512xf32, #tpu.memory_space<vmem>>
        %swap3A_495 = tpu.memref_squeeze %swap3A_494 : memref<1x4x512xf32, #tpu.memory_space<vmem>> -> memref<4x512xf32, #tpu.memory_space<vmem>>
        %swap3A_496 = arith.index_cast %add3A_225 : i32 to index
        %swap3A_497 = arith.constant 448 : index
        %swap3A_498 = tpu.vector_load %swap3A_495[%swap3A_496, %swap3A_497] {strides = array<i32>} : memref<4x512xf32, #tpu.memory_space<vmem>>, vector<1x16xf32>,
        %swap3A_499 = vector.shape_cast %swap3A_498 : vector<1x16xf32> to vector<16xf32>
        %swap3A_500 = vector.shape_cast %scan3A_382#12 : vector<16xf32> to vector<1x16xf32>
        tpu.vector_store %swap3A_495[%swap3A_496, %swap3A_497], %swap3A_500 {strides = array<i32>} : memref<4x512xf32, #tpu.memory_space<vmem>>, vector<1x16xf32>,
        %swap3A_501 = arith.constant 0 : i32
        %swap3A_502 = arith.constant 0 : i32
        %swap3A_503 = tpu.memref_slice %arg9[%scan3A_199, %swap3A_501, %swap3A_502] : memref<2x4x512xf32, #tpu.memory_space<vmem>> -> memref<1x4x512xf32, #tpu.memory_space<vmem>>
        %swap3A_504 = tpu.memref_squeeze %swap3A_503 : memref<1x4x512xf32, #tpu.memory_space<vmem>> -> memref<4x512xf32, #tpu.memory_space<vmem>>
        %swap3A_505 = arith.index_cast %add3A_225 : i32 to index
        %swap3A_506 = arith.constant 464 : index
        %swap3A_507 = tpu.vector_load %swap3A_504[%swap3A_505, %swap3A_506] {strides = array<i32>} : memref<4x512xf32, #tpu.memory_space<vmem>>, vector<1x16xf32>,
        %swap3A_508 = vector.shape_cast %swap3A_507 : vector<1x16xf32> to vector<16xf32>
        %swap3A_509 = vector.shape_cast %scan3A_382#13 : vector<16xf32> to vector<1x16xf32>
        tpu.vector_store %swap3A_504[%swap3A_505, %swap3A_506], %swap3A_509 {strides = array<i32>} : memref<4x512xf32, #tpu.memory_space<vmem>>, vector<1x16xf32>,
        %swap3A_510 = arith.constant 0 : i32
        %swap3A_511 = arith.constant 0 : i32
        %swap3A_512 = tpu.memref_slice %arg9[%scan3A_199, %swap3A_510, %swap3A_511] : memref<2x4x512xf32, #tpu.memory_space<vmem>> -> memref<1x4x512xf32, #tpu.memory_space<vmem>>
        %swap3A_513 = tpu.memref_squeeze %swap3A_512 : memref<1x4x512xf32, #tpu.memory_space<vmem>> -> memref<4x512xf32, #tpu.memory_space<vmem>>
        %swap3A_514 = arith.index_cast %add3A_225 : i32 to index
        %swap3A_515 = arith.constant 480 : index
        %swap3A_516 = tpu.vector_load %swap3A_513[%swap3A_514, %swap3A_515] {strides = array<i32>} : memref<4x512xf32, #tpu.memory_space<vmem>>, vector<1x16xf32>,
        %swap3A_517 = vector.shape_cast %swap3A_516 : vector<1x16xf32> to vector<16xf32>
        %swap3A_518 = vector.shape_cast %scan3A_382#14 : vector<16xf32> to vector<1x16xf32>
        tpu.vector_store %swap3A_513[%swap3A_514, %swap3A_515], %swap3A_518 {strides = array<i32>} : memref<4x512xf32, #tpu.memory_space<vmem>>, vector<1x16xf32>,
        %swap3A_519 = arith.constant 0 : i32
        %swap3A_520 = arith.constant 0 : i32
        %swap3A_521 = tpu.memref_slice %arg9[%scan3A_199, %swap3A_519, %swap3A_520] : memref<2x4x512xf32, #tpu.memory_space<vmem>> -> memref<1x4x512xf32, #tpu.memory_space<vmem>>
        %swap3A_522 = tpu.memref_squeeze %swap3A_521 : memref<1x4x512xf32, #tpu.memory_space<vmem>> -> memref<4x512xf32, #tpu.memory_space<vmem>>
        %swap3A_523 = arith.index_cast %add3A_225 : i32 to index
        %swap3A_524 = arith.constant 496 : index
        %swap3A_525 = tpu.vector_load %swap3A_522[%swap3A_523, %swap3A_524] {strides = array<i32>} : memref<4x512xf32, #tpu.memory_space<vmem>>, vector<1x16xf32>,
        %swap3A_526 = vector.shape_cast %swap3A_525 : vector<1x16xf32> to vector<16xf32>
        %swap3A_527 = vector.shape_cast %scan3A_382#15 : vector<16xf32> to vector<1x16xf32>
        tpu.vector_store %swap3A_522[%swap3A_523, %swap3A_524], %swap3A_527 {strides = array<i32>} : memref<4x512xf32, #tpu.memory_space<vmem>>, vector<1x16xf32>,
      }
      %scan3A_204 = arith.constant 4 : i32
      %mul3A_205 = arith.constant 4 : i32
      %mul3A_206 = arith.muli %add3A_157, %mul3A_205 : i32
      %add3A_207 = arith.addi %mul3A_2, %mul3A_206 : i32
      %dma_start3A_208 = arith.constant 1 : i32
      %dma_start3A_209 = arith.constant 0 : i32
      %dma_start3A_210 = arith.constant 0 : i32
      %dma_start3A_211 = tpu.memref_slice %arg9[%dma_start3A_208, %dma_start3A_209, %dma_start3A_210] : memref<2x4x512xf32, #tpu.memory_space<vmem>> -> memref<1x4x512xf32, #tpu.memory_space<vmem>>
      %dma_start3A_212 = tpu.memref_squeeze %dma_start3A_211 : memref<1x4x512xf32, #tpu.memory_space<vmem>> -> memref<4x512xf32, #tpu.memory_space<vmem>>
      %dma_start3A_213 = arith.constant 0 : i32
      %dma_start3A_214 = tpu.memref_slice %arg5[%add3A_207, %dma_start3A_213] : memref<10240x512xf32, #tpu.memory_space<hbm>> -> memref<4x512xf32, #tpu.memory_space<hbm>>
      %dma_start3A_215 = arith.constant 0 : i32
      %dma_start3A_216 = tpu.memref_slice %arg5[%add3A_207, %dma_start3A_215] : memref<10240x512xf32, #tpu.memory_space<hbm>> -> memref<4x512xf32, #tpu.memory_space<hbm>>
      %dma_start3A_217 = arith.constant 0 : i32
      %dma_start3A_218 = arith.constant 0 : i32
      %dma_start3A_219 = tpu.memref_slice %arg9[%dma_start3A_208, %dma_start3A_217, %dma_start3A_218] : memref<2x4x512xf32, #tpu.memory_space<vmem>> -> memref<1x4x512xf32, #tpu.memory_space<vmem>>
      %dma_start3A_220 = tpu.memref_squeeze %dma_start3A_219 : memref<1x4x512xf32, #tpu.memory_space<vmem>> -> memref<4x512xf32, #tpu.memory_space<vmem>>
      tpu.enqueue_dma source(%dma_start3A_220 : memref<4x512xf32, #tpu.memory_space<vmem>>) target(%dma_start3A_216 : memref<4x512xf32, #tpu.memory_space<hbm>>) target_semaphore(%arg16 : memref<!tpu.dma_semaphore, #tpu.memory_space<semaphore_mem>>)
    }
    %scan3A_63 = arith.constant 40 : i32
    %dma_wait3A_64 = arith.constant 0 : i32
    %dma_wait3A_65 = arith.constant 0 : i32
    %dma_wait3A_66 = arith.constant 0 : i32
    %dma_wait3A_67 = tpu.memref_slice %arg9[%dma_wait3A_64, %dma_wait3A_65, %dma_wait3A_66] : memref<2x4x512xf32, #tpu.memory_space<vmem>> -> memref<1x4x512xf32, #tpu.memory_space<vmem>>
    %dma_wait3A_68 = tpu.memref_squeeze %dma_wait3A_67 : memref<1x4x512xf32, #tpu.memory_space<vmem>> -> memref<4x512xf32, #tpu.memory_space<vmem>>
    %dma_wait3A_69 = arith.constant 0 : i32
    %dma_wait3A_70 = tpu.memref_slice %arg5[%mul3A_2, %dma_wait3A_69] : memref<10240x512xf32, #tpu.memory_space<hbm>> -> memref<4x512xf32, #tpu.memory_space<hbm>>
    %dma_wait3A_71 = arith.constant 0 : i32
    %dma_wait3A_72 = tpu.memref_slice %arg5[%mul3A_2, %dma_wait3A_71] : memref<10240x512xf32, #tpu.memory_space<hbm>> -> memref<4x512xf32, #tpu.memory_space<hbm>>
    %dma_wait3A_73 = arith.constant 0 : i32
    %dma_wait3A_74 = arith.constant 0 : i32
    %dma_wait3A_75 = tpu.memref_slice %arg9[%dma_wait3A_64, %dma_wait3A_73, %dma_wait3A_74] : memref<2x4x512xf32, #tpu.memory_space<vmem>> -> memref<1x4x512xf32, #tpu.memory_space<vmem>>
    %dma_wait3A_76 = tpu.memref_squeeze %dma_wait3A_75 : memref<1x4x512xf32, #tpu.memory_space<vmem>> -> memref<4x512xf32, #tpu.memory_space<vmem>>
    tpu.wait_dma2 semaphore(%arg15 : memref<!tpu.dma_semaphore, #tpu.memory_space<semaphore_mem>>) src(%dma_wait3A_76 : memref<4x512xf32, #tpu.memory_space<vmem>>) dst(%dma_wait3A_72 : memref<4x512xf32, #tpu.memory_space<hbm>>)
    %dma_wait3A_77 = arith.constant 1 : i32
    %dma_wait3A_78 = arith.constant 0 : i32
    %dma_wait3A_79 = arith.constant 0 : i32
    %dma_wait3A_80 = tpu.memref_slice %arg9[%dma_wait3A_77, %dma_wait3A_78, %dma_wait3A_79] : memref<2x4x512xf32, #tpu.memory_space<vmem>> -> memref<1x4x512xf32, #tpu.memory_space<vmem>>
    %dma_wait3A_81 = tpu.memref_squeeze %dma_wait3A_80 : memref<1x4x512xf32, #tpu.memory_space<vmem>> -> memref<4x512xf32, #tpu.memory_space<vmem>>
    %dma_wait3A_82 = arith.constant 0 : i32
    %dma_wait3A_83 = tpu.memref_slice %arg5[%mul3A_2, %dma_wait3A_82] : memref<10240x512xf32, #tpu.memory_space<hbm>> -> memref<4x512xf32, #tpu.memory_space<hbm>>
    %dma_wait3A_84 = arith.constant 0 : i32
    %dma_wait3A_85 = tpu.memref_slice %arg5[%mul3A_2, %dma_wait3A_84] : memref<10240x512xf32, #tpu.memory_space<hbm>> -> memref<4x512xf32, #tpu.memory_space<hbm>>
    %dma_wait3A_86 = arith.constant 0 : i32
    %dma_wait3A_87 = arith.constant 0 : i32
    %dma_wait3A_88 = tpu.memref_slice %arg9[%dma_wait3A_77, %dma_wait3A_86, %dma_wait3A_87] : memref<2x4x512xf32, #tpu.memory_space<vmem>> -> memref<1x4x512xf32, #tpu.memory_space<vmem>>
    %dma_wait3A_89 = tpu.memref_squeeze %dma_wait3A_88 : memref<1x4x512xf32, #tpu.memory_space<vmem>> -> memref<4x512xf32, #tpu.memory_space<vmem>>
    tpu.wait_dma2 semaphore(%arg16 : memref<!tpu.dma_semaphore, #tpu.memory_space<semaphore_mem>>) src(%dma_wait3A_89 : memref<4x512xf32, #tpu.memory_space<vmem>>) dst(%dma_wait3A_85 : memref<4x512xf32, #tpu.memory_space<hbm>>)
    return
  }
}

module attributes {stable_mosaic.version = 14 : i64} {
  func.func @mm_body(%arg0: i32, %arg1: memref<1024x512xf32, #tpu.memory_space<vmem>>, %arg2: memref<512x128xf32, #tpu.memory_space<vmem>>, %arg3: memref<1024x128xf32, #tpu.memory_space<vmem>>) attributes {dimension_semantics = [#tpu.dimension_semantics<arbitrary>], iteration_bounds = array<i64: 10>, scalar_prefetch = 0 : i64, scratch_operands = 0 : i64, tpu.core_type = #tpu.core_type<tc>, window_params = [{transform_indices = @transform_0, window_bounds = array<i64: 1024, 512>}, {pipeline_mode = #tpu.pipeline_mode<synchronous>, transform_indices = @transform_1, window_bounds = array<i64: 512, 128>}, {transform_indices = @transform_2, window_bounds = array<i64: 1024, 128>}]} {
    %get3A = arith.constant 0 : index
    %get3A_0 = arith.constant 0 : index
    %get3A_1 = vector.load %arg1[%get3A, %get3A_0] : memref<1024x512xf32, #tpu.memory_space<vmem>>, vector<1024x512xf32>
    %convert_element_type3A = arith.truncf %get3A_1 : vector<1024x512xf32> to vector<1024x512xbf16>
    %get3A_2 = arith.constant 0 : index
    %get3A_3 = arith.constant 0 : index
    %get3A_4 = vector.load %arg2[%get3A_2, %get3A_3] : memref<512x128xf32, #tpu.memory_space<vmem>>, vector<512x128xf32>
    %convert_element_type3A_5 = arith.truncf %get3A_4 : vector<512x128xf32> to vector<512x128xbf16>
    %dot_general3A = arith.constant dense<0.000000e+00> : vector<1024x128xf32>
    %dot_general3A_6 = tpu.matmul %convert_element_type3A, %convert_element_type3A_5, %dot_general3A {dimension_numbers = #tpu.dot_dimension_numbers<[1], [0], [0], [1], [0, 0, 1, 1], [], []>, transpose_lhs_hint = false} : vector<1024x512xbf16>, vector<512x128xbf16>, vector<1024x128xf32> -> vector<1024x128xf32>
    %swap3A = arith.constant 0 : index
    %swap3A_7 = arith.constant 0 : index
    %swap3A_8 = vector.load %arg3[%swap3A, %swap3A_7] : memref<1024x128xf32, #tpu.memory_space<vmem>>, vector<1024x128xf32>
    tpu.vector_store %arg3[%swap3A, %swap3A_7], %dot_general3A_6 {strides = array<i32>} : memref<1024x128xf32, #tpu.memory_space<vmem>>, vector<1024x128xf32>,
    return
  }
  func.func @transform_0(%arg0: i32) -> (i32, i32) {
    %c0_i32 = arith.constant 0 : i32
    %c0_i32_0 = arith.constant 0 : i32
    return %arg0, %c0_i32 : i32, i32
  }
  func.func @transform_1(%arg0: i32) -> (i32, i32) {
    %c0_i32 = arith.constant 0 : i32
    %c0_i32_0 = arith.constant 0 : i32
    %c0_i32_1 = arith.constant 0 : i32
    return %c0_i32, %c0_i32_0 : i32, i32
  }
  func.func @transform_2(%arg0: i32) -> (i32, i32) {
    %c0_i32 = arith.constant 0 : i32
    %c0_i32_0 = arith.constant 0 : i32
    return %arg0, %c0_i32 : i32, i32
  }
}

</mosaic_0001>

<sc_bundles>
// kernel: kernel.4.cloned.1.call-start
scs
__scs_entry_jumppad:
0x0: {  	(pc) =	sbr.rel $0x88, $3  }
0x1: {  	(tag) =	ssettag $0x0;
	lr =	simm.s32 $0x1  }
0x2: {  	[smem:$0x3F9D] =	sst lr;
	_ =	strace $0xD0000000  }
0x3: {  	_ = 	snop  }
0x4: {  	_ = 	snop  }
0x5: {  	_ = 	snop  }
0x6: {  	_ = 	snop  }
0x7: {  	_ = 	snop  }
__scs_overlays_trampoline_lowered:
0x8: {  	[smem:$0x3FAC] =	sst s0  }
0x9: {  	[smem:$0x3FAD] =	sst s1  }
0xa: {  	[smem:$0x3FAE] =	sst s2  }
0xb: {  	[smem:$0x3FAF] =	sst s3  }
0xc: {  	[smem:$0x3FB0] =	sst s4  }
0xd: {  	[smem:$0x3FB1] =	sst s5  }
0xe: {  	[smem:$0x3FB2] =	sst s6  }
0xf: {  	[smem:$0x3FB3] =	sst s7  }
0x10: {  	[smem:$0x3FB4] =	sst s8  }
0x11: {  	[smem:$0x3FB5] =	sst s9;
	s0 =	simm.s32 @!p0 $0x0  }
0x12: {  	s1 =	sld [smem:$0x3F9B];
	s0 =	simm.s32 @p0 $0x1  }
0x13: {  	[smem:$0x3FB6] =	sst s0;
	s0 =	simm.s32 @!p1 $0x0  }
0x14: {  	s2 =	sld [smem:$0x3F9A];
	s0 =	simm.s32 @p1 $0x1  }
0x15: {  	[smem:$0x3FB7] =	sst s0;
	s0 =	simm.s32 @!p2 $0x0  }
0x16: {  	s3 =	sld [smem:$0x3FDB];
	s0 =	simm.s32 @p2 $0x1  }
0x17: {  	s4 =	simm.s32 $0x1BF5;
	[smem:$0x3FB9] =	sst s0  }
0x18: {  	s0 =	sld [smem:$0x3F9C];
	_ =	swait.ge [sflag:s4], $0x0  }
0x19: {  	s7 =	sld [smem:$0x3F9D]  }
0x1a: {  	s8 =	sadd.s32 $0xFFFFE003, lr  }
0x1b: {  	s9 =	sadd.s32 $0xFFFFFEF7, lr;
	s5 =	simm.s32 $0xFFFFFFFF;
	p2 =	slt.u32 s8, $0xFFFFF086  }
0x1c: {  	p1 =	slt.u32 s9, $0xF7A;
	s5 =	simm.s32 @!p2 $0x0  }
0x1d: {  	s5 =	simm.s32 @p1 $0x1;
	p0 =	seq.s32 s7, s2  }
0x1e: {  	s7 =	smul.u32 @!p0 $0xF7A, s2;
	p2 =	seq.s32 @!p0 s5, $0x0  }
0x1f: {  	s9 =	smul.u32 $0xF7A, s1;
	s8 =	simm.s32 @!p0 $0x1BF5;
	p2 =	por !p2, p0  }
0x20: {  	[sflag:s8] =	ssyncset.s32 @!p0 $0xFFFFF086;
	s6 =	sadd.s32 @!p0 s3, s7;
	s7 =	simm.s32 @!p0 $0x108  }
0x21: {  	s3 =	sadd.s32 s3, s9;
	s6 =	sadd.s32 @!p0 $0x88, s6;
	s7 =	simm.s32 @p2 $0x1082  }
0x22: {  	[simem:s7], [sflag:s8] =	dma.local @!p0 [hbm:s6], $0xF7A  }
0x23: {  	s9 =	sor.u32 $0xD0000000, s2;
	s6 =	simm.s32 $0x108;
	_ =	swait.ge @!p0 [sflag:s8], $0x0  }
0x24: {  	s3 =	sadd.s32 $0x88, s3;
	s6 =	simm.s32 @!p1 $0x1082;
	[sflag:s4] =	ssyncset.s32 $0xFFFFF086  }
0x25: {  	[simem:s6], [sflag:s4] =	dma.local [hbm:s3], $0xF7A  }
0x26: {  	[smem:$0x3F9D] =	sst s1;
	(tag) =	ssettag s2;
	_ =	strace s9  }
0x27: {  	s1 =	sld [smem:$0x3FAD]  }
0x28: {  	s2 =	sld [smem:$0x3FAE]  }
0x29: {  	s4 =	sld [smem:$0x3FB0]  }
0x2a: {  	p0 =	seq.s32 s5, $0x0;
	s5 =	sld [smem:$0x3FB1]  }
0x2b: {  	s6 =	sld [smem:$0x3FB2]  }
0x2c: {  	s7 =	sld [smem:$0x3FB3]  }
0x2d: {  	s3 =	simm.s32 $0x108;
	s8 =	sld [smem:$0x3FB4]  }
0x2e: {  	s3 =	simm.s32 @!p0 $0x1082;
	s9 =	sld [smem:$0x3FB5]  }
0x2f: {  	lr =	sadd.s32 s0, s3;
	s0 =	sld [smem:$0x3FAC]  }
0x30: {  	s3 =	sld [smem:$0x3FAF]  }
0x31: {  	[smem:$0x3FB8] =	sst s10  }
0x32: {  	s10 =	sld [smem:$0x3FB6];
	_ =	sdelay $0x3  }
0x33: {  	p0 =	seq.s32 s10, $0x1;
	s10 =	sld [smem:$0x3FB8];
	_ =	sdelay $0x3  }
0x34: {  	[smem:$0x3FB8] =	sst s10  }
0x35: {  	s10 =	sld [smem:$0x3FB7];
	_ =	sdelay $0x3  }
0x36: {  	p1 =	seq.s32 s10, $0x1;
	s10 =	sld [smem:$0x3FB8];
	_ =	sdelay $0x3  }
0x37: {  	[smem:$0x3FB8] =	sst s10  }
0x38: {  	s10 =	sld [smem:$0x3FB9]  }
0x39: {  	_ = 	snop;
	(pc) =	sbr.ind lr, $3  }
0x3a: {  	_ = 	snop  }
0x3b: {  	_ = 	snop  }
0x3c: {  	p2 =	seq.s32 s10, $0x1;
	s10 =	sld [smem:$0x3FB8]  }
0x3d: {  	_ =	shalt  }
0x3e: {  	_ =	shalt  }
0x3f: {  	_ =	shalt  }
0x40: {  	_ =	shalt  }
0x41: {  	_ =	shalt  }
0x42: {  	_ =	shalt  }
0x43: {  	_ =	shalt  }
0x44: {  	_ =	shalt  }
0x45: {  	_ =	shalt  }
0x46: {  	_ =	shalt  }
0x47: {  	_ =	shalt  }
0x48: {  	_ =	shalt  }
0x49: {  	_ =	shalt  }
0x4a: {  	_ =	shalt  }
0x4b: {  	_ =	shalt  }
0x4c: {  	_ =	shalt  }
0x4d: {  	_ =	shalt  }
0x4e: {  	_ =	shalt  }
0x4f: {  	_ =	shalt  }
0x50: {  	_ =	shalt  }
0x51: {  	_ =	shalt  }
0x52: {  	_ =	shalt  }
0x53: {  	_ =	shalt  }
0x54: {  	_ =	shalt  }
0x55: {  	_ =	shalt  }
0x56: {  	_ =	shalt  }
0x57: {  	_ =	shalt  }
0x58: {  	_ =	shalt  }
0x59: {  	_ =	shalt  }
0x5a: {  	_ =	shalt  }
0x5b: {  	_ =	shalt  }
0x5c: {  	_ =	shalt  }
0x5d: {  	_ =	shalt  }
0x5e: {  	_ =	shalt  }
0x5f: {  	_ =	shalt  }
0x60: {  	_ =	shalt  }
0x61: {  	_ =	shalt  }
0x62: {  	_ =	shalt  }
0x63: {  	_ =	shalt  }
0x64: {  	_ =	shalt  }
0x65: {  	_ =	shalt  }
0x66: {  	_ =	shalt  }
0x67: {  	_ =	shalt  }
0x68: {  	_ =	shalt  }
0x69: {  	_ =	shalt  }
0x6a: {  	_ =	shalt  }
0x6b: {  	_ =	shalt  }
0x6c: {  	_ =	shalt  }
0x6d: {  	_ =	shalt  }
0x6e: {  	_ =	shalt  }
0x6f: {  	_ =	shalt  }
0x70: {  	_ =	shalt  }
0x71: {  	_ =	shalt  }
0x72: {  	_ =	shalt  }
0x73: {  	_ =	shalt  }
0x74: {  	_ =	shalt  }
0x75: {  	_ =	shalt  }
0x76: {  	_ =	shalt  }
0x77: {  	_ =	shalt  }
0x78: {  	_ =	shalt  }
0x79: {  	_ =	shalt  }
0x7a: {  	_ =	shalt  }
0x7b: {  	_ =	shalt  }
0x7c: {  	_ =	shalt  }
0x7d: {  	_ =	shalt  }
0x7e: {  	_ =	shalt  }
0x7f: {  	_ =	shalt  }
0x80: {  	_ =	shalt  }
0x81: {  	_ =	shalt  }
0x82: {  	_ =	shalt  }
0x83: {  	_ =	shalt  }
0x84: {  	_ =	shalt  }
0x85: {  	_ =	shalt  }
0x86: {  	_ =	shalt  }
0x87: {  	_ =	shalt  }
.Lfunc_end0:
.L_simem_size_0:
called_computation_lowered:
.L_overlay_start_0:
0x88: {  	s2 =	sld [smem:$0x3FD9]  }
0x89: {  	s3 =	sld [smem:$0x3FFE];
	_ =	sdelay $0x1  }
0x8a: {  	s1 =	srdreg.scid  }
0x8b: {  	s0 =	sand.u32 $0x1, s1  }
0x8c: {  	s17 =	sshll.u32 s0, $0xA;
	s2 =	sadd.s32 s3, s2  }
0x8d: {  	s2 =	sadd.s32 s2, s17  }
0x8e: {  	[smem:$0x3FC4] =	sst s2  }
0x8f: {  	_ = 	snop  }
0x90: {  	s2 =	sld [smem:$0x3FD0];
	(tm) =	ssettm $0x1  }
0x91: {  	s18 =	sld [smem:$0x3FFB];
	_ =	sdelay $0x3  }
0x92: {  	_ =	strace s18  }
0x93: {  	s3 =	sld [smem:$0x3FFC];
	_ =	sdelay $0x3  }
0x94: {  	_ =	strace s3  }
0x95: {  	s3 =	sld [smem:$0x3FFD];
	_ =	sdelay $0x3  }
0x96: {  	_ =	strace s3  }
0x97: {  	_ =	strace $0x8FFFFFFF  }
0x98: {  	s19 =	sld [smem:$0x3FDB];
	_ =	sdelay $0x1  }
0x99: {  	s4 =	simm.s32 $_scs_section_size  }
0x9a: {  	s5 =	simm.s32 $_size__tile_overlayer_lowered;
	s6 =	simm.s32 $_tile_overlayer_lowered  }
0x9b: {  	s22 =	simm.s32 $0x1BFF;
	s21 =	sshll.u32 s6, $0x1;
	s3 =	sadd.s32 s4, s19  }
0x9c: {  	s7 =	simm.s32 $0x0;
	s20 =	sshll.u32 s5, $0x1;
	s5 =	sadd.s32 s21, s3  }
0x9d: {  	[timem:s7], [sflag:s22] =	dma.local [hbm:s5], s20  }
0x9e: {  	_ =	swait.ge [sflag:s22], s20  }
0x9f: {  	s4 =	ssub.s32 $0x0, s20;
	[sflag:s22] =	ssyncset.done $0x0  }
0xa0: {  	[sflag:s22] =	ssyncadd.s32 s4;
	_ =	sdelay $0x1  }
0xa1: {  	s23 =	simm.s32 $0x1B8B  }
0xa2: {  	_ =	swait.ge [sflag:s23], $0x1  }
0xa3: {  	[sflag:s23] =	ssyncset.done $0x0  }
0xa4: {  	s25 =	simm.s32 $0x1B8E;
	s24 =	sld [smem:$0x3FFE];
	[sflag:s23] =	ssyncadd.s32 $0xFFFFFFFF  }
0xa5: {  	s26 =	simm.s32 $execute0_lowered;
	[smem:$0x3FD2] =	sst s25  }
0xa6: {  	s5 =	sshll.u32 s26, $0x1;
	_ =	strace $0x80000046;
	[dreg:$0x1] =	wrdreg $0xFFFFFFFF  }
0xa7: {  	s28 =	simm.s32 $_size_execute0_lowered;
	s3 =	sadd.s32 s3, s5;
	[dreg:$0x0] =	wrdreg $0x0  }
0xa8: {  	s5 =	sshll.u32 s28, $0x1;
	[dreg:$0x2] =	wrdreg s3  }
0xa9: {  	[dreg:$0x3] =	wrdreg s5  }
0xaa: {  	[dreg:$0x4] =	wrdreg $0xC0  }
0xab: {  	_ =	task [dreg:s7], $0x5FFFF  }
0xac: {  	[dreg:$0x1] =	wrdreg $0xFFFFFFFF  }
0xad: {  	[dreg:$0x0] =	wrdreg $0x60  }
0xae: {  	[dreg:$0x2] =	wrdreg s24  }
0xaf: {  	[dreg:$0x3] =	wrdreg s2  }
0xb0: {  	[dreg:$0x4] =	wrdreg $0xBC000  }
0xb1: {  	[dreg:$0x5] =	wrdreg $0x9  }
0xb2: {  	_ =	task.clear_ibuf [dreg:s7], $0x6FFFF;
	_ =	strace $0x90000046  }
0xb3: {  	s29 =	simm.s32 $0x9;
	_ =	strace $0x80000048  }
0xb4: {  	_ =	swait.ge [sflag:s29], $0x1  }
0xb5: {  	[sflag:s29] =	ssyncadd.s32 $0xFFFFFFFF  }
0xb6: {  	_ =	strace $0x90000048  }
0xb7: {  	_ =	sfence  }
0xb8: {  	s30 =	sld [smem:$0x0];
	_ =	sdelay $0x2  }
0xb9: {  	s31 =	sshll.u32 s1, $0xD;
	s1 =	sshrl.u32 s1, $0x2  }
0xba: {  	s3 =	sand.u32 $0x4000, s31;
	s1 =	sadd.s32 s1, s30  }
0xbb: {  	s0 =	sor.u32 s3, s0;
	s1 =	sshll.u32 s1, $0x11  }
0xbc: {  	s0 =	sor.u32 s1, s0  }
0xbd: {  	s0 =	sadd.s32 $0x8F2B, s0  }
0xbe: {  	[sflag:s0] =	ssyncadd.remote.s32 $0x1  }
0xbf: {  	_ =	sfence.sel $0xFFFF  }
0xc0: {  	[dreg:$0x0] =	wrdreg $0xFFFFFFFF;
	(pc) =	sbr.abs _section_cstart, $3  }
0xc1: {  	[dreg:$0x1] =	wrdreg $0xFFFFFFFF  }
0xc2: {  	_ =	task.clear_ibuf [dreg:s7], $0x2FFFF;
	_ =	strace $0x9FFFFFFF  }
0xc3: {  	(tm) =	ssettm $0x7FFFFFFF  }
tec
execute0_lowered:
.L_overlay_start_1:
0x0: {  	(tag) =	ssettag $0x1  }
0x1: {  	s0 =	rddreg [dreg:$0x0]  }
0x2: {  	s1 =	rddreg [dreg:$0x1]  }
0x3: {  	s2 =	rddreg [dreg:$0x2];
	s12 =	stileid.u32;
	s3 =	simm.s32 $0x0  }
0x4: {  	s5 =	srdreg.scid;
	s18 =	simm.s32 $0x1;
	s19 =	simm.s32 $0x80  }
0x5: {  	s28 =	simm.s32 $0xAC00;
	s29 =	simm.s32 $0x2;
	s30 =	simm.s32 $0x4  }
0x6: {  	s31 =	simm.s32 $0xB400;
	s4 =	smul.u32 $0x2800, s12;
	[smem:$0x7FF] =	sst s3  }
0x7: {  	s7 =	sand.u32 $0x1, s5;
	s8 =	smul.u32 $0x50000, s12;
	s10 =	sshll.u32 s12, $0x1  }
0x8: {  	s5 =	sadd.s32 $0x51000, s0;
	s9 =	ssub.s32 $0x2, s7;
	s7 =	sor.u32 s7, s10  }
0x9: {  	s22 =	sshll.u32 s12, $0x6;
	s14 =	sadd.s32 $0x51040, s0;
	s21 =	smul.u32 $0x500, s7  }
0xa: {  	_ =	strace $0x80000047;
	s6 =	sadd.s32 s4, s0;
	s23 =	smul.u32 $0x1400, s7  }
0xb: {  	s4 =	sadd.s32 $0x1000, s0;
	s11 =	sshrl.u32 s9, $0x1;
	s12 =	smul.u32 $0x28, s7  }
0xc: {  	s8 =	sshrl.u32 s8, $0x2;
	s13 =	smul.u32 $0x28000, s7;
	s6 =	sadd.s32 $0x29000, s6  }
0xd: {  	s20 =	ssub.s32 s9, s11;
	[dreg:$0x4] =	wrdreg s6;
	s6 =	sor.u32 $0x1C07, s22  }
0xe: {  	s8 =	sadd.s32 s8, s2;
	s1 =	sadd.s32 s1, s21;
	[dreg:$0x5] =	wrdreg s6  }
0xf: {  	s9 =	smul.u32 $0xA000, s7;
	s24 =	sadd.s32 s4, s23;
	[dreg:$0x6] =	wrdreg s1  }
0x10: {  	s11 =	sadd.s32 $0x1040, s0;
	s25 =	smax.u32 s20, $0x1;
	[dreg:$0x7] =	wrdreg s24  }
0x11: {  	s26 =	sshrl.u32 s8, $0x3;
	s22 =	simm.s32 $0x6C00;
	[dreg:$0x8] =	wrdreg s25  }
0x12: {  	s23 =	simm.s32 $0x2A00;
	[dreg:$0x9] =	wrdreg s26;
	s24 =	simm.s32 $0x3  }
0x13: {  	s25 =	simm.s32 $0x200;
	s26 =	simm.s32 $0x400;
	s6 =	simm.s32 $0x0  }
.LBB2_1:
0x14: {  	[dreg:$0xa] =	wrdreg s6  }
0x15: {  	s0 =	rddreg [dreg:$0x4]  }
0x16: {  	s1 =	rddreg [dreg:$0x5]  }
0x17: {  	s15 =	rddreg [dreg:$0x9]  }
0x18: {  	[spmem:s15], [sflag:s1] =	dma.local [hbm:s0], $0x2800  }
0x19: {  	s16 =	simm.s32 $0x7;
	s0 =	rddreg [dreg:$0x6]  }
0x1a: {  	[tilespmem:s3], [sflag:$0x1] =	stream.linear.gather [hbm4b:s0+s3], $0x2800, $0x38;
	[tilespmem:$0x1FC00] =	vst v63  }
0x1b: {  	_ =	swait.ge [sflag:s16], $0x2800  }
0x1c: {  	[sflag:s16] =	ssyncset.done $0x0  }
0x1d: {  	[sflag:s16] =	ssyncadd.s32 $0xFFFFD800  }
0x1e: {  	_ =	swait.ge [sflag:s18], $0x2800  }
0x1f: {  	[sflag:s18] =	ssyncset.done $0x0  }
0x20: {  	[sflag:s18] =	ssyncadd.s32 $0xFFFFD800  }
0x21: {  	s17 =	simm.s32 $0x2C00;
	[bflag:$0x0] =	sbarrier.arrive $0xFFFF  }
0x22: {  	[tilespmem:s17], [sflag:$0x1] =	stream.indirect.gather [spmem:s2], $0x80, s3, s19, $0xb8;
	[tilespmem:$0x1FC00] =	vst v63  }
0x23: {  	s21 =	simm.s32 $0x2800;
	s20 =	rddreg [dreg:$0x7]  }
0x24: {  	[tilespmem:s21], [sflag:$0x3] =	stream.linear.gather [hbm4b:s20+s3], $0x200, $0x38;
	[tilespmem:$0x1FC00] =	vst v63  }
0x25: {  	s21 =	simm.s32 $0x0  }
.LBB2_2:
0x26: {  	s6 =	sshll.u32 s21, $0xA  }
0x27: {  	s0 =	sshrl.u32 s6, $0x2  }
0x28: {  	s20 =	sadd.s32 s9, s6;
	s0 =	sor.u32 $0x80, s0  }
0x29: {  	[tilespmem:s22], [sflag:$0x2] =	stream.indirect.gather [spmem:s2], $0x80, s0, s19, $0xb8;
	[tilespmem:$0x1FC00] =	vst v63  }
0x2a: {  	s0 =	sshrl.u32 s20, $0x3  }
0x2b: {  	s0 =	sadd.s32 s0, s11  }
0x2c: {  	[tilespmem:s23], [sflag:$0x4] =	stream.linear.gather [hbm4b:s0+s3], $0x200, $0x38;
	[tilespmem:$0x1FC00] =	vst v63  }
0x2d: {  	_ =	swait.ge [sflag:s18], $0x4000  }
0x2e: {  	[sflag:s18] =	ssyncset.done $0x0  }
0x2f: {  	[sflag:s18] =	ssyncadd.s32 $0xFFFFC000  }
0x30: {  	_ =	swait.ge [sflag:s24], $0x200  }
0x31: {  	p0 =	seq.s32 s21, $0x0;
	[sflag:s24] =	ssyncset.done $0x0  }
0x32: {  	s0 =	simm.s32 @!p0 $0x5;
	[sflag:s24] =	ssyncadd.s32 $0xFFFFFE00  }
0x33: {  	s7 =	sadd.s32 s12, s21;
	_ =	swait.ge @!p0 [sflag:s0], $0x800  }
0x34: {  	s8 =	simm.s32 $0x0;
	s10 =	simm.s32 $0x2800;
	[sflag:s0] =	ssyncset.done @!p0 $0x0  }
0x35: {  	s15 =	simm.s32 $0x2D00;
	s16 =	simm.s32 $0x2D40;
	[sflag:s0] =	ssyncadd.s32 @!p0 $0xFFFFF800  }
.LBB2_3:
0x36: {  	v0 =	vmov s10;
	_ =	sdelay $0x3  }
0x37: {  	s0 =	simm.s32 $0x0  }
0x38: {  	v7 =	vld.idx.msk [tilespmem:v0+s0+$0x0 ss:$0x1], $0xffff;
	_ =	sdelay $0x2  }
0x39: {  	v1 =	vld [tilespmem:s15+$0x90]  }
0x3a: {  	v21 =	vld [tilespmem:s15+$0xFFFFFF10]  }
0x3b: {  	v23 =	vld [tilespmem:s15+$0xFFFFFF20];
	v26 =	vbroadcast v7, $0x7  }
0x3c: {  	v25 =	vld [tilespmem:s15+$0x80];
	v2 =	vbroadcast v7, $0xD;
	v14 =	vbroadcast v7, $0x2  }
0x3d: {  	v27 =	vld [tilespmem:s15+$0xFFFFFF80];
	v3 =	vbroadcast v7, $0x9;
	v6 =	vbroadcast v7, $0x6  }
0x3e: {  	v32 =	vld [tilespmem:s15+$0xFFFFFF30];
	v33 =	vbroadcast v7, $0x3;
	v39 =	vbroadcast v7, $0x1  }
0x3f: {  	v36 =	vld [tilespmem:s15+$0xFFFFFF00];
	v38 =	vbroadcast v7, $0xC;
	v15 =	vbroadcast v7, $0x5  }
0x40: {  	v4 =	vld [tilespmem:s15+$0xFFFFFFA0];
	v8 =	vbroadcast v7, $0xB;
	v29 =	vbroadcast v7, $0x0  }
0x41: {  	v35 =	vld [tilespmem:s15+$0xFFFFFF90];
	v47 =	vbroadcast v7, $0xE;
	v53 =	vbroadcast v7, $0x4  }
0x42: {  	v41 =	vld [tilespmem:s15+$0x10];
	v56 =	vbroadcast v7, $0xA;
	v58 =	vbroadcast v7, $0x8  }
0x43: {  	v42 =	vld [tilespmem:s15+$0x20];
	[tilespmem:$0x1FFC0] =	vst v0;
	v0 =	vmul.f32 v1, v2;
	v28 =	vmul.f32 v21, v14  }
0x44: {  	v5 =	vld [tilespmem:s15+$0x0];
	v43 =	vmul.f32 v25, v38;
	v9 =	vmul.f32 v23, v33  }
0x45: {  	v18 =	vld [tilespmem:s15+$0xA0];
	v11 =	vmul.f32 v27, v15;
	v10 =	vmul.f32 v36, v29  }
0x46: {  	v37 =	vmul.f32 v32, v29;
	v12 =	vmul.f32 v36, v14  }
0x47: {  	v30 =	vmul.f32 v4, v15;
	v16 =	vmul.f32 v23, v14  }
0x48: {  	v34 =	vmul.f32 v35, v15;
	v40 =	vmul.f32 v41, v3  }
0x49: {  	v45 =	vmul.f32 v42, v3;
	v13 =	vmul.f32 v5, v8  }
0x4a: {  	v19 =	vmul.f32 v32, v33;
	v24 =	vmul.f32 v18, v38  }
0x4b: {  	v49 =	vmul.f32 v21, v39;
	v51 =	vmul.f32 v25, v47  }
0x4c: {  	v52 =	vmul.f32 v36, v33;
	v54 =	vmul.f32 v32, v14  }
0x4d: {  	v14 =	vmul.f32 v18, v47;
	v63 =	vmul.f32 v21, v29  }
0x4e: {  	v17 =	vld [tilespmem:s15+$0xB0];
	v57 =	vmul.f32 v27, v53;
	v59 =	vmul.f32 v5, v56  }
0x4f: {  	v20 =	vimm.f32 $0.0e+00;
	v62 =	vmul.f32 v35, v6;
	v31 =	vmul.f32 v4, v26  }
0x50: {  	v33 =	vmul.f32 v21, v33;
	v44 =	vadd.f32 v10, v20;
	v46 =	vadd.f32 v12, v20  }
0x51: {  	v10 =	vmul.f32 v23, v39;
	v16 =	vadd.f32 v16, v20;
	v48 =	vadd.f32 v9, v20  }
0x52: {  	[tilespmem:$0x1FFF0] =	vst v0;
	v0 =	vmul.f32 v25, v2;
	v22 =	vadd.f32 v19, v20;
	v49 =	vadd.f32 v49, v20  }
0x53: {  	v19 =	vmul.f32 v17, v47;
	v55 =	vadd.f32 v28, v20;
	v28 =	vadd.f32 v52, v20  }
0x54: {  	v12 =	vld [tilespmem:s15+$0xFFFFFFB0];
	v23 =	vmul.f32 v23, v29;
	v52 =	vmul.f32 v4, v53;
	v37 =	vadd.f32 v37, v20  }
0x55: {  	v29 =	vbroadcast v7, $0xF;
	v50 =	vadd.f32 v10, v20;
	v34 =	vadd.f32 v34, v49  }
0x56: {  	[tilespmem:$0x1FFD0] =	vst v0;
	v0 =	vmul.f32 v1, v47;
	v47 =	vadd.f32 v63, v20;
	v23 =	vadd.f32 v23, v20  }
0x57: {  	v25 =	vmul.f32 v25, v29;
	v63 =	vmul.f32 v41, v58;
	v31 =	vadd.f32 v31, v48  }
0x58: {  	v7 =	vld [tilespmem:s15+$0x30];
	v48 =	vmul.f32 v32, v39;
	v50 =	vadd.f32 v30, v50;
	v30 =	vmul.f32 v27, v26  }
0x59: {  	v44 =	vadd.f32 v57, v44;
	v27 =	vmul.f32 v27, v6;
	v49 =	vmul.f32 v12, v6  }
0x5a: {  	v61 =	vadd.f32 v40, v34;
	v60 =	vmul.f32 v12, v53;
	v40 =	vmul.f32 v12, v26  }
0x5b: {  	v34 =	vadd.f32 v45, v50;
	v45 =	vmul.f32 v35, v53;
	v50 =	vadd.f32 v52, v23  }
0x5c: {  	v52 =	vmul.f32 v35, v26;
	v27 =	vadd.f32 v27, v46;
	v53 =	vmul.f32 v5, v58  }
0x5d: {  	[tilespmem:$0x1FFE0] =	vst v0;
	v0 =	vld [tilespmem:$0x1FFF0];
	v46 =	vmul.f32 v7, v58;
	v35 =	vmul.f32 v42, v58;
	v58 =	vadd.f32 v54, v20  }
0x5e: {  	v23 =	vmul.f32 v17, v29;
	v26 =	vadd.f32 v59, v27;
	v47 =	vadd.f32 v45, v47  }
0x5f: {  	v27 =	vadd.f32 v60, v37;
	v37 =	vmul.f32 v18, v29;
	v60 =	vmul.f32 v17, v38  }
0x60: {  	v45 =	vmul.f32 v1, v38;
	v38 =	vmul.f32 v41, v8;
	v35 =	vadd.f32 v35, v50  }
0x61: {  	v59 =	vadd.f32 v53, v44;
	v44 =	vmul.f32 v42, v56;
	v26 =	vadd.f32 v51, v26  }
0x62: {  	v21 =	vadd.f32 v46, v27;
	v27 =	vadd.f32 v0, v61;
	v46 =	vmul.f32 v41, v56  }
0x63: {  	v41 =	vadd.f32 v49, v58;
	v61 =	vmul.f32 v42, v8;
	v43 =	vadd.f32 v43, v59  }
0x64: {  	v42 =	vmul.f32 v36, v39;
	v21 =	vadd.f32 v60, v21;
	v60 =	vadd.f32 v33, v20  }
0x65: {  	v47 =	vadd.f32 v63, v47;
	v39 =	vadd.f32 v62, v55;
	v33 =	vmul.f32 v7, v56  }
0x66: {  	s17 =	sshll.u32 s8, $0x9;
	s1 =	sadd.s32 $0x200, s15;
	s0 =	simm.s32 $0x40;
	v32 =	vadd.f32 v61, v31;
	v31 =	vimm.f32 $0.0e+00;
	v36 =	vadd.f32 v52, v60  }
.LBB2_4:
0x67: {  	v0 =	vld [tilespmem:$0x1FFC0];
	_ =	sdelay $0x3  }
0x68: {  	v12 =	vmul.f32 v12, v15;
	v4 =	vmul.f32 v4, v6;
	v6 =	vadd.f32 v40, v22  }
0x69: {  	v49 =	vld [tilespmem:s1+$0x30];
	v15 =	vmul.f32 v18, v2;
	v20 =	vadd.f32 v42, v20;
	v35 =	vadd.f32 v24, v35  }
0x6a: {  	v29 =	vmul.f32 v1, v29;
	v1 =	vld [tilespmem:s1+$0x90];
	v24 =	vadd.f32 v46, v39;
	v63 =	vadd.f32 v37, v32  }
0x6b: {  	s20 =	sshra.s32 s0, $0x2;
	v40 =	vld [tilespmem:s1+$0xFFFFFF80];
	v18 =	vadd.f32 v48, v31;
	v22 =	vadd.f32 v15, v34  }
0x6c: {  	v8 =	vmul.f32 v7, v8;
	v15 =	vadd.f32 v30, v28;
	v28 =	vadd.f32 v33, v41;
	v34 =	vld.idx.msk [tilespmem:v0+s20+$0x0 ss:$0x1], $0xffff  }
0x6d: {  	v50 =	vld [tilespmem:s1+$0x10];
	v30 =	vadd.f32 v38, v36;
	v4 =	vadd.f32 v4, v16  }
0x6e: {  	v17 =	vmul.f32 v17, v2;
	v42 =	vld [tilespmem:s1+$0xFFFFFF20];
	v6 =	vadd.f32 v8, v6;
	v18 =	vadd.f32 v12, v18  }
0x6f: {  	v2 =	vmul.f32 v5, v3;
	v37 =	vld [tilespmem:s1+$0x80];
	v11 =	vadd.f32 v11, v20;
	v33 =	vadd.f32 v19, v28  }
0x70: {  	v3 =	vmul.f32 v7, v3;
	v31 =	vld [tilespmem:s1+$0x0];
	v8 =	vadd.f32 v44, v4;
	v19 =	vadd.f32 v23, v6  }
0x71: {  	v32 =	vld [tilespmem:s1+$0xFFFFFF30];
	v11 =	vadd.f32 v2, v11;
	v0 =	vadd.f32 v13, v15;
	v44 =	vbroadcast v34, $0x7  }
0x72: {  	v38 =	vld [tilespmem:s1+$0xFFFFFF10];
	v13 =	vadd.f32 v3, v18;
	v2 =	vbroadcast v34, $0xD;
	v28 =	vbroadcast v34, $0x2  }
0x73: {  	v25 =	vadd.f32 v25, v0;
	v0 =	vld [tilespmem:$0x1FFD0];
	v3 =	vbroadcast v34, $0x9;
	v6 =	vbroadcast v34, $0x6  }
0x74: {  	v45 =	vadd.f32 v45, v47;
	v36 =	vld [tilespmem:s1+$0xFFFFFF00];
	v7 =	vmovc v49;
	v49 =	vbroadcast v34, $0x3;
	v39 =	vbroadcast v34, $0x1  }
0x75: {  	v47 =	vld [tilespmem:s1+$0xFFFFFF90];
	v41 =	vadd.f32 v29, v30;
	v51 =	vbroadcast v34, $0xC;
	v15 =	vbroadcast v34, $0x5  }
0x76: {  	v4 =	vld [tilespmem:s1+$0xFFFFFFA0];
	v14 =	vadd.f32 v14, v8;
	v8 =	vbroadcast v34, $0xB;
	v29 =	vbroadcast v34, $0x0  }
0x77: {  	v52 =	vld [tilespmem:s1+$0x20];
	v48 =	vmul.f32 v1, v2;
	v23 =	vmul.f32 v38, v28  }
0x78: {  	v20 =	vadd.f32 v0, v11;
	v0 =	vmul.f32 v37, v51;
	v9 =	vmul.f32 v42, v49  }
0x79: {  	v53 =	vmul.f32 v40, v15;
	v10 =	vmul.f32 v36, v29  }
0x7a: {  	v5 =	vmovc v31;
	v31 =	vadd.f32 v17, v13;
	v54 =	vmul.f32 v32, v29;
	v13 =	vmul.f32 v36, v28  }
0x7b: {  	v55 =	vmul.f32 v4, v15;
	v56 =	vmul.f32 v47, v15  }
0x7c: {  	v57 =	vmul.f32 v50, v3;
	v58 =	vmul.f32 v52, v3  }
0x7d: {  	v59 =	vmul.f32 v42, v39;
	v46 =	vmul.f32 v38, v39  }
0x7e: {  	v62 =	vmul.f32 v36, v49;
	v43 =	vadd.f32 v10, v43;
	v10 =	vmul.f32 v42, v28  }
0x7f: {  	v12 =	vld [tilespmem:s1+$0xFFFFFFB0];
	v26 =	vadd.f32 v13, v26;
	v13 =	vmul.f32 v5, v8;
	v60 =	vadd.f32 v9, v63  }
0x80: {  	v59 =	vadd.f32 v59, v22;
	v27 =	vadd.f32 v46, v27;
	v46 =	vbroadcast v34, $0x4  }
0x81: {  	v17 =	vld [tilespmem:s1+$0xB0];
	v63 =	vmul.f32 v32, v28;
	v9 =	vbroadcast v34, $0xA;
	v28 =	vadd.f32 v62, v25  }
0x82: {  	[tilespmem:$0x1FFB0] =	vst v0;
	v0 =	vld [tilespmem:$0x1FFE0];
	v16 =	vadd.f32 v10, v14;
	v10 =	vmul.f32 v32, v49;
	v14 =	vbroadcast v34, $0xE  }
0x83: {  	v55 =	vadd.f32 v55, v59;
	v59 =	vmul.f32 v38, v29;
	v62 =	vmul.f32 v40, v46  }
0x84: {  	v18 =	vld [tilespmem:s1+$0xA0];
	v25 =	vadd.f32 v56, v27;
	v56 =	vmul.f32 v12, v6;
	v49 =	vmul.f32 v38, v49  }
0x85: {  	v38 =	vmul.f32 v50, v8;
	v61 =	vmul.f32 v37, v14  }
0x86: {  	v22 =	vadd.f32 v10, v19;
	v19 =	vmul.f32 v17, v14;
	v27 =	vadd.f32 v59, v45  }
0x87: {  	v45 =	vmul.f32 v5, v9;
	v30 =	vadd.f32 v0, v24;
	v0 =	vmul.f32 v37, v2  }
0x88: {  	v21 =	vadd.f32 v54, v21;
	v59 =	vmul.f32 v12, v46;
	v10 =	vmul.f32 v47, v6  }
0x89: {  	v24 =	vmul.f32 v18, v51;
	[tilespmem:$0x1FFD0] =	vst v0;
	v0 =	vmul.f32 v1, v14  }
0x8a: {  	v21 =	vadd.f32 v59, v21;
	v59 =	vmul.f32 v17, v51;
	v14 =	vmul.f32 v18, v14  }
0x8b: {  	[tilespmem:$0x1FFE0] =	vst v0;
	v0 =	vadd.f32 v23, v30;
	v30 =	vmul.f32 v40, v44;
	v23 =	vmul.f32 v42, v29  }
0x8c: {  	v57 =	vadd.f32 v57, v25;
	v42 =	vmul.f32 v4, v46;
	v29 =	vbroadcast v34, $0xF  }
0x8d: {  	v43 =	vadd.f32 v62, v43;
	v46 =	vmul.f32 v47, v46;
	v47 =	vmul.f32 v47, v44  }
0x8e: {  	v23 =	vadd.f32 v23, v35;
	v35 =	vbroadcast v34, $0x8;
	v25 =	vmul.f32 v37, v29  }
0x8f: {  	v37 =	vmul.f32 v40, v6;
	v34 =	vadd.f32 v58, v55;
	v40 =	vmul.f32 v12, v44  }
0x90: {  	v58 =	vmul.f32 v4, v44;
	v11 =	vadd.f32 v46, v27;
	v27 =	vadd.f32 v48, v57  }
0x91: {  	v42 =	vadd.f32 v42, v23;
	v54 =	vmul.f32 v5, v35;
	v44 =	vmul.f32 v7, v35  }
0x92: {  	v26 =	vadd.f32 v37, v26;
	v55 =	vmul.f32 v50, v35;
	v35 =	vmul.f32 v52, v35  }
0x93: {  	v46 =	vmul.f32 v50, v9;
	v62 =	vadd.f32 v58, v60;
	v21 =	vadd.f32 v44, v21  }
0x94: {  	v48 =	vmul.f32 v32, v39;
	v26 =	vadd.f32 v45, v26;
	v35 =	vadd.f32 v35, v42  }
0x95: {  	p1 =	sne.s32 s0, $0x1C0;
	v23 =	vmul.f32 v17, v29;
	v21 =	vadd.f32 v59, v21;
	v59 =	vadd.f32 v63, v33;
	v63 =	vld [tilespmem:$0x1FFB0]  }
.Ltmp0:
0x96: {  	v43 =	vadd.f32 v54, v43;
	v42 =	vmul.f32 v36, v39;
	v39 =	vadd.f32 v10, v0;
	(pc) =	sbr.rel @p1 .LBB2_4-.Ltmp0, $4  }
0x97: {  	v44 =	vmul.f32 v52, v9;
	v26 =	vadd.f32 v61, v26;
	v61 =	vadd.f32 v49, v41  }
0x98: {  	v33 =	vmul.f32 v7, v9;
	v9 =	vmul.f32 v52, v8;
	v41 =	vadd.f32 v56, v59  }
0x99: {  	v37 =	vmul.f32 v18, v29;
	v36 =	vadd.f32 v47, v61;
	v47 =	vadd.f32 v55, v11  }
0x9a: {  	s0 =	sadd.s32 $0x40, s0;
	s1 =	sadd.s32 $0x200, s1;
	v45 =	vmul.f32 v1, v51;
	v11 =	vmovc v53;
	v32 =	vadd.f32 v9, v62;
	v43 =	vadd.f32 v63, v43  }
0x9b: {  	v0 =	vadd.f32 v42, v20  }
0x9c: {  	v5 =	vmul.f32 v5, v3;
	v9 =	vmul.f32 v12, v15  }
0x9d: {  	v10 =	vadd.f32 v48, v31;
	v4 =	vmul.f32 v4, v6;
	v6 =	vld [tilespmem:$0x1FFD0];
	v0 =	vadd.f32 v11, v0;
	_ =	sdelay $0x1  }
0x9e: {  	v3 =	vmul.f32 v7, v3;
	v0 =	vadd.f32 v5, v0;
	v5 =	vadd.f32 v9, v10;
	_ =	sdelay $0x1  }
0x9f: {  	v9 =	vmul.f32 v18, v2;
	v2 =	vmul.f32 v17, v2;
	v3 =	vadd.f32 v3, v5  }
0xa0: {  	s17 =	sshrl.u32 s17, $0x2;
	v0 =	vadd.f32 v6, v0  }
0xa1: {  	[tilespmem:s17+$0xAC00] =	vst v43;
	v2 =	vadd.f32 v2, v3  }
0xa2: {  	[tilespmem:s17+$0xAE00] =	vst v0  }
0xa3: {  	v0 =	vadd.f32 v40, v22;
	[tilespmem:s17+$0xAE30] =	vst v2;
	v2 =	vmul.f32 v7, v8  }
0xa4: {  	v12 =	vadd.f32 v24, v35;
	[tilespmem:s17+$0xAC30] =	vst v21  }
0xa5: {  	[tilespmem:s17+$0xAE10] =	vst v27;
	v4 =	vadd.f32 v4, v16;
	v0 =	vadd.f32 v2, v0  }
0xa6: {  	[tilespmem:s17+$0xB000] =	vst v26;
	v11 =	vadd.f32 v45, v47;
	v5 =	vadd.f32 v9, v34;
	v9 =	vld [tilespmem:$0x1FFE0]  }
0xa7: {  	[tilespmem:s17+$0xAC20] =	vst v12;
	v4 =	vadd.f32 v44, v4;
	v0 =	vadd.f32 v23, v0  }
0xa8: {  	v3 =	vadd.f32 v30, v28;
	[tilespmem:s17+$0xAE20] =	vst v5;
	v5 =	vadd.f32 v33, v41  }
0xa9: {  	v6 =	vadd.f32 v46, v39;
	v4 =	vadd.f32 v14, v4;
	[tilespmem:s17+$0xB230] =	vst v0;
	v0 =	vld [tilespmem:$0x1FFC0]  }
0xaa: {  	[tilespmem:s17+$0xAC10] =	vst v11;
	v3 =	vadd.f32 v13, v3;
	v5 =	vadd.f32 v19, v5  }
0xab: {  	v1 =	vmul.f32 v1, v29;
	[tilespmem:s17+$0xB020] =	vst v4;
	v7 =	vadd.f32 v38, v36;
	v6 =	vadd.f32 v9, v6  }
0xac: {  	v3 =	vadd.f32 v25, v3;
	[tilespmem:s17+$0xB030] =	vst v5  }
0xad: {  	v1 =	vadd.f32 v1, v7;
	[tilespmem:s17+$0xB010] =	vst v6  }
0xae: {  	v2 =	vadd.f32 v37, v32;
	[tilespmem:s17+$0xB200] =	vst v3  }
0xaf: {  	[tilespmem:s17+$0xB210] =	vst v1  }
0xb0: {  	s0 =	simm.s32 $0x0;
	[tilespmem:s17+$0xB220] =	vst v2  }
0xb1: {  	v0 =	vld.idx.msk [tilespmem:v0+s0+$0x0 ss:$0x1], $0xffff;
	_ =	sdelay $0x2  }
0xb2: {  	v1 =	vld [tilespmem:s16+$0x90]  }
0xb3: {  	v21 =	vld [tilespmem:s16+$0xFFFFFF10]  }
0xb4: {  	v7 =	vld [tilespmem:s16+$0xFFFFFF20];
	v26 =	vbroadcast v0, $0x7  }
0xb5: {  	v23 =	vld [tilespmem:s16+$0x80];
	v2 =	vbroadcast v0, $0xD;
	v14 =	vbroadcast v0, $0x2  }
0xb6: {  	v27 =	vld [tilespmem:s16+$0xFFFFFF80];
	v3 =	vbroadcast v0, $0x9;
	v6 =	vbroadcast v0, $0x6  }
0xb7: {  	v31 =	vld [tilespmem:s16+$0xFFFFFF30];
	v33 =	vbroadcast v0, $0x3;
	v39 =	vbroadcast v0, $0x1  }
0xb8: {  	v36 =	vld [tilespmem:s16+$0xFFFFFF00];
	v38 =	vbroadcast v0, $0xC;
	v15 =	vbroadcast v0, $0x5  }
0xb9: {  	v4 =	vld [tilespmem:s16+$0xFFFFFFA0];
	v8 =	vbroadcast v0, $0xB;
	v29 =	vbroadcast v0, $0x0  }
0xba: {  	v35 =	vld [tilespmem:s16+$0xFFFFFF90];
	v30 =	vbroadcast v0, $0xE;
	v52 =	vbroadcast v0, $0x4  }
0xbb: {  	v41 =	vld [tilespmem:s16+$0x10];
	v56 =	vbroadcast v0, $0xA;
	v32 =	vmul.f32 v1, v2  }
0xbc: {  	v42 =	vld [tilespmem:s16+$0x20];
	v25 =	vmul.f32 v21, v14;
	v43 =	vmul.f32 v23, v38  }
0xbd: {  	v5 =	vld [tilespmem:s16+$0x0];
	v9 =	vmul.f32 v7, v33;
	v11 =	vmul.f32 v27, v15  }
0xbe: {  	v18 =	vld [tilespmem:s16+$0xA0];
	v10 =	vmul.f32 v36, v29;
	v37 =	vmul.f32 v31, v29  }
0xbf: {  	v12 =	vmul.f32 v36, v14;
	v28 =	vmul.f32 v4, v15  }
0xc0: {  	v16 =	vmul.f32 v7, v14;
	v62 =	vmul.f32 v35, v15  }
0xc1: {  	v40 =	vmul.f32 v41, v3;
	v45 =	vmul.f32 v42, v3  }
0xc2: {  	v53 =	vmul.f32 v5, v8;
	v19 =	vmul.f32 v31, v33  }
0xc3: {  	v24 =	vmul.f32 v18, v38;
	v63 =	vmul.f32 v21, v39  }
0xc4: {  	v17 =	vld [tilespmem:s16+$0xB0];
	v50 =	vmul.f32 v23, v30;
	v51 =	vmul.f32 v36, v33  }
0xc5: {  	v20 =	vimm.f32 $0.0e+00;
	v54 =	vmul.f32 v21, v29;
	v57 =	vmul.f32 v27, v52  }
0xc6: {  	v59 =	vmul.f32 v5, v56;
	v33 =	vmul.f32 v21, v33;
	v44 =	vadd.f32 v10, v20  }
0xc7: {  	v10 =	vmul.f32 v7, v39;
	v46 =	vadd.f32 v12, v20;
	v16 =	vadd.f32 v16, v20  }
0xc8: {  	v47 =	vadd.f32 v9, v20;
	v9 =	vmul.f32 v23, v2;
	v22 =	vadd.f32 v19, v20  }
0xc9: {  	v19 =	vmul.f32 v17, v30;
	v48 =	vadd.f32 v63, v20;
	v55 =	vadd.f32 v25, v20  }
0xca: {  	v7 =	vmul.f32 v7, v29;
	v54 =	vadd.f32 v54, v20;
	v29 =	vbroadcast v0, $0xF  }
0xcb: {  	v0 =	vbroadcast v0, $0x8;
	[tilespmem:$0x1FF90] =	vst v9;
	v49 =	vadd.f32 v10, v20;
	v9 =	vmul.f32 v1, v30  }
0xcc: {  	v12 =	vld [tilespmem:s16+$0xFFFFFFB0];
	v37 =	vadd.f32 v37, v20;
	v63 =	vmul.f32 v4, v26;
	v25 =	vadd.f32 v62, v48  }
0xcd: {  	v62 =	vmul.f32 v35, v6;
	[tilespmem:$0x1FFA0] =	vst v9;
	v9 =	vmul.f32 v31, v14;
	v49 =	vadd.f32 v28, v49  }
0xce: {  	v14 =	vmul.f32 v18, v30;
	v28 =	vadd.f32 v51, v20;
	v30 =	vmul.f32 v27, v26  }
0xcf: {  	v51 =	vmul.f32 v4, v52;
	v61 =	vadd.f32 v40, v25;
	v25 =	vmul.f32 v23, v29  }
0xd0: {  	v58 =	vadd.f32 v7, v20;
	v7 =	vld [tilespmem:s16+$0x30];
	v27 =	vmul.f32 v27, v6;
	v23 =	vmul.f32 v17, v29  }
0xd1: {  	v44 =	vadd.f32 v57, v44;
	v48 =	vmul.f32 v12, v6;
	v60 =	vmul.f32 v12, v52  }
0xd2: {  	v40 =	vmul.f32 v12, v26;
	v34 =	vadd.f32 v45, v49;
	v45 =	vmul.f32 v35, v52  }
0xd3: {  	v49 =	vadd.f32 v51, v58;
	v51 =	vmul.f32 v35, v26;
	v27 =	vadd.f32 v27, v46  }
0xd4: {  	v63 =	vadd.f32 v63, v47;
	v52 =	vmul.f32 v5, v0;
	v58 =	vmul.f32 v41, v0  }
0xd5: {  	v46 =	vmul.f32 v7, v0;
	v0 =	vmul.f32 v42, v0;
	v26 =	vadd.f32 v59, v27  }
0xd6: {  	v54 =	vadd.f32 v45, v54;
	v27 =	vadd.f32 v60, v37;
	v37 =	vmul.f32 v18, v29  }
0xd7: {  	v60 =	vmul.f32 v17, v38;
	v45 =	vmul.f32 v1, v38;
	v35 =	vadd.f32 v0, v49  }
0xd8: {  	v38 =	vmul.f32 v41, v8;
	v0 =	vadd.f32 v9, v20;
	v26 =	vadd.f32 v50, v26  }
0xd9: {  	v21 =	vadd.f32 v46, v27;
	v27 =	vadd.f32 v32, v61;
	v46 =	vmul.f32 v41, v56  }
0xda: {  	v61 =	vadd.f32 v33, v20;
	v33 =	vmul.f32 v7, v56;
	v47 =	vadd.f32 v58, v54  }
0xdb: {  	v41 =	vadd.f32 v48, v0;
	v0 =	vmul.f32 v42, v8;
	v48 =	vmul.f32 v31, v39  }
0xdc: {  	v21 =	vadd.f32 v60, v21;
	v60 =	vadd.f32 v52, v44;
	v44 =	vmul.f32 v42, v56  }
0xdd: {  	v42 =	vmul.f32 v36, v39;
	v36 =	vadd.f32 v51, v61;
	v39 =	vadd.f32 v62, v55  }
0xde: {  	s1 =	sadd.s32 $0x200, s16;
	s0 =	simm.s32 $0x40;
	v31 =	vimm.f32 $0.0e+00;
	v32 =	vadd.f32 v0, v63;
	v43 =	vadd.f32 v43, v60  }
.LBB2_6:
0xdf: {  	v9 =	vld [tilespmem:$0x1FFC0];
	_ =	sdelay $0x3  }
0xe0: {  	v12 =	vmul.f32 v12, v15  }
0xe1: {  	v0 =	vld [tilespmem:s1+$0x30];
	v15 =	vmul.f32 v18, v2;
	v4 =	vmul.f32 v4, v6;
	v6 =	vadd.f32 v40, v22  }
0xe2: {  	v29 =	vmul.f32 v1, v29;
	v1 =	vld [tilespmem:s1+$0x90];
	v20 =	vadd.f32 v42, v20;
	v35 =	vadd.f32 v24, v35  }
0xe3: {  	s20 =	sshra.s32 s0, $0x2;
	v40 =	vld [tilespmem:s1+$0xFFFFFF80];
	v24 =	vadd.f32 v46, v39;
	v63 =	vadd.f32 v37, v32  }
0xe4: {  	v18 =	vadd.f32 v48, v31;
	v22 =	vadd.f32 v15, v34;
	v34 =	vld.idx.msk [tilespmem:v9+s20+$0x0 ss:$0x1], $0xffff  }
0xe5: {  	v8 =	vmul.f32 v7, v8;
	v50 =	vld [tilespmem:s1+$0x10];
	v45 =	vadd.f32 v45, v47;
	v15 =	vadd.f32 v30, v28  }
0xe6: {  	v17 =	vmul.f32 v17, v2;
	v52 =	vld [tilespmem:s1+$0x20];
	v28 =	vadd.f32 v33, v41;
	v30 =	vadd.f32 v38, v36  }
0xe7: {  	v2 =	vmul.f32 v5, v3;
	v37 =	vld [tilespmem:s1+$0x80];
	v4 =	vadd.f32 v4, v16;
	v11 =	vadd.f32 v11, v20  }
0xe8: {  	v3 =	vmul.f32 v7, v3;
	v31 =	vld [tilespmem:s1+$0x0];
	v18 =	vadd.f32 v12, v18;
	v7 =	vmovc v0;
	v0 =	vadd.f32 v8, v6  }
0xe9: {  	v32 =	vld [tilespmem:s1+$0xFFFFFF30];
	v8 =	vadd.f32 v44, v4;
	v11 =	vadd.f32 v2, v11;
	v44 =	vbroadcast v34, $0x7  }
0xea: {  	v38 =	vld [tilespmem:s1+$0xFFFFFF10];
	v9 =	vadd.f32 v19, v28;
	v2 =	vbroadcast v34, $0xD;
	v28 =	vbroadcast v34, $0x2  }
0xeb: {  	v47 =	vld [tilespmem:s1+$0xFFFFFF90];
	v13 =	vadd.f32 v3, v18;
	v3 =	vbroadcast v34, $0x9;
	v6 =	vbroadcast v34, $0x6  }
0xec: {  	v36 =	vld [tilespmem:s1+$0xFFFFFF00];
	v10 =	vadd.f32 v53, v15;
	v49 =	vbroadcast v34, $0x3;
	v39 =	vbroadcast v34, $0x1  }
0xed: {  	v41 =	vadd.f32 v29, v30;
	v4 =	vld [tilespmem:s1+$0xFFFFFFA0];
	v51 =	vbroadcast v34, $0xC;
	v15 =	vbroadcast v34, $0x5  }
0xee: {  	v14 =	vadd.f32 v14, v8;
	[tilespmem:$0x1FF70] =	vst v9;
	v9 =	vld [tilespmem:$0x1FF90];
	v8 =	vbroadcast v34, $0xB;
	v29 =	vbroadcast v34, $0x0  }
0xef: {  	v42 =	vld [tilespmem:s1+$0xFFFFFF20];
	v0 =	vadd.f32 v23, v0;
	v33 =	vmul.f32 v1, v2;
	v23 =	vmul.f32 v38, v28  }
0xf0: {  	v25 =	vadd.f32 v25, v10;
	v48 =	vmul.f32 v37, v51;
	v10 =	vmul.f32 v40, v15  }
0xf1: {  	v5 =	vmovc v31;
	v31 =	vadd.f32 v17, v13;
	v54 =	vmul.f32 v32, v29;
	v13 =	vmul.f32 v36, v28  }
0xf2: {  	v17 =	vld [tilespmem:s1+$0xB0];
	v55 =	vmul.f32 v4, v15;
	v56 =	vmul.f32 v47, v15  }
0xf3: {  	v20 =	vadd.f32 v9, v11;
	v9 =	vld [tilespmem:$0x1FFA0];
	v57 =	vmul.f32 v50, v3;
	v58 =	vmul.f32 v52, v3  }
0xf4: {  	v18 =	vld [tilespmem:s1+$0xA0];
	v19 =	vmul.f32 v42, v39;
	v53 =	vmul.f32 v5, v8  }
0xf5: {  	v46 =	vmul.f32 v38, v39;
	[tilespmem:$0x1FF80] =	vst v10;
	v10 =	vmul.f32 v36, v29  }
0xf6: {  	v62 =	vmul.f32 v36, v49;
	v11 =	vmul.f32 v4, v44  }
0xf7: {  	v26 =	vadd.f32 v13, v26;
	v43 =	vadd.f32 v10, v43;
	v10 =	vmul.f32 v42, v28  }
0xf8: {  	v13 =	vmul.f32 v17, v51;
	v30 =	vadd.f32 v9, v24;
	v9 =	vmul.f32 v42, v49  }
0xf9: {  	v24 =	vmul.f32 v18, v51;
	v16 =	vadd.f32 v10, v14;
	v10 =	vmul.f32 v32, v49  }
0xfa: {  	v60 =	vadd.f32 v19, v22;
	v14 =	vbroadcast v34, $0xE;
	v49 =	vmul.f32 v38, v49  }
0xfb: {  	v59 =	vadd.f32 v9, v63;
	v9 =	vmul.f32 v37, v2;
	v63 =	vmul.f32 v32, v28  }
0xfc: {  	v61 =	vmul.f32 v37, v14;
	v22 =	vadd.f32 v10, v0;
	v19 =	vmul.f32 v17, v14  }
0xfd: {  	v12 =	vld [tilespmem:s1+$0xFFFFFFB0];
	v0 =	vadd.f32 v46, v27;
	v27 =	vbroadcast v34, $0x4;
	v46 =	vadd.f32 v55, v60  }
0xfe: {  	v55 =	vmul.f32 v38, v29;
	v60 =	vadd.f32 v23, v30;
	v30 =	vmul.f32 v40, v44  }
0xff: {  	v23 =	vmul.f32 v42, v29;
	v29 =	vbroadcast v34, $0xF  }
0x100: {  	v21 =	vadd.f32 v54, v21;
	v38 =	vmul.f32 v50, v8;
	[tilespmem:$0x1FF90] =	vst v9;
	v9 =	vmul.f32 v1, v14  }
0x101: {  	v28 =	vadd.f32 v62, v25;
	v14 =	vmul.f32 v18, v14;
	v62 =	vmul.f32 v40, v27  }
0x102: {  	v42 =	vmul.f32 v4, v27;
	v45 =	vadd.f32 v55, v45;
	v55 =	vmul.f32 v12, v6  }
0x103: {  	v23 =	vadd.f32 v23, v35;
	v35 =	vbroadcast v34, $0x8;
	v25 =	vmul.f32 v37, v29  }
0x104: {  	v11 =	vadd.f32 v11, v59;
	v37 =	vmul.f32 v40, v6;
	[tilespmem:$0x1FFA0] =	vst v9;
	v9 =	vbroadcast v34, $0xA  }
0x105: {  	v0 =	vadd.f32 v56, v0;
	v10 =	vmul.f32 v12, v27;
	v27 =	vmul.f32 v47, v27  }
0x106: {  	v40 =	vmul.f32 v12, v44;
	v26 =	vadd.f32 v37, v26;
	v56 =	vmul.f32 v5, v9  }
0x107: {  	v34 =	vadd.f32 v58, v46;
	v0 =	vadd.f32 v57, v0;
	v57 =	vmul.f32 v47, v6  }
0x108: {  	v47 =	vmul.f32 v47, v44;
	v10 =	vadd.f32 v10, v21;
	v26 =	vadd.f32 v56, v26  }
0x109: {  	v44 =	vmul.f32 v7, v35;
	v56 =	vadd.f32 v27, v45;
	v27 =	vadd.f32 v33, v0;
	v0 =	vld [tilespmem:$0x1FF70]  }
0x10a: {  	v42 =	vadd.f32 v42, v23;
	v23 =	vmul.f32 v17, v29;
	v54 =	vmul.f32 v5, v35  }
0x10b: {  	v58 =	vmul.f32 v50, v35;
	v21 =	vmul.f32 v52, v35;
	v10 =	vadd.f32 v44, v10  }
0x10c: {  	v37 =	vmul.f32 v18, v29;
	v43 =	vadd.f32 v62, v43;
	v46 =	vmul.f32 v50, v9  }
0x10d: {  	p1 =	sne.s32 s0, $0x1C0;
	v35 =	vadd.f32 v21, v42;
	v44 =	vmul.f32 v52, v9;
	v21 =	vadd.f32 v13, v10  }
.Ltmp1:
0x10e: {  	v42 =	vmul.f32 v36, v39;
	v10 =	vadd.f32 v54, v43;
	v0 =	vadd.f32 v63, v0;
	(pc) =	sbr.rel @p1 .LBB2_6-.Ltmp1, $4  }
0x10f: {  	v45 =	vmul.f32 v1, v51;
	v13 =	vadd.f32 v49, v41;
	v26 =	vadd.f32 v61, v26  }
0x110: {  	v43 =	vadd.f32 v48, v10;
	v41 =	vadd.f32 v55, v0;
	v0 =	vmul.f32 v52, v8  }
0x111: {  	v33 =	vmul.f32 v7, v9;
	v36 =	vadd.f32 v47, v13;
	v47 =	vadd.f32 v58, v56  }
0x112: {  	s0 =	sadd.s32 $0x40, s0;
	s1 =	sadd.s32 $0x200, s1;
	v48 =	vmul.f32 v32, v39;
	v39 =	vadd.f32 v57, v60;
	v32 =	vadd.f32 v0, v11;
	v11 =	vld [tilespmem:$0x1FF80]  }
0x113: {  	v0 =	vadd.f32 v42, v20;
	v47 =	vadd.f32 v45, v47  }
0x114: {  	[tilespmem:s17+$0xAC40] =	vst v43;
	v57 =	vadd.f32 v40, v22;
	v58 =	vadd.f32 v30, v28  }
0x115: {  	v51 =	vmul.f32 v18, v2;
	[tilespmem:s17+$0xAC70] =	vst v21;
	v59 =	vadd.f32 v33, v41;
	v62 =	vadd.f32 v38, v36  }
0x116: {  	v4 =	vmul.f32 v4, v6;
	[tilespmem:s17+$0xAE50] =	vst v27;
	v60 =	vld [tilespmem:$0x1FFA0];
	v10 =	vadd.f32 v48, v31;
	v48 =	vadd.f32 v24, v35  }
0x117: {  	[tilespmem:s17+$0xB040] =	vst v26;
	v1 =	vmul.f32 v1, v29;
	v54 =	vadd.f32 v46, v39;
	v63 =	vadd.f32 v37, v32  }
0x118: {  	v9 =	vmul.f32 v12, v15;
	v52 =	vld [tilespmem:$0x1FF90];
	[tilespmem:s17+$0xAC50] =	vst v47;
	v56 =	vadd.f32 v51, v34;
	v4 =	vadd.f32 v4, v16  }
0x119: {  	v5 =	vmul.f32 v5, v3;
	v1 =	vadd.f32 v1, v62;
	[tilespmem:s17+$0xAC60] =	vst v48;
	v0 =	vadd.f32 v11, v0  }
0x11a: {  	v50 =	vmul.f32 v7, v3;
	v49 =	vadd.f32 v9, v10;
	[tilespmem:s17+$0xB260] =	vst v63;
	v4 =	vadd.f32 v44, v4  }
0x11b: {  	[tilespmem:s17+$0xAE60] =	vst v56;
	v6 =	vadd.f32 v60, v54;
	v0 =	vadd.f32 v5, v0  }
0x11c: {  	v55 =	vmul.f32 v17, v2;
	[tilespmem:s17+$0xB250] =	vst v1;
	v3 =	vadd.f32 v50, v49;
	v4 =	vadd.f32 v14, v4  }
0x11d: {  	v61 =	vmul.f32 v7, v8;
	s8 =	sadd.s32 $0x1, s8;
	v5 =	vadd.f32 v19, v59;
	[tilespmem:s17+$0xB050] =	vst v6;
	v0 =	vadd.f32 v52, v0  }
0x11e: {  	p1 =	sne.s32 s8, $0x4;
	v2 =	vadd.f32 v55, v3;
	v3 =	vadd.f32 v53, v58;
	[tilespmem:s17+$0xB060] =	vst v4  }
.Ltmp2:
0x11f: {  	[tilespmem:s17+$0xAE40] =	vst v0;
	v0 =	vadd.f32 v61, v57;
	(pc) =	sbr.rel @p1 .LBB2_3-.Ltmp2, $4  }
0x120: {  	[tilespmem:s17+$0xB070] =	vst v5;
	v3 =	vadd.f32 v25, v3  }
0x121: {  	[tilespmem:s17+$0xAE70] =	vst v2;
	v0 =	vadd.f32 v23, v0  }
0x122: {  	[tilespmem:s17+$0xB240] =	vst v3  }
0x123: {  	s10 =	sadd.s32 $0x80, s10;
	s15 =	sadd.s32 $0x1000, s15;
	s16 =	sadd.s32 $0x1000, s16;
	[tilespmem:s17+$0xB270] =	vst v0  }
0x124: {  	s0 =	sshll.u32 s7, $0x9  }
0x125: {  	p1 =	seq.s32 s21, $0x27;
	s0 =	sadd.s32 s5, s0  }
0x126: {  	[hbm4b:s0+s25] =	stream.strided.scatter [tilespmem:s28], [sflag:$0x5], $0x800, s26, s25, $0x38;
	[tilespmem:$0x1FC00] =	vst v63  }
0x127: {  	s7 =	simm.s32 @!p1 $0x2C00;
	s0 =	sadd.s32 @!p1 $0x400, s6  }
0x128: {  	s6 =	simm.s32 @!p1 $0x80;
	s1 =	sshrl.u32 @!p1 s0, $0x2;
	s0 =	sadd.s32 @!p1 s9, s0  }
0x129: {  	[tilespmem:s7], [sflag:$0x1] =	stream.indirect.gather @!p1 [spmem:s2], $0x80, s1, s6, $0xb8;
	[tilespmem:$0x1FC00] =	vst v63  }
0x12a: {  	s0 =	sshrl.u32 @!p1 s0, $0x3  }
0x12b: {  	s1 =	simm.s32 @!p1 $0x0;
	s6 =	simm.s32 @!p1 $0x2800;
	s0 =	sadd.s32 @!p1 s4, s0  }
0x12c: {  	[tilespmem:s6], [sflag:$0x3] =	stream.linear.gather @!p1 [hbm4b:s0+s1], $0x200, $0x38;
	[tilespmem:$0x1FC00] =	vst v63  }
0x12d: {  	_ =	swait.ge [sflag:s29], $0x4000  }
0x12e: {  	[sflag:s29] =	ssyncset.done $0x0  }
0x12f: {  	[sflag:s29] =	ssyncadd.s32 $0xFFFFC000  }
0x130: {  	_ =	swait.ge [sflag:s30], $0x200  }
0x131: {  	[sflag:s30] =	ssyncset.done $0x0  }
0x132: {  	s0 =	simm.s32 @!p0 $0x6;
	[sflag:s30] =	ssyncadd.s32 $0xFFFFFE00  }
0x133: {  	_ =	swait.ge @!p0 [sflag:s0], $0x800  }
0x134: {  	s8 =	simm.s32 $0x2C00;
	[sflag:s0] =	ssyncset.done @!p0 $0x0  }
0x135: {  	s7 =	simm.s32 $0x2A00;
	s6 =	simm.s32 $0x0;
	[sflag:s0] =	ssyncadd.s32 @!p0 $0xFFFFF800  }
.LBB2_9:
0x136: {  	v0 =	vmov s8  }
0x137: {  	v19 =	vld [tilespmem:s7+$0x0];
	_ =	sdelay $0x2  }
0x138: {  	s0 =	simm.s32 $0x0  }
0x139: {  	v6 =	vld.idx.msk [tilespmem:v0+s0+$0x4120 ss:$0x1], $0xffff  }
0x13a: {  	v12 =	vld.idx.msk [tilespmem:v0+s0+$0x4100 ss:$0x1], $0xffff;
	v38 =	vbroadcast v19, $0x0;
	v7 =	vbroadcast v19, $0xC  }
0x13b: {  	v1 =	vld.idx.msk [tilespmem:v0+s0+$0x41B0 ss:$0x1], $0xffff;
	v20 =	vbroadcast v19, $0x2;
	v2 =	vbroadcast v19, $0xF  }
0x13c: {  	v35 =	vld.idx.msk [tilespmem:v0+s0+$0x4090 ss:$0x1], $0xffff;
	v9 =	vbroadcast v19, $0x4;
	v28 =	vbroadcast v19, $0xD  }
0x13d: {  	v27 =	vld.idx.msk [tilespmem:v0+s0+$0x4020 ss:$0x1], $0xffff;
	v30 =	vbroadcast v19, $0x9;
	v26 =	vbroadcast v19, $0xB  }
0x13e: {  	v3 =	vld.idx.msk [tilespmem:v0+s0+$0x4190 ss:$0x1], $0xffff;
	v13 =	vbroadcast v19, $0x8;
	v10 =	vbroadcast v19, $0xE  }
0x13f: {  	v44 =	vld.idx.msk [tilespmem:v0+s0+$0x40A0 ss:$0x1], $0xffff;
	v39 =	vbroadcast v19, $0x5;
	v16 =	vbroadcast v19, $0x6  }
0x140: {  	v31 =	vld.idx.msk [tilespmem:v0+s0+$0x4180 ss:$0x1], $0xffff;
	v32 =	vbroadcast v19, $0xA;
	v48 =	vbroadcast v19, $0x7  }
0x141: {  	v40 =	vld.idx.msk [tilespmem:v0+s0+$0x41A0 ss:$0x1], $0xffff;
	v52 =	vbroadcast v19, $0x3;
	v24 =	vbroadcast v19, $0x1  }
0x142: {  	v33 =	vld.idx.msk [tilespmem:v0+s0+$0x40B0 ss:$0x1], $0xffff;
	v14 =	vmul.f32 v1, v7;
	v4 =	vmul.f32 v1, v28  }
0x143: {  	v18 =	vld.idx.msk [tilespmem:v0+s0+$0x4110 ss:$0x1], $0xffff;
	v17 =	vmul.f32 v27, v20;
	v50 =	vmul.f32 v35, v9  }
0x144: {  	v15 =	vld.idx.msk [tilespmem:v0+s0+$0x4080 ss:$0x1], $0xffff;
	v34 =	vmul.f32 v12, v32;
	v11 =	vmul.f32 v3, v2  }
0x145: {  	v41 =	vld.idx.msk [tilespmem:v0+s0+$0x4000 ss:$0x1], $0xffff;
	v29 =	vmul.f32 v27, v38;
	v23 =	vmul.f32 v6, v32  }
0x146: {  	v36 =	vmul.f32 v44, v16;
	v37 =	vmul.f32 v31, v10  }
0x147: {  	v8 =	vmul.f32 v31, v7;
	v42 =	vmul.f32 v40, v10  }
0x148: {  	v47 =	vmul.f32 v33, v16;
	v51 =	vmul.f32 v12, v30  }
0x149: {  	v49 =	vld.idx.msk [tilespmem:v0+s0+$0x4010 ss:$0x1], $0xffff;
	v21 =	vmul.f32 v18, v32;
	v43 =	vmul.f32 v15, v16  }
0x14a: {  	v57 =	vmul.f32 v18, v26;
	v45 =	vmul.f32 v41, v20  }
0x14b: {  	v22 =	vmul.f32 v33, v39;
	v53 =	vmul.f32 v15, v39  }
0x14c: {  	v46 =	vld.idx.msk [tilespmem:v0+s0+$0x4030 ss:$0x1], $0xffff;
	v54 =	vmul.f32 v35, v16;
	v16 =	vmul.f32 v6, v30  }
0x14d: {  	v56 =	vmul.f32 v18, v30;
	v58 =	vmul.f32 v33, v48  }
0x14e: {  	v59 =	vmul.f32 v44, v48;
	v60 =	vmul.f32 v49, v52  }
0x14f: {  	v55 =	vld.idx.msk [tilespmem:v0+s0+$0x4130 ss:$0x1], $0xffff;
	v61 =	vmul.f32 v18, v13;
	v18 =	vmul.f32 v40, v28  }
0x150: {  	v62 =	vmul.f32 v6, v26;
	v63 =	vmul.f32 v49, v38  }
0x151: {  	v25 =	vmul.f32 v46, v38;
	v19 =	vmul.f32 v46, v20  }
0x152: {  	v5 =	vimm.f32 $0.0e+00;
	v33 =	vmul.f32 v33, v9;
	[tilespmem:$0x1FF50] =	vst v4;
	v4 =	vmul.f32 v12, v13  }
0x153: {  	v12 =	vmul.f32 v12, v26;
	v17 =	vadd.f32 v17, v5;
	v45 =	vadd.f32 v45, v5  }
0x154: {  	v26 =	vmul.f32 v55, v26;
	v63 =	vadd.f32 v63, v5;
	v19 =	vadd.f32 v19, v5  }
0x155: {  	v25 =	vadd.f32 v25, v5;
	v17 =	vadd.f32 v36, v17;
	v36 =	vmul.f32 v46, v52  }
0x156: {  	[tilespmem:$0x1FF60] =	vst v4;
	v4 =	vmul.f32 v27, v52;
	v43 =	vadd.f32 v43, v45;
	v19 =	vadd.f32 v47, v19  }
0x157: {  	v25 =	vadd.f32 v33, v25;
	v46 =	vmul.f32 v46, v24;
	v17 =	vadd.f32 v23, v17  }
0x158: {  	v23 =	vmul.f32 v15, v48;
	v45 =	vadd.f32 v4, v5;
	v4 =	vmul.f32 v49, v20  }
0x159: {  	v36 =	vadd.f32 v36, v5;
	v34 =	vadd.f32 v34, v43;
	v49 =	vmul.f32 v49, v24  }
0x15a: {  	v43 =	vmul.f32 v41, v52;
	v17 =	vadd.f32 v42, v17;
	v42 =	vadd.f32 v29, v5  }
0x15b: {  	v4 =	vadd.f32 v4, v5;
	v29 =	vadd.f32 v58, v36;
	v58 =	vmul.f32 v31, v28  }
0x15c: {  	v45 =	vadd.f32 v59, v45;
	v36 =	vmul.f32 v40, v2;
	v59 =	vmul.f32 v41, v24  }
0x15d: {  	v20 =	vadd.f32 v37, v34;
	v37 =	vmul.f32 v55, v30;
	v30 =	vmul.f32 v55, v32  }
0x15e: {  	v34 =	vmul.f32 v27, v24;
	v27 =	vadd.f32 v60, v5;
	v32 =	vadd.f32 v50, v63  }
0x15f: {  	v49 =	vadd.f32 v49, v5;
	v60 =	vmul.f32 v55, v13;
	v28 =	vmul.f32 v3, v28  }
0x160: {  	v41 =	vmul.f32 v41, v38;
	v45 =	vadd.f32 v62, v45;
	v47 =	vadd.f32 v54, v4  }
0x161: {  	v19 =	vadd.f32 v30, v19;
	v30 =	vmul.f32 v1, v10;
	v63 =	vadd.f32 v59, v5  }
0x162: {  	v59 =	vmul.f32 v35, v39;
	v35 =	vmul.f32 v35, v48;
	v33 =	vadd.f32 v41, v5  }
0x163: {  	v54 =	vadd.f32 v30, v19;
	v30 =	vmul.f32 v31, v2;
	v31 =	vadd.f32 v53, v63  }
0x164: {  	v38 =	vmul.f32 v44, v9;
	v62 =	vadd.f32 v59, v49;
	v49 =	vadd.f32 v61, v32  }
0x165: {  	v48 =	vmul.f32 v44, v39;
	v27 =	vadd.f32 v35, v27;
	v32 =	vadd.f32 v60, v25  }
0x166: {  	v39 =	vmul.f32 v40, v7;
	v24 =	vadd.f32 v51, v31;
	v63 =	vadd.f32 v56, v62  }
0x167: {  	v31 =	vadd.f32 v21, v47;
	v47 =	vadd.f32 v57, v27;
	v27 =	vimm.f32 $0.0e+00  }
0x168: {  	s10 =	sshll.u32 s6, $0x9;
	s1 =	sadd.s32 $0x10, s7;
	s0 =	simm.s32 $0x800;
	v25 =	vadd.f32 v58, v24;
	v63 =	vadd.f32 v28, v63;
	v28 =	vimm.f32 $0.0e+00  }
.LBB2_10:
0x169: {  	v40 =	vld [tilespmem:s1+$0x0]  }
0x16a: {  	s15 =	sshra.s32 s0, $0x2  }
0x16b: {  	v2 =	vmul.f32 v1, v2;
	v1 =	vld.idx.msk [tilespmem:v0+s15+$0x41B0 ss:$0x1], $0xffff;
	_ =	sdelay $0x1  }
0x16c: {  	v9 =	vmul.f32 v15, v9;
	v15 =	vadd.f32 v26, v29  }
0x16d: {  	v26 =	vmul.f32 v3, v7;
	v4 =	vadd.f32 v14, v32;
	v7 =	vbroadcast v40, $0xC;
	_ =	sdelay $0x1  }
0x16e: {  	v13 =	vmul.f32 v6, v13;
	v35 =	vadd.f32 v38, v42;
	[tilespmem:$0x1FEC0] =	vst v4;
	v4 =	vmul.f32 v1, v7  }
0x16f: {  	v21 =	vld.idx.msk [tilespmem:v0+s15+$0x4100 ss:$0x1], $0xffff  }
0x170: {  	v10 =	vmul.f32 v3, v10;
	v13 =	vadd.f32 v13, v35;
	[tilespmem:$0x1FEE0] =	vst v4;
	v4 =	vld [tilespmem:$0x1FF60]  }
0x171: {  	v14 =	vadd.f32 v46, v5  }
0x172: {  	v3 =	vld.idx.msk [tilespmem:v0+s15+$0x4190 ss:$0x1], $0xffff;
	v29 =	vadd.f32 v10, v31;
	v42 =	vadd.f32 v39, v13  }
0x173: {  	v13 =	vbroadcast v40, $0x8;
	v10 =	vadd.f32 v22, v14;
	v22 =	vadd.f32 v9, v33  }
0x174: {  	v14 =	vadd.f32 v43, v27;
	v43 =	vadd.f32 v2, v15  }
0x175: {  	v2 =	vbroadcast v40, $0xF;
	v22 =	vadd.f32 v4, v22;
	v4 =	vmul.f32 v21, v13  }
0x176: {  	v52 =	vld.idx.msk [tilespmem:v0+s15+$0x4180 ss:$0x1], $0xffff  }
0x177: {  	[tilespmem:$0x1FF60] =	vst v4;
	v4 =	vmul.f32 v3, v2;
	_ =	sdelay $0x1  }
0x178: {  	[tilespmem:$0x1FF40] =	vst v4;
	v4 =	vadd.f32 v8, v22;
	_ =	sdelay $0x1  }
0x179: {  	v50 =	vbroadcast v40, $0x9;
	[tilespmem:$0x1FF10] =	vst v4;
	v4 =	vmul.f32 v52, v7  }
0x17a: {  	v46 =	vld.idx.msk [tilespmem:v0+s15+$0x4020 ss:$0x1], $0xffff  }
0x17b: {  	v6 =	vld.idx.msk [tilespmem:v0+s15+$0x4120 ss:$0x1], $0xffff;
	v36 =	vadd.f32 v36, v45;
	v51 =	vbroadcast v40, $0xB;
	[tilespmem:$0x1FF30] =	vst v4;
	v4 =	vmul.f32 v21, v50  }
0x17c: {  	v28 =	vadd.f32 v34, v28;
	v49 =	vadd.f32 v26, v49;
	v35 =	vld.idx.msk [tilespmem:v0+s15+$0x40A0 ss:$0x1], $0xffff;
	v45 =	vbroadcast v40, $0x2  }
0x17d: {  	v44 =	vld.idx.msk [tilespmem:v0+s15+$0x4000 ss:$0x1], $0xffff;
	v38 =	vbroadcast v40, $0xD;
	v23 =	vadd.f32 v23, v14;
	[tilespmem:$0x1FED0] =	vst v4;
	v4 =	vmul.f32 v21, v51  }
0x17e: {  	v24 =	vmovc v54;
	v54 =	vld.idx.msk [tilespmem:v0+s15+$0x40B0 ss:$0x1], $0xffff;
	v28 =	vadd.f32 v48, v28;
	v39 =	vbroadcast v40, $0x5;
	v26 =	vbroadcast v40, $0x6  }
0x17f: {  	v55 =	vbroadcast v40, $0xA;
	v12 =	vadd.f32 v12, v23;
	v23 =	vmul.f32 v46, v45;
	[tilespmem:$0x1FEF0] =	vst v4;
	v4 =	vld [tilespmem:$0x1FF50]  }
0x180: {  	v16 =	vadd.f32 v16, v28;
	v33 =	vbroadcast v40, $0x0;
	v15 =	vld.idx.msk [tilespmem:v0+s15+$0x4080 ss:$0x1], $0xffff;
	v9 =	vbroadcast v40, $0x4  }
0x181: {  	v56 =	vld.idx.msk [tilespmem:v0+s15+$0x4030 ss:$0x1], $0xffff;
	v17 =	vadd.f32 v23, v17;
	v27 =	vadd.f32 v30, v12;
	v12 =	vmul.f32 v35, v26  }
0x182: {  	v61 =	vld.idx.msk [tilespmem:v0+s15+$0x4010 ss:$0x1], $0xffff;
	v53 =	vmul.f32 v1, v38;
	v58 =	vmul.f32 v21, v55;
	v37 =	vadd.f32 v37, v10  }
0x183: {  	v28 =	vadd.f32 v18, v16;
	v23 =	vmul.f32 v6, v55;
	v17 =	vadd.f32 v12, v17  }
0x184: {  	v31 =	vld.idx.msk [tilespmem:v0+s15+$0x4090 ss:$0x1], $0xffff;
	v16 =	vmul.f32 v44, v45;
	v5 =	vadd.f32 v4, v37;
	v37 =	vbroadcast v40, $0x3  }
0x185: {  	v62 =	vmul.f32 v54, v26;
	v17 =	vadd.f32 v23, v17;
	v23 =	vmul.f32 v15, v26  }
0x186: {  	v34 =	vld.idx.msk [tilespmem:v0+s15+$0x4110 ss:$0x1], $0xffff;
	v18 =	vadd.f32 v16, v20;
	v4 =	vmovc v53;
	v53 =	vbroadcast v40, $0x7;
	v20 =	vmul.f32 v56, v37  }
0x187: {  	v47 =	vadd.f32 v11, v47;
	v60 =	vmul.f32 v61, v45;
	v10 =	vbroadcast v40, $0xE  }
0x188: {  	v16 =	vadd.f32 v23, v18;
	v14 =	vmul.f32 v54, v53;
	v20 =	vadd.f32 v20, v43  }
0x189: {  	v11 =	vld.idx.msk [tilespmem:v0+s15+$0x4130 ss:$0x1], $0xffff;
	v48 =	vmul.f32 v31, v26;
	v60 =	vadd.f32 v60, v29;
	v30 =	vmul.f32 v52, v10  }
0x18a: {  	v29 =	vadd.f32 v14, v20;
	v14 =	vadd.f32 v58, v16;
	v58 =	vmul.f32 v56, v45  }
0x18b: {  	v59 =	vmul.f32 v46, v33;
	[tilespmem:$0x1FF50] =	vst v4;
	v4 =	vmul.f32 v34, v55  }
0x18c: {  	v26 =	vmul.f32 v46, v37;
	v20 =	vadd.f32 v30, v14;
	v30 =	vadd.f32 v58, v24;
	v24 =	vld [tilespmem:$0x1FEC0]  }
0x18d: {  	v41 =	vld.idx.msk [tilespmem:v0+s15+$0x41A0 ss:$0x1], $0xffff;
	v42 =	vadd.f32 v59, v42;
	v59 =	vmul.f32 v6, v51;
	v40 =	vbroadcast v40, $0x1  }
0x18e: {  	[tilespmem:$0x1FF00] =	vst v4;
	v4 =	vmul.f32 v34, v51;
	v36 =	vadd.f32 v26, v36;
	v26 =	vmul.f32 v11, v51  }
0x18f: {  	v51 =	vmul.f32 v56, v33;
	v14 =	vmul.f32 v61, v40  }
0x190: {  	v18 =	vmul.f32 v61, v37;
	v43 =	vmul.f32 v61, v33  }
0x191: {  	v14 =	vadd.f32 v14, v63;
	v61 =	vadd.f32 v51, v24;
	v24 =	vmul.f32 v31, v39  }
0x192: {  	v19 =	vmul.f32 v34, v13;
	v57 =	vmul.f32 v41, v10  }
0x193: {  	v18 =	vadd.f32 v18, v47;
	v14 =	vadd.f32 v24, v14;
	v24 =	vmul.f32 v31, v53  }
0x194: {  	v32 =	vmul.f32 v31, v9;
	v12 =	vmul.f32 v34, v50  }
0x195: {  	v57 =	vadd.f32 v57, v17;
	v17 =	vmul.f32 v35, v53;
	v63 =	vadd.f32 v24, v18;
	v24 =	vld [tilespmem:$0x1FF00]  }
0x196: {  	v8 =	vmul.f32 v15, v39;
	v22 =	vmul.f32 v41, v38  }
0x197: {  	v21 =	vmul.f32 v6, v50;
	v49 =	vadd.f32 v43, v49;
	v17 =	vadd.f32 v17, v36  }
0x198: {  	v23 =	vmul.f32 v15, v53;
	v34 =	vmul.f32 v46, v40;
	v47 =	vadd.f32 v48, v60  }
0x199: {  	v58 =	vmul.f32 v44, v40;
	v45 =	vadd.f32 v59, v17;
	v59 =	vadd.f32 v32, v49  }
0x19a: {  	v46 =	vmul.f32 v56, v40;
	v60 =	vmul.f32 v1, v10;
	v31 =	vadd.f32 v24, v47;
	v24 =	vld [tilespmem:$0x1FF10]  }
0x19b: {  	v48 =	vmul.f32 v35, v39;
	v25 =	vadd.f32 v58, v25;
	v49 =	vadd.f32 v19, v59;
	v19 =	vld [tilespmem:$0x1FED0]  }
0x19c: {  	[tilespmem:$0x1FF20] =	vst v4;
	v4 =	vmul.f32 v54, v39;
	v17 =	vadd.f32 v62, v30;
	v30 =	vmul.f32 v11, v55  }
0x19d: {  	v62 =	vmul.f32 v54, v9;
	v8 =	vadd.f32 v8, v25;
	v25 =	vmul.f32 v44, v33  }
0x19e: {  	v43 =	vmul.f32 v44, v37;
	v37 =	vmul.f32 v11, v50;
	v17 =	vadd.f32 v30, v17  }
0x19f: {  	p0 =	sne.s32 s0, $0x3800;
	v11 =	vmul.f32 v11, v13;
	v62 =	vadd.f32 v62, v61;
	v33 =	vadd.f32 v25, v24;
	v24 =	vld [tilespmem:$0x1FF20]  }
.Ltmp3:
0x1a0: {  	v16 =	vmul.f32 v52, v38;
	v36 =	vmul.f32 v41, v2;
	v8 =	vadd.f32 v19, v8;
	(pc) =	sbr.rel @p0 .LBB2_10-.Ltmp3, $4  }
0x1a1: {  	v30 =	vmul.f32 v52, v2;
	v32 =	vadd.f32 v11, v62;
	v11 =	vadd.f32 v12, v14;
	v14 =	vld [tilespmem:$0x1FEE0]  }
0x1a2: {  	v39 =	vmul.f32 v41, v7;
	v19 =	vmul.f32 v3, v38;
	v12 =	vld [tilespmem:$0x1FEF0]  }
0x1a3: {  	v54 =	vadd.f32 v60, v17;
	v38 =	vmul.f32 v35, v9;
	v17 =	vmovc v57;
	v25 =	vadd.f32 v16, v8;
	v8 =	vld [tilespmem:$0x1FF30]  }
0x1a4: {  	s0 =	sadd.s32 $0x800, s0;
	s1 =	sadd.s32 $0x10, s1;
	v18 =	vmovc v22;
	v22 =	vmovc v4;
	v16 =	vmov v21;
	v47 =	vadd.f32 v24, v63;
	v63 =	vadd.f32 v19, v11;
	v11 =	vld [tilespmem:$0x1FF40]  }
0x1a5: {  	v4 =	vmul.f32 v15, v9;
	v9 =	vld [tilespmem:$0x1FF60];
	_ =	sdelay $0x2  }
0x1a6: {  	v4 =	vadd.f32 v4, v33  }
0x1a7: {  	v15 =	vadd.f32 v38, v42;
	v6 =	vmul.f32 v6, v13  }
0x1a8: {  	v4 =	vadd.f32 v9, v4  }
0x1a9: {  	s10 =	sshrl.u32 s10, $0x2;
	v9 =	vadd.f32 v6, v15;
	v6 =	vmul.f32 v3, v7;
	v7 =	vadd.f32 v34, v28  }
0x1aa: {  	[tilespmem:s10+$0xB600] =	vst v25;
	v4 =	vadd.f32 v8, v4  }
0x1ab: {  	[tilespmem:s10+$0xB610] =	vst v63;
	v6 =	vadd.f32 v6, v49;
	v7 =	vadd.f32 v48, v7  }
0x1ac: {  	v8 =	vadd.f32 v46, v5;
	[tilespmem:s10+$0xB400] =	vst v4  }
0x1ad: {  	v4 =	vadd.f32 v14, v32;
	[tilespmem:s10+$0xB410] =	vst v6;
	v6 =	vadd.f32 v16, v7;
	v7 =	vld [tilespmem:$0x1FF50]  }
0x1ae: {  	[tilespmem:s10+$0xB800] =	vst v20;
	v8 =	vadd.f32 v22, v8  }
0x1af: {  	[tilespmem:s10+$0xB430] =	vst v4;
	v4 =	vadd.f32 v43, v27  }
0x1b0: {  	v1 =	vmul.f32 v1, v2;
	[tilespmem:s10+$0xB820] =	vst v17;
	v2 =	vadd.f32 v11, v47;
	v5 =	vadd.f32 v37, v8  }
0x1b1: {  	[tilespmem:s10+$0xB830] =	vst v54;
	v3 =	vmul.f32 v3, v10;
	v9 =	vadd.f32 v39, v9;
	v4 =	vadd.f32 v23, v4  }
0x1b2: {  	[tilespmem:s10+$0xBA10] =	vst v2;
	v5 =	vadd.f32 v7, v5  }
0x1b3: {  	v3 =	vadd.f32 v3, v31;
	[tilespmem:s10+$0xB420] =	vst v9;
	v4 =	vadd.f32 v12, v4  }
0x1b4: {  	v6 =	vadd.f32 v18, v6;
	[tilespmem:s10+$0xB630] =	vst v5;
	v5 =	vadd.f32 v36, v45  }
0x1b5: {  	[tilespmem:s10+$0xB810] =	vst v3;
	v3 =	vadd.f32 v30, v4;
	v4 =	vadd.f32 v26, v29  }
0x1b6: {  	[tilespmem:s10+$0xB620] =	vst v6  }
0x1b7: {  	[tilespmem:s10+$0xBA20] =	vst v5;
	v1 =	vadd.f32 v1, v4  }
0x1b8: {  	[tilespmem:s10+$0xBA00] =	vst v3  }
0x1b9: {  	[tilespmem:s10+$0xBA30] =	vst v1  }
0x1ba: {  	v19 =	vld [tilespmem:s7+$0x0];
	_ =	sdelay $0x3  }
0x1bb: {  	s0 =	simm.s32 $0x0  }
0x1bc: {  	v6 =	vld.idx.msk [tilespmem:v0+s0+$0x4160 ss:$0x1], $0xffff;
	v38 =	vbroadcast v19, $0x0;
	v7 =	vbroadcast v19, $0xC  }
0x1bd: {  	v12 =	vld.idx.msk [tilespmem:v0+s0+$0x4140 ss:$0x1], $0xffff;
	v20 =	vbroadcast v19, $0x2;
	v2 =	vbroadcast v19, $0xF  }
0x1be: {  	v1 =	vld.idx.msk [tilespmem:v0+s0+$0x41F0 ss:$0x1], $0xffff;
	v9 =	vbroadcast v19, $0x4;
	v28 =	vbroadcast v19, $0xD  }
0x1bf: {  	v34 =	vld.idx.msk [tilespmem:v0+s0+$0x40D0 ss:$0x1], $0xffff;
	v30 =	vbroadcast v19, $0x9;
	v26 =	vbroadcast v19, $0xB  }
0x1c0: {  	v27 =	vld.idx.msk [tilespmem:v0+s0+$0x4060 ss:$0x1], $0xffff;
	v13 =	vbroadcast v19, $0x8;
	v10 =	vbroadcast v19, $0xE  }
0x1c1: {  	v3 =	vld.idx.msk [tilespmem:v0+s0+$0x41D0 ss:$0x1], $0xffff;
	v39 =	vbroadcast v19, $0x5;
	v16 =	vbroadcast v19, $0x6  }
0x1c2: {  	v47 =	vld.idx.msk [tilespmem:v0+s0+$0x40E0 ss:$0x1], $0xffff;
	v32 =	vbroadcast v19, $0xA;
	v49 =	vbroadcast v19, $0x7  }
0x1c3: {  	v31 =	vld.idx.msk [tilespmem:v0+s0+$0x41C0 ss:$0x1], $0xffff;
	v52 =	vbroadcast v19, $0x3;
	v24 =	vbroadcast v19, $0x1  }
0x1c4: {  	v40 =	vld.idx.msk [tilespmem:v0+s0+$0x41E0 ss:$0x1], $0xffff;
	v14 =	vmul.f32 v1, v7;
	v11 =	vmul.f32 v1, v28  }
0x1c5: {  	v33 =	vld.idx.msk [tilespmem:v0+s0+$0x40F0 ss:$0x1], $0xffff;
	v17 =	vmul.f32 v27, v20;
	v50 =	vmul.f32 v34, v9  }
0x1c6: {  	v15 =	vld.idx.msk [tilespmem:v0+s0+$0x40C0 ss:$0x1], $0xffff;
	v4 =	vmul.f32 v12, v13;
	v35 =	vmul.f32 v12, v32  }
0x1c7: {  	v41 =	vld.idx.msk [tilespmem:v0+s0+$0x4040 ss:$0x1], $0xffff;
	v8 =	vmul.f32 v3, v2;
	v29 =	vmul.f32 v27, v38  }
0x1c8: {  	v23 =	vmul.f32 v6, v32;
	v59 =	vmul.f32 v47, v16  }
0x1c9: {  	v18 =	vld.idx.msk [tilespmem:v0+s0+$0x4150 ss:$0x1], $0xffff;
	v37 =	vmul.f32 v31, v10;
	v60 =	vmul.f32 v31, v7  }
0x1ca: {  	v48 =	vld.idx.msk [tilespmem:v0+s0+$0x4070 ss:$0x1], $0xffff;
	v61 =	vmul.f32 v40, v10;
	v46 =	vmul.f32 v33, v16  }
0x1cb: {  	v51 =	vmul.f32 v12, v30;
	v12 =	vmul.f32 v12, v26  }
0x1cc: {  	v45 =	vld.idx.msk [tilespmem:v0+s0+$0x4050 ss:$0x1], $0xffff;
	v62 =	vmul.f32 v15, v16;
	v44 =	vmul.f32 v41, v20  }
0x1cd: {  	v5 =	vmul.f32 v33, v39;
	v53 =	vmul.f32 v15, v39  }
0x1ce: {  	v54 =	vmul.f32 v34, v16;
	v16 =	vmul.f32 v6, v30  }
0x1cf: {  	v36 =	vmul.f32 v48, v52;
	v56 =	vmul.f32 v18, v30  }
0x1d0: {  	v58 =	vmul.f32 v33, v49;
	v42 =	vmul.f32 v47, v49  }
0x1d1: {  	v21 =	vimm.f32 $0.0e+00;
	v57 =	vmul.f32 v40, v28;
	v63 =	vmul.f32 v45, v38  }
0x1d2: {  	v55 =	vld.idx.msk [tilespmem:v0+s0+$0x4170 ss:$0x1], $0xffff;
	v25 =	vmul.f32 v48, v38;
	v19 =	vmul.f32 v48, v20;
	v17 =	vadd.f32 v17, v21  }
0x1d3: {  	[tilespmem:$0x1FE90] =	vst v4;
	v4 =	vmul.f32 v18, v32;
	v44 =	vadd.f32 v44, v21;
	v36 =	vadd.f32 v36, v21  }
0x1d4: {  	v33 =	vmul.f32 v33, v9;
	v43 =	vadd.f32 v29, v21;
	v63 =	vadd.f32 v63, v21  }
0x1d5: {  	v19 =	vadd.f32 v19, v21;
	v25 =	vadd.f32 v25, v21;
	[tilespmem:$0x1FEA0] =	vst v4;
	v4 =	vmul.f32 v18, v26  }
0x1d6: {  	v17 =	vadd.f32 v59, v17;
	v59 =	vmul.f32 v45, v52;
	v18 =	vmul.f32 v18, v13  }
0x1d7: {  	v44 =	vadd.f32 v62, v44;
	v62 =	vmul.f32 v6, v26;
	v26 =	vmul.f32 v55, v26  }
0x1d8: {  	v29 =	vadd.f32 v58, v36;
	v58 =	vmul.f32 v31, v28;
	v36 =	vmul.f32 v40, v2  }
0x1d9: {  	v19 =	vadd.f32 v46, v19;
	[tilespmem:$0x1FEB0] =	vst v4;
	v17 =	vadd.f32 v23, v17;
	v4 =	vmul.f32 v27, v52  }
0x1da: {  	v25 =	vadd.f32 v33, v25;
	v35 =	vadd.f32 v35, v44;
	v44 =	vmul.f32 v41, v52  }
0x1db: {  	v52 =	vmul.f32 v41, v24;
	v17 =	vadd.f32 v61, v17;
	v4 =	vadd.f32 v4, v21  }
0x1dc: {  	v61 =	vmul.f32 v45, v20;
	v20 =	vadd.f32 v37, v35;
	v37 =	vmul.f32 v55, v30  }
0x1dd: {  	v30 =	vmul.f32 v55, v32;
	v42 =	vadd.f32 v42, v4;
	v4 =	vmul.f32 v45, v24  }
0x1de: {  	v35 =	vmul.f32 v27, v24;
	v27 =	vadd.f32 v59, v21;
	v32 =	vadd.f32 v50, v63  }
0x1df: {  	v46 =	vmul.f32 v48, v24;
	v61 =	vadd.f32 v61, v21;
	v59 =	vadd.f32 v4, v21;
	v4 =	vld [tilespmem:$0x1FEA0]  }
0x1e0: {  	v63 =	vadd.f32 v52, v21;
	v19 =	vadd.f32 v30, v19;
	v30 =	vmul.f32 v1, v10  }
0x1e1: {  	v45 =	vadd.f32 v62, v42;
	v42 =	vadd.f32 v54, v61;
	v61 =	vmul.f32 v34, v39  }
0x1e2: {  	v22 =	vadd.f32 v30, v19;
	v30 =	vmul.f32 v31, v2;
	v31 =	vadd.f32 v53, v63  }
0x1e3: {  	v28 =	vmul.f32 v3, v28;
	v41 =	vmul.f32 v41, v38;
	v50 =	vadd.f32 v61, v59  }
0x1e4: {  	v48 =	vmul.f32 v47, v39;
	v24 =	vadd.f32 v51, v31;
	v31 =	vadd.f32 v4, v42;
	v4 =	vld [tilespmem:$0x1FEB0]  }
0x1e5: {  	v33 =	vadd.f32 v41, v21;
	v62 =	vmul.f32 v55, v13;
	v34 =	vmul.f32 v34, v49  }
0x1e6: {  	v23 =	vmul.f32 v15, v49;
	v49 =	vadd.f32 v18, v32;
	v63 =	vadd.f32 v56, v50  }
0x1e7: {  	v38 =	vmul.f32 v47, v9;
	v27 =	vadd.f32 v34, v27;
	v32 =	vadd.f32 v62, v25  }
0x1e8: {  	v39 =	vmul.f32 v40, v7;
	v25 =	vadd.f32 v58, v24;
	v24 =	vadd.f32 v28, v63  }
0x1e9: {  	s1 =	sadd.s32 $0x10, s7;
	s0 =	simm.s32 $0x800;
	v28 =	vimm.f32 $0.0e+00;
	v47 =	vadd.f32 v4, v27;
	v27 =	vimm.f32 $0.0e+00  }
.LBB2_12:
0x1ea: {  	v40 =	vld [tilespmem:s1+$0x0]  }
0x1eb: {  	s15 =	sshra.s32 s0, $0x2;
	v10 =	vmul.f32 v3, v10  }
0x1ec: {  	v9 =	vmul.f32 v15, v9;
	v15 =	vadd.f32 v26, v29;
	v2 =	vmul.f32 v1, v2;
	v1 =	vld.idx.msk [tilespmem:v0+s15+$0x41F0 ss:$0x1], $0xffff  }
0x1ed: {  	v13 =	vmul.f32 v6, v13;
	v27 =	vadd.f32 v35, v27;
	v34 =	vadd.f32 v38, v43  }
0x1ee: {  	v26 =	vmul.f32 v3, v7;
	v36 =	vadd.f32 v36, v45;
	v29 =	vadd.f32 v10, v31  }
0x1ef: {  	[tilespmem:$0x1FDF0] =	vst v22;
	v6 =	vld.idx.msk [tilespmem:v0+s15+$0x4160 ss:$0x1], $0xffff;
	v22 =	vadd.f32 v9, v33;
	v4 =	vadd.f32 v14, v32;
	v7 =	vbroadcast v40, $0xC  }
0x1f0: {  	v3 =	vld.idx.msk [tilespmem:v0+s15+$0x41D0 ss:$0x1], $0xffff;
	v49 =	vadd.f32 v26, v49;
	v27 =	vadd.f32 v48, v27  }
0x1f1: {  	v14 =	vadd.f32 v46, v21;
	v21 =	vld.idx.msk [tilespmem:v0+s15+$0x4140 ss:$0x1], $0xffff;
	[tilespmem:$0x1FE00] =	vst v4;
	v4 =	vmul.f32 v1, v7  }
0x1f2: {  	v13 =	vadd.f32 v13, v34;
	v46 =	vld.idx.msk [tilespmem:v0+s15+$0x4060 ss:$0x1], $0xffff;
	v33 =	vbroadcast v40, $0x0;
	v45 =	vbroadcast v40, $0x2  }
0x1f3: {  	v9 =	vbroadcast v40, $0x4;
	v10 =	vadd.f32 v5, v14;
	v14 =	vadd.f32 v44, v28;
	[tilespmem:$0x1FE10] =	vst v4;
	v4 =	vld [tilespmem:$0x1FE90]  }
0x1f4: {  	v42 =	vld.idx.msk [tilespmem:v0+s15+$0x4040 ss:$0x1], $0xffff;
	v16 =	vadd.f32 v16, v27;
	v38 =	vbroadcast v40, $0xD;
	v50 =	vbroadcast v40, $0x9  }
0x1f5: {  	v34 =	vld.idx.msk [tilespmem:v0+s15+$0x40E0 ss:$0x1], $0xffff;
	v43 =	vadd.f32 v39, v13;
	v13 =	vbroadcast v40, $0x8;
	v23 =	vadd.f32 v23, v14  }
0x1f6: {  	v52 =	vld.idx.msk [tilespmem:v0+s15+$0x41C0 ss:$0x1], $0xffff;
	v26 =	vbroadcast v40, $0x6;
	v55 =	vbroadcast v40, $0xA;
	v44 =	vadd.f32 v2, v15  }
0x1f7: {  	v56 =	vld.idx.msk [tilespmem:v0+s15+$0x4070 ss:$0x1], $0xffff;
	v2 =	vbroadcast v40, $0xF;
	v12 =	vadd.f32 v12, v23;
	v23 =	vmul.f32 v46, v45  }
0x1f8: {  	v61 =	vld.idx.msk [tilespmem:v0+s15+$0x4050 ss:$0x1], $0xffff;
	v27 =	vadd.f32 v57, v16;
	v22 =	vadd.f32 v4, v22;
	v4 =	vmul.f32 v21, v13  }
0x1f9: {  	v15 =	vld.idx.msk [tilespmem:v0+s15+$0x40C0 ss:$0x1], $0xffff;
	v53 =	vmul.f32 v1, v38;
	v37 =	vadd.f32 v37, v10;
	v17 =	vadd.f32 v23, v17  }
0x1fa: {  	v28 =	vadd.f32 v30, v12;
	v12 =	vmul.f32 v34, v26;
	[tilespmem:$0x1FE90] =	vst v4;
	v4 =	vmul.f32 v3, v2  }
0x1fb: {  	v54 =	vld.idx.msk [tilespmem:v0+s15+$0x40F0 ss:$0x1], $0xffff;
	v16 =	vmul.f32 v42, v45;
	v5 =	vadd.f32 v11, v37;
	v37 =	vbroadcast v40, $0x3  }
0x1fc: {  	v35 =	vld.idx.msk [tilespmem:v0+s15+$0x4150 ss:$0x1], $0xffff;
	v10 =	vbroadcast v40, $0xE;
	v23 =	vmul.f32 v6, v55;
	v17 =	vadd.f32 v12, v17  }
0x1fd: {  	v41 =	vld.idx.msk [tilespmem:v0+s15+$0x41E0 ss:$0x1], $0xffff;
	v18 =	vadd.f32 v16, v20;
	v20 =	vmul.f32 v56, v37;
	v14 =	vadd.f32 v60, v22  }
0x1fe: {  	v17 =	vadd.f32 v23, v17;
	v23 =	vmul.f32 v15, v26;
	[tilespmem:$0x1FE70] =	vst v4;
	v4 =	vmovc v53;
	v53 =	vbroadcast v40, $0x7  }
0x1ff: {  	v31 =	vld.idx.msk [tilespmem:v0+s15+$0x40D0 ss:$0x1], $0xffff;
	v58 =	vmul.f32 v21, v55;
	v60 =	vmul.f32 v61, v45  }
0x200: {  	v20 =	vadd.f32 v20, v44;
	[tilespmem:$0x1FE40] =	vst v14;
	v16 =	vadd.f32 v23, v18;
	v14 =	vmul.f32 v54, v53  }
0x201: {  	v51 =	vbroadcast v40, $0xB;
	v60 =	vadd.f32 v60, v29;
	[tilespmem:$0x1FE80] =	vst v4;
	v4 =	vmul.f32 v35, v55  }
0x202: {  	v30 =	vmul.f32 v52, v10;
	v29 =	vadd.f32 v14, v20;
	v14 =	vadd.f32 v58, v16  }
0x203: {  	v48 =	vmul.f32 v41, v10;
	[tilespmem:$0x1FE30] =	vst v4;
	v4 =	vmul.f32 v35, v51  }
0x204: {  	v39 =	vbroadcast v40, $0x5;
	v62 =	vmul.f32 v54, v26;
	v20 =	vadd.f32 v30, v14;
	v30 =	vld [tilespmem:$0x1FDF0]  }
0x205: {  	[tilespmem:$0x1FE50] =	vst v4;
	v4 =	vadd.f32 v48, v17;
	v48 =	vmul.f32 v31, v26;
	v26 =	vmul.f32 v46, v37  }
0x206: {  	v19 =	vmul.f32 v35, v13;
	v59 =	vmul.f32 v46, v33;
	v11 =	vld.idx.msk [tilespmem:v0+s15+$0x4170 ss:$0x1], $0xffff  }
0x207: {  	v45 =	vmul.f32 v56, v45;
	v17 =	vmul.f32 v34, v53;
	v36 =	vadd.f32 v26, v36  }
0x208: {  	v43 =	vadd.f32 v59, v43;
	v59 =	vmul.f32 v6, v51;
	[tilespmem:$0x1FE60] =	vst v5;
	v5 =	vmul.f32 v54, v39  }
0x209: {  	v12 =	vmul.f32 v35, v50;
	v17 =	vadd.f32 v17, v36;
	v30 =	vadd.f32 v45, v30  }
0x20a: {  	v22 =	vmul.f32 v52, v7;
	v40 =	vbroadcast v40, $0x1  }
0x20b: {  	v45 =	vadd.f32 v59, v17;
	v17 =	vadd.f32 v62, v30;
	v30 =	vmul.f32 v11, v55  }
0x20c: {  	v35 =	vmul.f32 v46, v40;
	v46 =	vmul.f32 v54, v9;
	v54 =	vadd.f32 v48, v60;
	v60 =	vmovc v22;
	v22 =	vld [tilespmem:$0x1FE00]  }
0x20d: {  	v17 =	vadd.f32 v30, v17  }
0x20e: {  	v47 =	vadd.f32 v8, v47;
	v8 =	vmul.f32 v21, v51;
	v26 =	vmul.f32 v11, v51  }
0x20f: {  	v51 =	vmul.f32 v56, v33;
	v59 =	vmul.f32 v1, v10  }
0x210: {  	v44 =	vmul.f32 v61, v33;
	v18 =	vmul.f32 v61, v37  }
0x211: {  	v14 =	vmul.f32 v61, v40;
	v61 =	vadd.f32 v51, v22;
	v22 =	vadd.f32 v59, v17;
	v17 =	vmovc v4;
	v4 =	vld [tilespmem:$0x1FE30];
	_ =	sdelay $0x1  }
0x212: {  	v32 =	vmul.f32 v31, v9  }
0x213: {  	v57 =	vmul.f32 v41, v38;
	v14 =	vadd.f32 v14, v24;
	v24 =	vmul.f32 v31, v39  }
0x214: {  	v63 =	vmul.f32 v21, v50;
	v58 =	vmul.f32 v42, v40  }
0x215: {  	v14 =	vadd.f32 v24, v14;
	v24 =	vmul.f32 v31, v53;
	v31 =	vadd.f32 v4, v54;
	v4 =	vld [tilespmem:$0x1FE40]  }
0x216: {  	[tilespmem:$0x1FE20] =	vst v8;
	v8 =	vmul.f32 v15, v39;
	v49 =	vadd.f32 v44, v49;
	v25 =	vadd.f32 v58, v25  }
0x217: {  	v21 =	vmul.f32 v6, v50;
	v44 =	vmul.f32 v42, v37;
	v18 =	vadd.f32 v18, v47  }
0x218: {  	v8 =	vadd.f32 v8, v25;
	v25 =	vmul.f32 v42, v33;
	v55 =	vadd.f32 v32, v49  }
0x219: {  	v37 =	vmul.f32 v11, v50;
	v11 =	vmul.f32 v11, v13;
	v62 =	vadd.f32 v46, v61  }
0x21a: {  	p0 =	sne.s32 s0, $0x3800;
	v16 =	vmul.f32 v52, v38;
	v49 =	vadd.f32 v19, v55;
	v33 =	vadd.f32 v25, v4;
	v4 =	vld [tilespmem:$0x1FE50]  }
.Ltmp4:
0x21b: {  	v19 =	vmul.f32 v3, v38;
	v32 =	vadd.f32 v11, v62;
	v11 =	vadd.f32 v12, v14;
	v14 =	vld [tilespmem:$0x1FE10];
	(pc) =	sbr.rel @p0 .LBB2_12-.Ltmp4, $4  }
0x21c: {  	v23 =	vmul.f32 v15, v53;
	v48 =	vmul.f32 v34, v39;
	v8 =	vadd.f32 v63, v8;
	v12 =	vld [tilespmem:$0x1FE20]  }
0x21d: {  	v39 =	vmul.f32 v41, v7;
	v18 =	vadd.f32 v24, v18;
	v24 =	vadd.f32 v19, v11;
	v11 =	vld [tilespmem:$0x1FE80]  }
0x21e: {  	v36 =	vmul.f32 v41, v2;
	v46 =	vmul.f32 v56, v40;
	v25 =	vadd.f32 v16, v8;
	v16 =	vmovc v21;
	v21 =	vld [tilespmem:$0x1FE60]  }
0x21f: {  	s0 =	sadd.s32 $0x800, s0;
	s1 =	sadd.s32 $0x10, s1;
	v30 =	vmul.f32 v52, v2;
	v38 =	vmul.f32 v34, v9;
	v8 =	vld [tilespmem:$0x1FE70];
	v47 =	vadd.f32 v4, v18  }
0x220: {  	v0 =	vmul.f32 v15, v9;
	v50 =	vld [tilespmem:$0x1FE90];
	v52 =	vadd.f32 v35, v27;
	[tilespmem:s10+$0xB640] =	vst v25  }
0x221: {  	v4 =	vmul.f32 v6, v13;
	v54 =	vadd.f32 v14, v32;
	v58 =	vadd.f32 v44, v28;
	[tilespmem:s10+$0xB650] =	vst v24  }
0x222: {  	v59 =	vmul.f32 v3, v10;
	[tilespmem:s10+$0xB840] =	vst v20;
	v62 =	vadd.f32 v36, v45;
	v43 =	vadd.f32 v38, v43  }
0x223: {  	[tilespmem:s10+$0xB860] =	vst v17;
	v0 =	vadd.f32 v0, v33;
	v6 =	vadd.f32 v48, v52  }
0x224: {  	v51 =	vmul.f32 v3, v7;
	[tilespmem:s10+$0xB870] =	vst v22;
	v3 =	vadd.f32 v59, v31;
	v9 =	vadd.f32 v4, v43  }
0x225: {  	[tilespmem:s10+$0xB470] =	vst v54;
	v53 =	vadd.f32 v46, v21;
	v0 =	vadd.f32 v50, v0  }
0x226: {  	[tilespmem:s10+$0xBA60] =	vst v62;
	v4 =	vadd.f32 v51, v49;
	v55 =	vadd.f32 v16, v6  }
0x227: {  	[tilespmem:s10+$0xB850] =	vst v3;
	v7 =	vadd.f32 v5, v53;
	v0 =	vadd.f32 v60, v0  }
0x228: {  	v61 =	vadd.f32 v8, v47;
	v9 =	vadd.f32 v39, v9;
	[tilespmem:s10+$0xB450] =	vst v4  }
0x229: {  	s6 =	sadd.s32 $0x1, s6;
	v56 =	vadd.f32 v37, v7;
	[tilespmem:s10+$0xB440] =	vst v0;
	v0 =	vadd.f32 v23, v58  }
0x22a: {  	v1 =	vmul.f32 v1, v2;
	p0 =	sne.s32 s6, $0x4;
	v5 =	vadd.f32 v57, v55;
	[tilespmem:s10+$0xBA50] =	vst v61;
	v60 =	vadd.f32 v26, v29  }
.Ltmp5:
0x22b: {  	[tilespmem:s10+$0xB460] =	vst v9;
	v4 =	vadd.f32 v11, v56;
	v0 =	vadd.f32 v12, v0;
	(pc) =	sbr.rel @p0 .LBB2_9-.Ltmp5, $4  }
0x22c: {  	[tilespmem:s10+$0xB660] =	vst v5;
	v63 =	vadd.f32 v1, v60  }
0x22d: {  	[tilespmem:s10+$0xB670] =	vst v4;
	v0 =	vadd.f32 v30, v0  }
0x22e: {  	[tilespmem:s10+$0xBA70] =	vst v63  }
0x22f: {  	s7 =	sadd.s32 $0x80, s7;
	s8 =	sadd.s32 $0x1000, s8;
	[tilespmem:s10+$0xBA40] =	vst v0  }
0x230: {  	s0 =	sshll.u32 s21, $0xC;
	s21 =	sadd.s32 $0x1, s21  }
0x231: {  	p0 =	sne.s32 s21, $0x28  }
.Ltmp6:
0x232: {  	_ = 	snop;
	(pc) =	sbr.rel @p0 .LBB2_2-.Ltmp6, $4  }
0x233: {  	s0 =	sadd.s32 s13, s0  }
0x234: {  	s0 =	sshrl.u32 s0, $0x3  }
0x235: {  	s0 =	sadd.s32 s0, s14  }
0x236: {  	[hbm4b:s0+s25] =	stream.strided.scatter [tilespmem:s31], [sflag:$0x6], $0x800, s26, s25, $0x38;
	[tilespmem:$0x1FC00] =	vst v63  }
0x237: {  	s0 =	simm.s32 $0x5  }
0x238: {  	_ =	swait.ge [sflag:s0], $0x800  }
0x239: {  	[sflag:s0] =	ssyncset.done $0x0  }
0x23a: {  	s1 =	simm.s32 $0x6;
	[sflag:s0] =	ssyncadd.s32 $0xFFFFF800  }
0x23b: {  	_ =	swait.ge [sflag:s1], $0x800  }
0x23c: {  	s6 =	rddreg [dreg:$0xa]  }
0x23d: {  	s21 =	rddreg [dreg:$0x8];
	s6 =	sadd.s32 $0x1, s6  }
0x23e: {  	p0 =	sne.s32 s6, s21  }
.Ltmp7:
0x23f: {  	_ = 	snop;
	(pc) =	sbr.rel @p0 .LBB2_1-.Ltmp7, $3  }
0x240: {  	_ =	sdelay $0x1  }
0x241: {  	[sflag:s1] =	ssyncset.done $0x0  }
0x242: {  	[sflag:s1] =	ssyncadd.s32 $0xFFFFF800  }
0x243: {  	_ =	sfence.sel $0x180000  }
0x244: {  	[bflag:$0x0] =	sbarrier.arrive $0xFFFF  }
0x245: {  	_ =	strace $0x90000047  }
0x246: {  	s0 =	stileid.u32;
	[bflag:$0x2] =	sbarrier.arrive $0xFFFF  }
0x247: {  	p0 =	sne.s32 s0, $0x0;
	s0 =	rddreg [dreg:$0x3]  }
0x248: {  	s0 =	sadd.s32 @!p0 $0x100000, s0  }
0x249: {  	[sflag:s0] =	ssyncadd.tile.s32 @!p0 $0x1;
	_ =	shalt  }
.Lfunc_end2:
_tile_overlayer_lowered:
.L_overlay_start_2:
0x24a: {  	(tag) =	ssettag $0x2  }
0x24b: {  	s0 =	rddreg [dreg:$0x0];
	s2 =	stileid.u32  }
0x24c: {  	s1 =	rddreg [dreg:$0x1];
	p0 =	sne.s32 s2, $0x0  }
0x24d: {  	s3 =	rddreg [dreg:$0x2];
	[bflag:$0x3] =	sbarrier.arrive $0xFFFF;
	s2 =	simm.s32 @!p0 $0x1C08  }
0x24e: {  	[timem:s3], [sflag:s2] =	dma.local @!p0 [hbm:s0], s1  }
0x24f: {  	s0 =	simm.s32 @!p0 $0x8  }
0x250: {  	_ =	swait.ge @!p0 [sflag:s0], s1  }
0x251: {  	s1 =	ssub.s32 @!p0 $0x0, s1;
	[sflag:s0] =	ssyncset.done @!p0 $0x0  }
0x252: {  	[sflag:s0] =	ssyncadd.s32 @!p0 s1  }
0x253: {  	[bflag:$0x3] =	sbarrier.arrive $0xFFFF  }
0x254: {  	_ =	shalt  }

</sc_bundles>
